<compile_context>
chip_gen: v7x
topology: tpu7x:2x2x1
jax: 0.10.2.dev20260603
libtpu: 0.0.44.dev20260713+nightly
codegen_flags: <defaults>
</compile_context>

<pallas_src>
import jax
import jax.numpy as jnp
from jax import lax
from jax.experimental import pallas as pl
from jax.experimental.pallas import tpu as pltpu
from jax.experimental.pallas import tpu_sc as plsc

D = 1024
B = 16
S = 4096

_NC = 2
_NS = 16
_W = _NC * _NS
_RPW = S // _W
_UR = 32
_UPB = _RPW // _UR
_ZR = 16
_NBANK = 3
_NUNIT = B * _UPB


def _sc_body(data_hbm, len_hbm, out_hbm,
             len_v16, len_v, off_v, s0, s1, s2, x0, x1, x2, zeros_v,
             i0, i1, i2, o0, o1, o2):
    slots = (s0, s1, s2)
    idxs = (x0, x1, x2)
    sin = (i0, i1, i2)
    sout = (o0, o1, o2)
    cid = lax.axis_index("c")
    sid = lax.axis_index("s")
    wid = sid * _NC + cid
    lane = lax.iota(jnp.int32, 16)

    pltpu.sync_copy(len_hbm, len_v16)
    lv = len_v16[...]
    x = lv
    for k in (1, 2, 4, 8):
        sh = x.at[jnp.clip(lane - k, 0, 15)].get(
            mode="promise_in_bounds")
        x = x + jnp.where(lane >= k, sh, 0)
    off = x - lv
    for b in range(B):
        bidx = jnp.full((16,), b, jnp.int32)
        len_v[pl.ds(b * 16, 16)] = lv.at[bidx].get(
            mode="promise_in_bounds")
        off_v[pl.ds(b * 16, 16)] = off.at[bidx].get(
            mode="promise_in_bounds")

    def unit_info(u):
        b = u // _UPB
        kk = u % _UPB
        len_b = len_v[pl.ds(b * 16, 16)][0]
        off_b = off_v[pl.ds(b * 16, 16)][0]
        pos = wid * _UR + kk * (_UR * _W)
        valid = jnp.clip(len_b - pos, 0, _UR)
        src = off_b + pos
        dst = b * S + pos
        return valid, src, dst

    def issue_in(u, sl):
        valid, src, dst = unit_info(u)

        @pl.when(valid > 0)
        def _():
            for c in range(_UR // 16):
                p = c * 16 + lane
                idxs[sl][pl.ds(c * 16, 16)] = jnp.where(
                    p < valid, src + p, 0)
            pltpu.async_copy(
                data_hbm.at[idxs[sl]], slots[sl], sin[sl])

    def consume(u, sl):
        valid, src, dst = unit_info(u)
        zero = valid == 0
        part = jnp.logical_and(valid > 0, valid < _UR)

        @pl.when(valid > 0)
        def _():
            pltpu.make_async_copy(
                data_hbm.at[idxs[sl]], slots[sl], sin[sl]).wait()

        @pl.when(part)
        def _():
            def _zt(r, _):
                def _zc(c, _):
                    slots[sl][r, pl.ds(c * 16, 16)] = jnp.zeros(
                        (16,), jnp.float32)
                    return 0
                return lax.fori_loop(0, D // 16, _zc, 0)
            lax.fori_loop(valid, _UR, _zt, 0)

        @pl.when(zero)
        def _():
            for h in range(_UR // _ZR):
                pltpu.async_copy(
                    zeros_v,
                    out_hbm.at[pl.ds(pl.multiple_of(dst + h * _ZR, 8),
                                     _ZR), :],
                    sout[sl])

        @pl.when(jnp.logical_not(zero))
        def _():
            pltpu.async_copy(
                slots[sl],
                out_hbm.at[pl.ds(pl.multiple_of(dst, 8), _UR), :], sout[sl])

    def wait_out(u, sl):
        valid, src, dst = unit_info(u)

        @pl.when(valid == 0)
        def _():
            for h in range(_UR // _ZR):
                pltpu.make_async_copy(
                    zeros_v, out_hbm.at[pl.ds(0, _ZR), :], sout[sl]).wait()

        @pl.when(valid > 0)
        def _():
            pltpu.make_async_copy(
                slots[sl], out_hbm.at[pl.ds(0, _UR), :], sout[sl]).wait()

    issue_in(0, 0)
    issue_in(1, 1)

    def _z(r, _):
        def _zc(c, _):
            zeros_v[r, pl.ds(c * 16, 16)] = jnp.zeros((16,), jnp.float32)
            return 0
        return lax.fori_loop(0, D // 16, _zc, 0)
    lax.fori_loop(0, _ZR, _z, 0)


    def _triple(q, _):
        for p in range(_NBANK):
            u = _NBANK * q + p
            consume(u, p)
            rb = (p + _NBANK - 1) % _NBANK

            @pl.when(u >= 1)
            def _(u=u, rb=rb):
                wait_out(u - 1, rb)

            @pl.when(u + 2 <= _NUNIT - 1)
            def _(u=u, rb=rb):
                issue_in(u + 2, rb)
        return 0

    lax.fori_loop(0, (_NUNIT - 1) // _NBANK, _triple, 0)

    consume(_NUNIT - 1, 0)
    wait_out(_NUNIT - 2, 2)
    wait_out(_NUNIT - 1, 0)


def _mask_body(len_ref, out_ref):
    out_ref[...] = (
        lax.broadcasted_iota(jnp.int32, (B, S), 1) < len_ref[...]
    )


def kernel(data, lengths):
    mesh = plsc.VectorSubcoreMesh(core_axis_name="c", subcore_axis_name="s")
    scatter = pl.kernel(
        _sc_body,
        mesh=mesh,
        out_type=jax.ShapeDtypeStruct((B * S, D), jnp.float32),
        scratch_types=[
            pltpu.VMEM((16,), jnp.int32),
            pltpu.VMEM((B * 16,), jnp.int32),
            pltpu.VMEM((B * 16,), jnp.int32),
            pltpu.VMEM((_UR, D), jnp.float32),
            pltpu.VMEM((_UR, D), jnp.float32),
            pltpu.VMEM((_UR, D), jnp.float32),
            pltpu.VMEM((_UR,), jnp.int32),
            pltpu.VMEM((_UR,), jnp.int32),
            pltpu.VMEM((_UR,), jnp.int32),
            pltpu.VMEM((_ZR, D), jnp.float32),
        ] + [pltpu.SemaphoreType.DMA] * 6,
    )
    padded_flat = scatter(data, lengths)

    mask = pl.pallas_call(
        _mask_body,
        out_shape=jax.ShapeDtypeStruct((B, S), jnp.bool_),
    )(lengths.reshape(B, 1))

    return padded_flat.reshape(B, S, D), mask

# --- scband reference (transcript-rebuilt; emitter-appended) ---
"""Pipeline reference for scband-torch-encoder-72799695667400 (READ-ONLY COPY).

The authoritative reference and input builder live on the scoring server;
editing this copy changes nothing except your own understanding.
"""

import jax, jax.numpy as jnp
import numpy as np

D = 1024
B = 16
MAX_SEQLEN = 4096

def setup_inputs(seed: int = 0) -> dict:
    key = jax.random.key(seed)
    rng = np.random.default_rng(0)
    lengths = rng.integers(512, MAX_SEQLEN + 1, size=B)
    lengths[-1] = MAX_SEQLEN  # ensure max length equals MAX_SEQLEN for a fixed padded shape
    total = int(lengths.sum())
    data = jax.random.normal(key, (total, D), dtype=jnp.float32)
    return {"data": data, "lengths": jnp.asarray(lengths, dtype=jnp.int32)}

def reference(data, lengths):
    # Faithful port of TorchEncoder._create_masked_tensor:
    # scatter flat ragged tokens into a zero-padded [B, max_len, D] tensor and
    # return the boolean validity mask.
    batch_size = lengths.shape[0]
    max_sequence_length = MAX_SEQLEN
    total = data.shape[0]
    offsets = jnp.concatenate([jnp.zeros((1,), dtype=lengths.dtype), jnp.cumsum(lengths)])[:-1]
    batch_ids = jnp.repeat(jnp.arange(batch_size, dtype=jnp.int32), lengths, total_repeat_length=total)
    pos_in_row = jnp.arange(total, dtype=jnp.int32) - offsets[batch_ids].astype(jnp.int32)
    flat_idx = batch_ids * max_sequence_length + pos_in_row
    padded = jnp.zeros((batch_size * max_sequence_length, data.shape[-1]), dtype=jnp.float32)
    padded = padded.at[flat_idx].set(data)
    padded = padded.reshape(batch_size, max_sequence_length, data.shape[-1])
    mask = jnp.arange(max_sequence_length)[None, :] < lengths[:, None]
    return padded, mask

if __name__ == "__main__":
    import jax
    _d = setup_inputs()
    print(jax.jit(kernel)(*tuple(_d.values())))

</pallas_src>

<mosaic_0001>
#map = affine_map<(d0, d1) -> (0, 0)>
#map1 = affine_map<(d0, d1) -> (0)>
module attributes {stable_mosaic.version = 14 : i64} {
  func.func @_sc_body(%arg0: i32, %arg1: i32, %arg2: memref<38086x1024xf32, #tpu.memory_space<hbm>>, %arg3: memref<16xi32, #tpu.memory_space<hbm>>, %arg4: memref<65536x1024xf32, #tpu.memory_space<hbm>>, %arg5: memref<16xi32, #tpu.memory_space<vmem>>, %arg6: memref<256xi32, #tpu.memory_space<vmem>>, %arg7: memref<256xi32, #tpu.memory_space<vmem>>, %arg8: memref<32x1024xf32, #tpu.memory_space<vmem>>, %arg9: memref<32x1024xf32, #tpu.memory_space<vmem>>, %arg10: memref<32x1024xf32, #tpu.memory_space<vmem>>, %arg11: memref<32xi32, #tpu.memory_space<vmem>>, %arg12: memref<32xi32, #tpu.memory_space<vmem>>, %arg13: memref<32xi32, #tpu.memory_space<vmem>>, %arg14: memref<16x1024xf32, #tpu.memory_space<vmem>>, %arg15: memref<!tpu.dma_semaphore, #tpu.memory_space<semaphore_mem>>, %arg16: memref<!tpu.dma_semaphore, #tpu.memory_space<semaphore_mem>>, %arg17: memref<!tpu.dma_semaphore, #tpu.memory_space<semaphore_mem>>, %arg18: memref<!tpu.dma_semaphore, #tpu.memory_space<semaphore_mem>>, %arg19: memref<!tpu.dma_semaphore, #tpu.memory_space<semaphore_mem>>, %arg20: memref<!tpu.dma_semaphore, #tpu.memory_space<semaphore_mem>>) attributes {dimension_semantics = [#tpu.dimension_semantics<core_parallel>, #tpu.dimension_semantics<subcore_parallel>], iteration_bounds = array<i64: 2, 16>, scalar_prefetch = 0 : i64, scratch_operands = 16 : i64, tpu.core_type = #tpu.core_type<sc_vector_subcore>, window_params = [{transform_indices = #map}, {transform_indices = #map1}, {transform_indices = #map}]} {
    %mul3A = arith.constant 2 : i32
    %mul3A_0 = arith.muli %arg1, %mul3A : i32
    %add3A = arith.addi %mul3A_0, %arg0 : i32
    %iota3A = tpu.iota {dimensions = array<i32: 0>} : vector<16xi32>
    "tpu.region"() ({
      %run_scoped3A = tpu.sem_alloc : memref<!tpu.dma_semaphore, #tpu.memory_space<semaphore_mem>>
      tpu.enqueue_dma source(%arg3 : memref<16xi32, #tpu.memory_space<hbm>>) target(%arg5 : memref<16xi32, #tpu.memory_space<vmem>>) target_semaphore(%run_scoped3A : memref<!tpu.dma_semaphore, #tpu.memory_space<semaphore_mem>>)
      tpu.wait_dma2 semaphore(%run_scoped3A : memref<!tpu.dma_semaphore, #tpu.memory_space<semaphore_mem>>) src(%arg3 : memref<16xi32, #tpu.memory_space<hbm>>) dst(%arg5 : memref<16xi32, #tpu.memory_space<vmem>>)
      tpu.yield
    }) : () -> ()
    %get3A = arith.constant 0 : index
    %get3A_1 = tpu.vector_load %arg5[%get3A] {strides = array<i32>} : memref<16xi32, #tpu.memory_space<vmem>>, vector<16xi32>,
    %get3A_2 = vector.shape_cast %get3A_1 : vector<16xi32> to vector<16xi32>
    %sub3A = arith.constant 1 : i32
    %sub3A_3 = vector.broadcast %sub3A : i32 to vector<16xi32>
    %sub3A_4 = arith.subi %iota3A, %sub3A_3 : vector<16xi32>
    %jit3A = arith.constant 0 : i32
    %jit3A_5 = arith.constant 15 : i32
    %max3A = vector.broadcast %jit3A : i32 to vector<16xi32>
    %max3A_6 = arith.maxsi %max3A, %sub3A_4 : vector<16xi32>
    %min3A = vector.broadcast %jit3A_5 : i32 to vector<16xi32>
    %min3A_7 = arith.minsi %min3A, %max3A_6 : vector<16xi32>
    %lt3A = arith.constant 0 : i32
    %lt3A_8 = vector.broadcast %lt3A : i32 to vector<16xi32>
    %lt3A_9 = arith.cmpi slt, %min3A_7, %lt3A_8 : vector<16xi32>
    %add3A_10 = arith.constant 16 : i32
    %add3A_11 = vector.broadcast %add3A_10 : i32 to vector<16xi32>
    %add3A_12 = arith.addi %min3A_7, %add3A_11 : vector<16xi32>
    %select_n3A = arith.select %lt3A_9, %add3A_12, %min3A_7 : vector<16xi1>, vector<16xi32>
    %broadcast_in_dim3A = vector.shape_cast %select_n3A : vector<16xi32> to vector<16x1xi32>
    %gather3A = vector.shape_cast %broadcast_in_dim3A : vector<16x1xi32> to vector<16xi32>
    %gather3A_13 = tpu.dynamic_gather %get3A_2[%gather3A] in [0] : vector<16xi32>, vector<16xi32> -> vector<16xi32>
    %ge3A = arith.constant 1 : i32
    %ge3A_14 = vector.broadcast %ge3A : i32 to vector<16xi32>
    %ge3A_15 = arith.cmpi sge, %iota3A, %ge3A_14 : vector<16xi32>
    %jit3A_16 = arith.constant 0 : i32
    %broadcast_in_dim3A_17 = vector.broadcast %jit3A_16 : i32 to vector<16xi32>
    %select_n3A_18 = arith.select %ge3A_15, %gather3A_13, %broadcast_in_dim3A_17 : vector<16xi1>, vector<16xi32>
    %add3A_19 = arith.addi %get3A_2, %select_n3A_18 : vector<16xi32>
    %sub3A_20 = arith.constant 2 : i32
    %sub3A_21 = vector.broadcast %sub3A_20 : i32 to vector<16xi32>
    %sub3A_22 = arith.subi %iota3A, %sub3A_21 : vector<16xi32>
    %jit3A_23 = arith.constant 0 : i32
    %jit3A_24 = arith.constant 15 : i32
    %max3A_25 = vector.broadcast %jit3A_23 : i32 to vector<16xi32>
    %max3A_26 = arith.maxsi %max3A_25, %sub3A_22 : vector<16xi32>
    %min3A_27 = vector.broadcast %jit3A_24 : i32 to vector<16xi32>
    %min3A_28 = arith.minsi %min3A_27, %max3A_26 : vector<16xi32>
    %lt3A_29 = arith.constant 0 : i32
    %lt3A_30 = vector.broadcast %lt3A_29 : i32 to vector<16xi32>
    %lt3A_31 = arith.cmpi slt, %min3A_28, %lt3A_30 : vector<16xi32>
    %add3A_32 = arith.constant 16 : i32
    %add3A_33 = vector.broadcast %add3A_32 : i32 to vector<16xi32>
    %add3A_34 = arith.addi %min3A_28, %add3A_33 : vector<16xi32>
    %select_n3A_35 = arith.select %lt3A_31, %add3A_34, %min3A_28 : vector<16xi1>, vector<16xi32>
    %broadcast_in_dim3A_36 = vector.shape_cast %select_n3A_35 : vector<16xi32> to vector<16x1xi32>
    %gather3A_37 = vector.shape_cast %broadcast_in_dim3A_36 : vector<16x1xi32> to vector<16xi32>
    %gather3A_38 = tpu.dynamic_gather %add3A_19[%gather3A_37] in [0] : vector<16xi32>, vector<16xi32> -> vector<16xi32>
    %ge3A_39 = arith.constant 2 : i32
    %ge3A_40 = vector.broadcast %ge3A_39 : i32 to vector<16xi32>
    %ge3A_41 = arith.cmpi sge, %iota3A, %ge3A_40 : vector<16xi32>
    %jit3A_42 = arith.constant 0 : i32
    %broadcast_in_dim3A_43 = vector.broadcast %jit3A_42 : i32 to vector<16xi32>
    %select_n3A_44 = arith.select %ge3A_41, %gather3A_38, %broadcast_in_dim3A_43 : vector<16xi1>, vector<16xi32>
    %add3A_45 = arith.addi %add3A_19, %select_n3A_44 : vector<16xi32>
    %sub3A_46 = arith.constant 4 : i32
    %sub3A_47 = vector.broadcast %sub3A_46 : i32 to vector<16xi32>
    %sub3A_48 = arith.subi %iota3A, %sub3A_47 : vector<16xi32>
    %jit3A_49 = arith.constant 0 : i32
    %jit3A_50 = arith.constant 15 : i32
    %max3A_51 = vector.broadcast %jit3A_49 : i32 to vector<16xi32>
    %max3A_52 = arith.maxsi %max3A_51, %sub3A_48 : vector<16xi32>
    %min3A_53 = vector.broadcast %jit3A_50 : i32 to vector<16xi32>
    %min3A_54 = arith.minsi %min3A_53, %max3A_52 : vector<16xi32>
    %lt3A_55 = arith.constant 0 : i32
    %lt3A_56 = vector.broadcast %lt3A_55 : i32 to vector<16xi32>
    %lt3A_57 = arith.cmpi slt, %min3A_54, %lt3A_56 : vector<16xi32>
    %add3A_58 = arith.constant 16 : i32
    %add3A_59 = vector.broadcast %add3A_58 : i32 to vector<16xi32>
    %add3A_60 = arith.addi %min3A_54, %add3A_59 : vector<16xi32>
    %select_n3A_61 = arith.select %lt3A_57, %add3A_60, %min3A_54 : vector<16xi1>, vector<16xi32>
    %broadcast_in_dim3A_62 = vector.shape_cast %select_n3A_61 : vector<16xi32> to vector<16x1xi32>
    %gather3A_63 = vector.shape_cast %broadcast_in_dim3A_62 : vector<16x1xi32> to vector<16xi32>
    %gather3A_64 = tpu.dynamic_gather %add3A_45[%gather3A_63] in [0] : vector<16xi32>, vector<16xi32> -> vector<16xi32>
    %ge3A_65 = arith.constant 4 : i32
    %ge3A_66 = vector.broadcast %ge3A_65 : i32 to vector<16xi32>
    %ge3A_67 = arith.cmpi sge, %iota3A, %ge3A_66 : vector<16xi32>
    %jit3A_68 = arith.constant 0 : i32
    %broadcast_in_dim3A_69 = vector.broadcast %jit3A_68 : i32 to vector<16xi32>
    %select_n3A_70 = arith.select %ge3A_67, %gather3A_64, %broadcast_in_dim3A_69 : vector<16xi1>, vector<16xi32>
    %add3A_71 = arith.addi %add3A_45, %select_n3A_70 : vector<16xi32>
    %sub3A_72 = arith.constant 8 : i32
    %sub3A_73 = vector.broadcast %sub3A_72 : i32 to vector<16xi32>
    %sub3A_74 = arith.subi %iota3A, %sub3A_73 : vector<16xi32>
    %jit3A_75 = arith.constant 0 : i32
    %jit3A_76 = arith.constant 15 : i32
    %max3A_77 = vector.broadcast %jit3A_75 : i32 to vector<16xi32>
    %max3A_78 = arith.maxsi %max3A_77, %sub3A_74 : vector<16xi32>
    %min3A_79 = vector.broadcast %jit3A_76 : i32 to vector<16xi32>
    %min3A_80 = arith.minsi %min3A_79, %max3A_78 : vector<16xi32>
    %lt3A_81 = arith.constant 0 : i32
    %lt3A_82 = vector.broadcast %lt3A_81 : i32 to vector<16xi32>
    %lt3A_83 = arith.cmpi slt, %min3A_80, %lt3A_82 : vector<16xi32>
    %add3A_84 = arith.constant 16 : i32
    %add3A_85 = vector.broadcast %add3A_84 : i32 to vector<16xi32>
    %add3A_86 = arith.addi %min3A_80, %add3A_85 : vector<16xi32>
    %select_n3A_87 = arith.select %lt3A_83, %add3A_86, %min3A_80 : vector<16xi1>, vector<16xi32>
    %broadcast_in_dim3A_88 = vector.shape_cast %select_n3A_87 : vector<16xi32> to vector<16x1xi32>
    %gather3A_89 = vector.shape_cast %broadcast_in_dim3A_88 : vector<16x1xi32> to vector<16xi32>
    %gather3A_90 = tpu.dynamic_gather %add3A_71[%gather3A_89] in [0] : vector<16xi32>, vector<16xi32> -> vector<16xi32>
    %ge3A_91 = arith.constant 8 : i32
    %ge3A_92 = vector.broadcast %ge3A_91 : i32 to vector<16xi32>
    %ge3A_93 = arith.cmpi sge, %iota3A, %ge3A_92 : vector<16xi32>
    %jit3A_94 = arith.constant 0 : i32
    %broadcast_in_dim3A_95 = vector.broadcast %jit3A_94 : i32 to vector<16xi32>
    %select_n3A_96 = arith.select %ge3A_93, %gather3A_90, %broadcast_in_dim3A_95 : vector<16xi1>, vector<16xi32>
    %add3A_97 = arith.addi %add3A_71, %select_n3A_96 : vector<16xi32>
    %sub3A_98 = arith.subi %add3A_97, %get3A_2 : vector<16xi32>
    %broadcast_in_dim3A_99 = arith.constant 0 : i32
    %broadcast_in_dim3A_100 = vector.broadcast %broadcast_in_dim3A_99 : i32 to vector<16xi32>
    %lt3A_101 = arith.constant 0 : i32
    %lt3A_102 = vector.broadcast %lt3A_101 : i32 to vector<16xi32>
    %lt3A_103 = arith.cmpi slt, %broadcast_in_dim3A_100, %lt3A_102 : vector<16xi32>
    %add3A_104 = arith.constant 16 : i32
    %add3A_105 = vector.broadcast %add3A_104 : i32 to vector<16xi32>
    %add3A_106 = arith.addi %broadcast_in_dim3A_100, %add3A_105 : vector<16xi32>
    %select_n3A_107 = arith.select %lt3A_103, %add3A_106, %broadcast_in_dim3A_100 : vector<16xi1>, vector<16xi32>
    %broadcast_in_dim3A_108 = vector.shape_cast %select_n3A_107 : vector<16xi32> to vector<16x1xi32>
    %gather3A_109 = vector.shape_cast %broadcast_in_dim3A_108 : vector<16x1xi32> to vector<16xi32>
    %gather3A_110 = tpu.dynamic_gather %get3A_2[%gather3A_109] in [0] : vector<16xi32>, vector<16xi32> -> vector<16xi32>
    %swap3A = arith.constant 0 : index
    %swap3A_111 = tpu.vector_load %arg6[%swap3A] {strides = array<i32>} : memref<256xi32, #tpu.memory_space<vmem>>, vector<16xi32>,
    %swap3A_112 = vector.shape_cast %swap3A_111 : vector<16xi32> to vector<16xi32>
    %swap3A_113 = vector.shape_cast %gather3A_110 : vector<16xi32> to vector<16xi32>
    tpu.vector_store %arg6[%swap3A], %swap3A_113 {strides = array<i32>} : memref<256xi32, #tpu.memory_space<vmem>>, vector<16xi32>,
    %lt3A_114 = arith.constant 0 : i32
    %lt3A_115 = vector.broadcast %lt3A_114 : i32 to vector<16xi32>
    %lt3A_116 = arith.cmpi slt, %broadcast_in_dim3A_100, %lt3A_115 : vector<16xi32>
    %add3A_117 = arith.constant 16 : i32
    %add3A_118 = vector.broadcast %add3A_117 : i32 to vector<16xi32>
    %add3A_119 = arith.addi %broadcast_in_dim3A_100, %add3A_118 : vector<16xi32>
    %select_n3A_120 = arith.select %lt3A_116, %add3A_119, %broadcast_in_dim3A_100 : vector<16xi1>, vector<16xi32>
    %broadcast_in_dim3A_121 = vector.shape_cast %select_n3A_120 : vector<16xi32> to vector<16x1xi32>
    %gather3A_122 = vector.shape_cast %broadcast_in_dim3A_121 : vector<16x1xi32> to vector<16xi32>
    %gather3A_123 = tpu.dynamic_gather %sub3A_98[%gather3A_122] in [0] : vector<16xi32>, vector<16xi32> -> vector<16xi32>
    %swap3A_124 = arith.constant 0 : index
    %swap3A_125 = tpu.vector_load %arg7[%swap3A_124] {strides = array<i32>} : memref<256xi32, #tpu.memory_space<vmem>>, vector<16xi32>,
    %swap3A_126 = vector.shape_cast %swap3A_125 : vector<16xi32> to vector<16xi32>
    %swap3A_127 = vector.shape_cast %gather3A_123 : vector<16xi32> to vector<16xi32>
    tpu.vector_store %arg7[%swap3A_124], %swap3A_127 {strides = array<i32>} : memref<256xi32, #tpu.memory_space<vmem>>, vector<16xi32>,
    %broadcast_in_dim3A_128 = arith.constant 1 : i32
    %broadcast_in_dim3A_129 = vector.broadcast %broadcast_in_dim3A_128 : i32 to vector<16xi32>
    %lt3A_130 = arith.constant 0 : i32
    %lt3A_131 = vector.broadcast %lt3A_130 : i32 to vector<16xi32>
    %lt3A_132 = arith.cmpi slt, %broadcast_in_dim3A_129, %lt3A_131 : vector<16xi32>
    %add3A_133 = arith.constant 16 : i32
    %add3A_134 = vector.broadcast %add3A_133 : i32 to vector<16xi32>
    %add3A_135 = arith.addi %broadcast_in_dim3A_129, %add3A_134 : vector<16xi32>
    %select_n3A_136 = arith.select %lt3A_132, %add3A_135, %broadcast_in_dim3A_129 : vector<16xi1>, vector<16xi32>
    %broadcast_in_dim3A_137 = vector.shape_cast %select_n3A_136 : vector<16xi32> to vector<16x1xi32>
    %gather3A_138 = vector.shape_cast %broadcast_in_dim3A_137 : vector<16x1xi32> to vector<16xi32>
    %gather3A_139 = tpu.dynamic_gather %get3A_2[%gather3A_138] in [0] : vector<16xi32>, vector<16xi32> -> vector<16xi32>
    %swap3A_140 = arith.constant 16 : index
    %swap3A_141 = tpu.vector_load %arg6[%swap3A_140] {strides = array<i32>} : memref<256xi32, #tpu.memory_space<vmem>>, vector<16xi32>,
    %swap3A_142 = vector.shape_cast %swap3A_141 : vector<16xi32> to vector<16xi32>
    %swap3A_143 = vector.shape_cast %gather3A_139 : vector<16xi32> to vector<16xi32>
    tpu.vector_store %arg6[%swap3A_140], %swap3A_143 {strides = array<i32>} : memref<256xi32, #tpu.memory_space<vmem>>, vector<16xi32>,
    %lt3A_144 = arith.constant 0 : i32
    %lt3A_145 = vector.broadcast %lt3A_144 : i32 to vector<16xi32>
    %lt3A_146 = arith.cmpi slt, %broadcast_in_dim3A_129, %lt3A_145 : vector<16xi32>
    %add3A_147 = arith.constant 16 : i32
    %add3A_148 = vector.broadcast %add3A_147 : i32 to vector<16xi32>
    %add3A_149 = arith.addi %broadcast_in_dim3A_129, %add3A_148 : vector<16xi32>
    %select_n3A_150 = arith.select %lt3A_146, %add3A_149, %broadcast_in_dim3A_129 : vector<16xi1>, vector<16xi32>
    %broadcast_in_dim3A_151 = vector.shape_cast %select_n3A_150 : vector<16xi32> to vector<16x1xi32>
    %gather3A_152 = vector.shape_cast %broadcast_in_dim3A_151 : vector<16x1xi32> to vector<16xi32>
    %gather3A_153 = tpu.dynamic_gather %sub3A_98[%gather3A_152] in [0] : vector<16xi32>, vector<16xi32> -> vector<16xi32>
    %swap3A_154 = arith.constant 16 : index
    %swap3A_155 = tpu.vector_load %arg7[%swap3A_154] {strides = array<i32>} : memref<256xi32, #tpu.memory_space<vmem>>, vector<16xi32>,
    %swap3A_156 = vector.shape_cast %swap3A_155 : vector<16xi32> to vector<16xi32>
    %swap3A_157 = vector.shape_cast %gather3A_153 : vector<16xi32> to vector<16xi32>
    tpu.vector_store %arg7[%swap3A_154], %swap3A_157 {strides = array<i32>} : memref<256xi32, #tpu.memory_space<vmem>>, vector<16xi32>,
    %broadcast_in_dim3A_158 = arith.constant 2 : i32
    %broadcast_in_dim3A_159 = vector.broadcast %broadcast_in_dim3A_158 : i32 to vector<16xi32>
    %lt3A_160 = arith.constant 0 : i32
    %lt3A_161 = vector.broadcast %lt3A_160 : i32 to vector<16xi32>
    %lt3A_162 = arith.cmpi slt, %broadcast_in_dim3A_159, %lt3A_161 : vector<16xi32>
    %add3A_163 = arith.constant 16 : i32
    %add3A_164 = vector.broadcast %add3A_163 : i32 to vector<16xi32>
    %add3A_165 = arith.addi %broadcast_in_dim3A_159, %add3A_164 : vector<16xi32>
    %select_n3A_166 = arith.select %lt3A_162, %add3A_165, %broadcast_in_dim3A_159 : vector<16xi1>, vector<16xi32>
    %broadcast_in_dim3A_167 = vector.shape_cast %select_n3A_166 : vector<16xi32> to vector<16x1xi32>
    %gather3A_168 = vector.shape_cast %broadcast_in_dim3A_167 : vector<16x1xi32> to vector<16xi32>
    %gather3A_169 = tpu.dynamic_gather %get3A_2[%gather3A_168] in [0] : vector<16xi32>, vector<16xi32> -> vector<16xi32>
    %swap3A_170 = arith.constant 32 : index
    %swap3A_171 = tpu.vector_load %arg6[%swap3A_170] {strides = array<i32>} : memref<256xi32, #tpu.memory_space<vmem>>, vector<16xi32>,
    %swap3A_172 = vector.shape_cast %swap3A_171 : vector<16xi32> to vector<16xi32>
    %swap3A_173 = vector.shape_cast %gather3A_169 : vector<16xi32> to vector<16xi32>
    tpu.vector_store %arg6[%swap3A_170], %swap3A_173 {strides = array<i32>} : memref<256xi32, #tpu.memory_space<vmem>>, vector<16xi32>,
    %lt3A_174 = arith.constant 0 : i32
    %lt3A_175 = vector.broadcast %lt3A_174 : i32 to vector<16xi32>
    %lt3A_176 = arith.cmpi slt, %broadcast_in_dim3A_159, %lt3A_175 : vector<16xi32>
    %add3A_177 = arith.constant 16 : i32
    %add3A_178 = vector.broadcast %add3A_177 : i32 to vector<16xi32>
    %add3A_179 = arith.addi %broadcast_in_dim3A_159, %add3A_178 : vector<16xi32>
    %select_n3A_180 = arith.select %lt3A_176, %add3A_179, %broadcast_in_dim3A_159 : vector<16xi1>, vector<16xi32>
    %broadcast_in_dim3A_181 = vector.shape_cast %select_n3A_180 : vector<16xi32> to vector<16x1xi32>
    %gather3A_182 = vector.shape_cast %broadcast_in_dim3A_181 : vector<16x1xi32> to vector<16xi32>
    %gather3A_183 = tpu.dynamic_gather %sub3A_98[%gather3A_182] in [0] : vector<16xi32>, vector<16xi32> -> vector<16xi32>
    %swap3A_184 = arith.constant 32 : index
    %swap3A_185 = tpu.vector_load %arg7[%swap3A_184] {strides = array<i32>} : memref<256xi32, #tpu.memory_space<vmem>>, vector<16xi32>,
    %swap3A_186 = vector.shape_cast %swap3A_185 : vector<16xi32> to vector<16xi32>
    %swap3A_187 = vector.shape_cast %gather3A_183 : vector<16xi32> to vector<16xi32>
    tpu.vector_store %arg7[%swap3A_184], %swap3A_187 {strides = array<i32>} : memref<256xi32, #tpu.memory_space<vmem>>, vector<16xi32>,
    %broadcast_in_dim3A_188 = arith.constant 3 : i32
    %broadcast_in_dim3A_189 = vector.broadcast %broadcast_in_dim3A_188 : i32 to vector<16xi32>
    %lt3A_190 = arith.constant 0 : i32
    %lt3A_191 = vector.broadcast %lt3A_190 : i32 to vector<16xi32>
    %lt3A_192 = arith.cmpi slt, %broadcast_in_dim3A_189, %lt3A_191 : vector<16xi32>
    %add3A_193 = arith.constant 16 : i32
    %add3A_194 = vector.broadcast %add3A_193 : i32 to vector<16xi32>
    %add3A_195 = arith.addi %broadcast_in_dim3A_189, %add3A_194 : vector<16xi32>
    %select_n3A_196 = arith.select %lt3A_192, %add3A_195, %broadcast_in_dim3A_189 : vector<16xi1>, vector<16xi32>
    %broadcast_in_dim3A_197 = vector.shape_cast %select_n3A_196 : vector<16xi32> to vector<16x1xi32>
    %gather3A_198 = vector.shape_cast %broadcast_in_dim3A_197 : vector<16x1xi32> to vector<16xi32>
    %gather3A_199 = tpu.dynamic_gather %get3A_2[%gather3A_198] in [0] : vector<16xi32>, vector<16xi32> -> vector<16xi32>
    %swap3A_200 = arith.constant 48 : index
    %swap3A_201 = tpu.vector_load %arg6[%swap3A_200] {strides = array<i32>} : memref<256xi32, #tpu.memory_space<vmem>>, vector<16xi32>,
    %swap3A_202 = vector.shape_cast %swap3A_201 : vector<16xi32> to vector<16xi32>
    %swap3A_203 = vector.shape_cast %gather3A_199 : vector<16xi32> to vector<16xi32>
    tpu.vector_store %arg6[%swap3A_200], %swap3A_203 {strides = array<i32>} : memref<256xi32, #tpu.memory_space<vmem>>, vector<16xi32>,
    %lt3A_204 = arith.constant 0 : i32
    %lt3A_205 = vector.broadcast %lt3A_204 : i32 to vector<16xi32>
    %lt3A_206 = arith.cmpi slt, %broadcast_in_dim3A_189, %lt3A_205 : vector<16xi32>
    %add3A_207 = arith.constant 16 : i32
    %add3A_208 = vector.broadcast %add3A_207 : i32 to vector<16xi32>
    %add3A_209 = arith.addi %broadcast_in_dim3A_189, %add3A_208 : vector<16xi32>
    %select_n3A_210 = arith.select %lt3A_206, %add3A_209, %broadcast_in_dim3A_189 : vector<16xi1>, vector<16xi32>
    %broadcast_in_dim3A_211 = vector.shape_cast %select_n3A_210 : vector<16xi32> to vector<16x1xi32>
    %gather3A_212 = vector.shape_cast %broadcast_in_dim3A_211 : vector<16x1xi32> to vector<16xi32>
    %gather3A_213 = tpu.dynamic_gather %sub3A_98[%gather3A_212] in [0] : vector<16xi32>, vector<16xi32> -> vector<16xi32>
    %swap3A_214 = arith.constant 48 : index
    %swap3A_215 = tpu.vector_load %arg7[%swap3A_214] {strides = array<i32>} : memref<256xi32, #tpu.memory_space<vmem>>, vector<16xi32>,
    %swap3A_216 = vector.shape_cast %swap3A_215 : vector<16xi32> to vector<16xi32>
    %swap3A_217 = vector.shape_cast %gather3A_213 : vector<16xi32> to vector<16xi32>
    tpu.vector_store %arg7[%swap3A_214], %swap3A_217 {strides = array<i32>} : memref<256xi32, #tpu.memory_space<vmem>>, vector<16xi32>,
    %broadcast_in_dim3A_218 = arith.constant 4 : i32
    %broadcast_in_dim3A_219 = vector.broadcast %broadcast_in_dim3A_218 : i32 to vector<16xi32>
    %lt3A_220 = arith.constant 0 : i32
    %lt3A_221 = vector.broadcast %lt3A_220 : i32 to vector<16xi32>
    %lt3A_222 = arith.cmpi slt, %broadcast_in_dim3A_219, %lt3A_221 : vector<16xi32>
    %add3A_223 = arith.constant 16 : i32
    %add3A_224 = vector.broadcast %add3A_223 : i32 to vector<16xi32>
    %add3A_225 = arith.addi %broadcast_in_dim3A_219, %add3A_224 : vector<16xi32>
    %select_n3A_226 = arith.select %lt3A_222, %add3A_225, %broadcast_in_dim3A_219 : vector<16xi1>, vector<16xi32>
    %broadcast_in_dim3A_227 = vector.shape_cast %select_n3A_226 : vector<16xi32> to vector<16x1xi32>
    %gather3A_228 = vector.shape_cast %broadcast_in_dim3A_227 : vector<16x1xi32> to vector<16xi32>
    %gather3A_229 = tpu.dynamic_gather %get3A_2[%gather3A_228] in [0] : vector<16xi32>, vector<16xi32> -> vector<16xi32>
    %swap3A_230 = arith.constant 64 : index
    %swap3A_231 = tpu.vector_load %arg6[%swap3A_230] {strides = array<i32>} : memref<256xi32, #tpu.memory_space<vmem>>, vector<16xi32>,
    %swap3A_232 = vector.shape_cast %swap3A_231 : vector<16xi32> to vector<16xi32>
    %swap3A_233 = vector.shape_cast %gather3A_229 : vector<16xi32> to vector<16xi32>
    tpu.vector_store %arg6[%swap3A_230], %swap3A_233 {strides = array<i32>} : memref<256xi32, #tpu.memory_space<vmem>>, vector<16xi32>,
    %lt3A_234 = arith.constant 0 : i32
    %lt3A_235 = vector.broadcast %lt3A_234 : i32 to vector<16xi32>
    %lt3A_236 = arith.cmpi slt, %broadcast_in_dim3A_219, %lt3A_235 : vector<16xi32>
    %add3A_237 = arith.constant 16 : i32
    %add3A_238 = vector.broadcast %add3A_237 : i32 to vector<16xi32>
    %add3A_239 = arith.addi %broadcast_in_dim3A_219, %add3A_238 : vector<16xi32>
    %select_n3A_240 = arith.select %lt3A_236, %add3A_239, %broadcast_in_dim3A_219 : vector<16xi1>, vector<16xi32>
    %broadcast_in_dim3A_241 = vector.shape_cast %select_n3A_240 : vector<16xi32> to vector<16x1xi32>
    %gather3A_242 = vector.shape_cast %broadcast_in_dim3A_241 : vector<16x1xi32> to vector<16xi32>
    %gather3A_243 = tpu.dynamic_gather %sub3A_98[%gather3A_242] in [0] : vector<16xi32>, vector<16xi32> -> vector<16xi32>
    %swap3A_244 = arith.constant 64 : index
    %swap3A_245 = tpu.vector_load %arg7[%swap3A_244] {strides = array<i32>} : memref<256xi32, #tpu.memory_space<vmem>>, vector<16xi32>,
    %swap3A_246 = vector.shape_cast %swap3A_245 : vector<16xi32> to vector<16xi32>
    %swap3A_247 = vector.shape_cast %gather3A_243 : vector<16xi32> to vector<16xi32>
    tpu.vector_store %arg7[%swap3A_244], %swap3A_247 {strides = array<i32>} : memref<256xi32, #tpu.memory_space<vmem>>, vector<16xi32>,
    %broadcast_in_dim3A_248 = arith.constant 5 : i32
    %broadcast_in_dim3A_249 = vector.broadcast %broadcast_in_dim3A_248 : i32 to vector<16xi32>
    %lt3A_250 = arith.constant 0 : i32
    %lt3A_251 = vector.broadcast %lt3A_250 : i32 to vector<16xi32>
    %lt3A_252 = arith.cmpi slt, %broadcast_in_dim3A_249, %lt3A_251 : vector<16xi32>
    %add3A_253 = arith.constant 16 : i32
    %add3A_254 = vector.broadcast %add3A_253 : i32 to vector<16xi32>
    %add3A_255 = arith.addi %broadcast_in_dim3A_249, %add3A_254 : vector<16xi32>
    %select_n3A_256 = arith.select %lt3A_252, %add3A_255, %broadcast_in_dim3A_249 : vector<16xi1>, vector<16xi32>
    %broadcast_in_dim3A_257 = vector.shape_cast %select_n3A_256 : vector<16xi32> to vector<16x1xi32>
    %gather3A_258 = vector.shape_cast %broadcast_in_dim3A_257 : vector<16x1xi32> to vector<16xi32>
    %gather3A_259 = tpu.dynamic_gather %get3A_2[%gather3A_258] in [0] : vector<16xi32>, vector<16xi32> -> vector<16xi32>
    %swap3A_260 = arith.constant 80 : index
    %swap3A_261 = tpu.vector_load %arg6[%swap3A_260] {strides = array<i32>} : memref<256xi32, #tpu.memory_space<vmem>>, vector<16xi32>,
    %swap3A_262 = vector.shape_cast %swap3A_261 : vector<16xi32> to vector<16xi32>
    %swap3A_263 = vector.shape_cast %gather3A_259 : vector<16xi32> to vector<16xi32>
    tpu.vector_store %arg6[%swap3A_260], %swap3A_263 {strides = array<i32>} : memref<256xi32, #tpu.memory_space<vmem>>, vector<16xi32>,
    %lt3A_264 = arith.constant 0 : i32
    %lt3A_265 = vector.broadcast %lt3A_264 : i32 to vector<16xi32>
    %lt3A_266 = arith.cmpi slt, %broadcast_in_dim3A_249, %lt3A_265 : vector<16xi32>
    %add3A_267 = arith.constant 16 : i32
    %add3A_268 = vector.broadcast %add3A_267 : i32 to vector<16xi32>
    %add3A_269 = arith.addi %broadcast_in_dim3A_249, %add3A_268 : vector<16xi32>
    %select_n3A_270 = arith.select %lt3A_266, %add3A_269, %broadcast_in_dim3A_249 : vector<16xi1>, vector<16xi32>
    %broadcast_in_dim3A_271 = vector.shape_cast %select_n3A_270 : vector<16xi32> to vector<16x1xi32>
    %gather3A_272 = vector.shape_cast %broadcast_in_dim3A_271 : vector<16x1xi32> to vector<16xi32>
    %gather3A_273 = tpu.dynamic_gather %sub3A_98[%gather3A_272] in [0] : vector<16xi32>, vector<16xi32> -> vector<16xi32>
    %swap3A_274 = arith.constant 80 : index
    %swap3A_275 = tpu.vector_load %arg7[%swap3A_274] {strides = array<i32>} : memref<256xi32, #tpu.memory_space<vmem>>, vector<16xi32>,
    %swap3A_276 = vector.shape_cast %swap3A_275 : vector<16xi32> to vector<16xi32>
    %swap3A_277 = vector.shape_cast %gather3A_273 : vector<16xi32> to vector<16xi32>
    tpu.vector_store %arg7[%swap3A_274], %swap3A_277 {strides = array<i32>} : memref<256xi32, #tpu.memory_space<vmem>>, vector<16xi32>,
    %broadcast_in_dim3A_278 = arith.constant 6 : i32
    %broadcast_in_dim3A_279 = vector.broadcast %broadcast_in_dim3A_278 : i32 to vector<16xi32>
    %lt3A_280 = arith.constant 0 : i32
    %lt3A_281 = vector.broadcast %lt3A_280 : i32 to vector<16xi32>
    %lt3A_282 = arith.cmpi slt, %broadcast_in_dim3A_279, %lt3A_281 : vector<16xi32>
    %add3A_283 = arith.constant 16 : i32
    %add3A_284 = vector.broadcast %add3A_283 : i32 to vector<16xi32>
    %add3A_285 = arith.addi %broadcast_in_dim3A_279, %add3A_284 : vector<16xi32>
    %select_n3A_286 = arith.select %lt3A_282, %add3A_285, %broadcast_in_dim3A_279 : vector<16xi1>, vector<16xi32>
    %broadcast_in_dim3A_287 = vector.shape_cast %select_n3A_286 : vector<16xi32> to vector<16x1xi32>
    %gather3A_288 = vector.shape_cast %broadcast_in_dim3A_287 : vector<16x1xi32> to vector<16xi32>
    %gather3A_289 = tpu.dynamic_gather %get3A_2[%gather3A_288] in [0] : vector<16xi32>, vector<16xi32> -> vector<16xi32>
    %swap3A_290 = arith.constant 96 : index
    %swap3A_291 = tpu.vector_load %arg6[%swap3A_290] {strides = array<i32>} : memref<256xi32, #tpu.memory_space<vmem>>, vector<16xi32>,
    %swap3A_292 = vector.shape_cast %swap3A_291 : vector<16xi32> to vector<16xi32>
    %swap3A_293 = vector.shape_cast %gather3A_289 : vector<16xi32> to vector<16xi32>
    tpu.vector_store %arg6[%swap3A_290], %swap3A_293 {strides = array<i32>} : memref<256xi32, #tpu.memory_space<vmem>>, vector<16xi32>,
    %lt3A_294 = arith.constant 0 : i32
    %lt3A_295 = vector.broadcast %lt3A_294 : i32 to vector<16xi32>
    %lt3A_296 = arith.cmpi slt, %broadcast_in_dim3A_279, %lt3A_295 : vector<16xi32>
    %add3A_297 = arith.constant 16 : i32
    %add3A_298 = vector.broadcast %add3A_297 : i32 to vector<16xi32>
    %add3A_299 = arith.addi %broadcast_in_dim3A_279, %add3A_298 : vector<16xi32>
    %select_n3A_300 = arith.select %lt3A_296, %add3A_299, %broadcast_in_dim3A_279 : vector<16xi1>, vector<16xi32>
    %broadcast_in_dim3A_301 = vector.shape_cast %select_n3A_300 : vector<16xi32> to vector<16x1xi32>
    %gather3A_302 = vector.shape_cast %broadcast_in_dim3A_301 : vector<16x1xi32> to vector<16xi32>
    %gather3A_303 = tpu.dynamic_gather %sub3A_98[%gather3A_302] in [0] : vector<16xi32>, vector<16xi32> -> vector<16xi32>
    %swap3A_304 = arith.constant 96 : index
    %swap3A_305 = tpu.vector_load %arg7[%swap3A_304] {strides = array<i32>} : memref<256xi32, #tpu.memory_space<vmem>>, vector<16xi32>,
    %swap3A_306 = vector.shape_cast %swap3A_305 : vector<16xi32> to vector<16xi32>
    %swap3A_307 = vector.shape_cast %gather3A_303 : vector<16xi32> to vector<16xi32>
    tpu.vector_store %arg7[%swap3A_304], %swap3A_307 {strides = array<i32>} : memref<256xi32, #tpu.memory_space<vmem>>, vector<16xi32>,
    %broadcast_in_dim3A_308 = arith.constant 7 : i32
    %broadcast_in_dim3A_309 = vector.broadcast %broadcast_in_dim3A_308 : i32 to vector<16xi32>
    %lt3A_310 = arith.constant 0 : i32
    %lt3A_311 = vector.broadcast %lt3A_310 : i32 to vector<16xi32>
    %lt3A_312 = arith.cmpi slt, %broadcast_in_dim3A_309, %lt3A_311 : vector<16xi32>
    %add3A_313 = arith.constant 16 : i32
    %add3A_314 = vector.broadcast %add3A_313 : i32 to vector<16xi32>
    %add3A_315 = arith.addi %broadcast_in_dim3A_309, %add3A_314 : vector<16xi32>
    %select_n3A_316 = arith.select %lt3A_312, %add3A_315, %broadcast_in_dim3A_309 : vector<16xi1>, vector<16xi32>
    %broadcast_in_dim3A_317 = vector.shape_cast %select_n3A_316 : vector<16xi32> to vector<16x1xi32>
    %gather3A_318 = vector.shape_cast %broadcast_in_dim3A_317 : vector<16x1xi32> to vector<16xi32>
    %gather3A_319 = tpu.dynamic_gather %get3A_2[%gather3A_318] in [0] : vector<16xi32>, vector<16xi32> -> vector<16xi32>
    %swap3A_320 = arith.constant 112 : index
    %swap3A_321 = tpu.vector_load %arg6[%swap3A_320] {strides = array<i32>} : memref<256xi32, #tpu.memory_space<vmem>>, vector<16xi32>,
    %swap3A_322 = vector.shape_cast %swap3A_321 : vector<16xi32> to vector<16xi32>
    %swap3A_323 = vector.shape_cast %gather3A_319 : vector<16xi32> to vector<16xi32>
    tpu.vector_store %arg6[%swap3A_320], %swap3A_323 {strides = array<i32>} : memref<256xi32, #tpu.memory_space<vmem>>, vector<16xi32>,
    %lt3A_324 = arith.constant 0 : i32
    %lt3A_325 = vector.broadcast %lt3A_324 : i32 to vector<16xi32>
    %lt3A_326 = arith.cmpi slt, %broadcast_in_dim3A_309, %lt3A_325 : vector<16xi32>
    %add3A_327 = arith.constant 16 : i32
    %add3A_328 = vector.broadcast %add3A_327 : i32 to vector<16xi32>
    %add3A_329 = arith.addi %broadcast_in_dim3A_309, %add3A_328 : vector<16xi32>
    %select_n3A_330 = arith.select %lt3A_326, %add3A_329, %broadcast_in_dim3A_309 : vector<16xi1>, vector<16xi32>
    %broadcast_in_dim3A_331 = vector.shape_cast %select_n3A_330 : vector<16xi32> to vector<16x1xi32>
    %gather3A_332 = vector.shape_cast %broadcast_in_dim3A_331 : vector<16x1xi32> to vector<16xi32>
    %gather3A_333 = tpu.dynamic_gather %sub3A_98[%gather3A_332] in [0] : vector<16xi32>, vector<16xi32> -> vector<16xi32>
    %swap3A_334 = arith.constant 112 : index
    %swap3A_335 = tpu.vector_load %arg7[%swap3A_334] {strides = array<i32>} : memref<256xi32, #tpu.memory_space<vmem>>, vector<16xi32>,
    %swap3A_336 = vector.shape_cast %swap3A_335 : vector<16xi32> to vector<16xi32>
    %swap3A_337 = vector.shape_cast %gather3A_333 : vector<16xi32> to vector<16xi32>
    tpu.vector_store %arg7[%swap3A_334], %swap3A_337 {strides = array<i32>} : memref<256xi32, #tpu.memory_space<vmem>>, vector<16xi32>,
    %broadcast_in_dim3A_338 = arith.constant 8 : i32
    %broadcast_in_dim3A_339 = vector.broadcast %broadcast_in_dim3A_338 : i32 to vector<16xi32>
    %lt3A_340 = arith.constant 0 : i32
    %lt3A_341 = vector.broadcast %lt3A_340 : i32 to vector<16xi32>
    %lt3A_342 = arith.cmpi slt, %broadcast_in_dim3A_339, %lt3A_341 : vector<16xi32>
    %add3A_343 = arith.constant 16 : i32
    %add3A_344 = vector.broadcast %add3A_343 : i32 to vector<16xi32>
    %add3A_345 = arith.addi %broadcast_in_dim3A_339, %add3A_344 : vector<16xi32>
    %select_n3A_346 = arith.select %lt3A_342, %add3A_345, %broadcast_in_dim3A_339 : vector<16xi1>, vector<16xi32>
    %broadcast_in_dim3A_347 = vector.shape_cast %select_n3A_346 : vector<16xi32> to vector<16x1xi32>
    %gather3A_348 = vector.shape_cast %broadcast_in_dim3A_347 : vector<16x1xi32> to vector<16xi32>
    %gather3A_349 = tpu.dynamic_gather %get3A_2[%gather3A_348] in [0] : vector<16xi32>, vector<16xi32> -> vector<16xi32>
    %swap3A_350 = arith.constant 128 : index
    %swap3A_351 = tpu.vector_load %arg6[%swap3A_350] {strides = array<i32>} : memref<256xi32, #tpu.memory_space<vmem>>, vector<16xi32>,
    %swap3A_352 = vector.shape_cast %swap3A_351 : vector<16xi32> to vector<16xi32>
    %swap3A_353 = vector.shape_cast %gather3A_349 : vector<16xi32> to vector<16xi32>
    tpu.vector_store %arg6[%swap3A_350], %swap3A_353 {strides = array<i32>} : memref<256xi32, #tpu.memory_space<vmem>>, vector<16xi32>,
    %lt3A_354 = arith.constant 0 : i32
    %lt3A_355 = vector.broadcast %lt3A_354 : i32 to vector<16xi32>
    %lt3A_356 = arith.cmpi slt, %broadcast_in_dim3A_339, %lt3A_355 : vector<16xi32>
    %add3A_357 = arith.constant 16 : i32
    %add3A_358 = vector.broadcast %add3A_357 : i32 to vector<16xi32>
    %add3A_359 = arith.addi %broadcast_in_dim3A_339, %add3A_358 : vector<16xi32>
    %select_n3A_360 = arith.select %lt3A_356, %add3A_359, %broadcast_in_dim3A_339 : vector<16xi1>, vector<16xi32>
    %broadcast_in_dim3A_361 = vector.shape_cast %select_n3A_360 : vector<16xi32> to vector<16x1xi32>
    %gather3A_362 = vector.shape_cast %broadcast_in_dim3A_361 : vector<16x1xi32> to vector<16xi32>
    %gather3A_363 = tpu.dynamic_gather %sub3A_98[%gather3A_362] in [0] : vector<16xi32>, vector<16xi32> -> vector<16xi32>
    %swap3A_364 = arith.constant 128 : index
    %swap3A_365 = tpu.vector_load %arg7[%swap3A_364] {strides = array<i32>} : memref<256xi32, #tpu.memory_space<vmem>>, vector<16xi32>,
    %swap3A_366 = vector.shape_cast %swap3A_365 : vector<16xi32> to vector<16xi32>
    %swap3A_367 = vector.shape_cast %gather3A_363 : vector<16xi32> to vector<16xi32>
    tpu.vector_store %arg7[%swap3A_364], %swap3A_367 {strides = array<i32>} : memref<256xi32, #tpu.memory_space<vmem>>, vector<16xi32>,
    %broadcast_in_dim3A_368 = arith.constant 9 : i32
    %broadcast_in_dim3A_369 = vector.broadcast %broadcast_in_dim3A_368 : i32 to vector<16xi32>
    %lt3A_370 = arith.constant 0 : i32
    %lt3A_371 = vector.broadcast %lt3A_370 : i32 to vector<16xi32>
    %lt3A_372 = arith.cmpi slt, %broadcast_in_dim3A_369, %lt3A_371 : vector<16xi32>
    %add3A_373 = arith.constant 16 : i32
    %add3A_374 = vector.broadcast %add3A_373 : i32 to vector<16xi32>
    %add3A_375 = arith.addi %broadcast_in_dim3A_369, %add3A_374 : vector<16xi32>
    %select_n3A_376 = arith.select %lt3A_372, %add3A_375, %broadcast_in_dim3A_369 : vector<16xi1>, vector<16xi32>
    %broadcast_in_dim3A_377 = vector.shape_cast %select_n3A_376 : vector<16xi32> to vector<16x1xi32>
    %gather3A_378 = vector.shape_cast %broadcast_in_dim3A_377 : vector<16x1xi32> to vector<16xi32>
    %gather3A_379 = tpu.dynamic_gather %get3A_2[%gather3A_378] in [0] : vector<16xi32>, vector<16xi32> -> vector<16xi32>
    %swap3A_380 = arith.constant 144 : index
    %swap3A_381 = tpu.vector_load %arg6[%swap3A_380] {strides = array<i32>} : memref<256xi32, #tpu.memory_space<vmem>>, vector<16xi32>,
    %swap3A_382 = vector.shape_cast %swap3A_381 : vector<16xi32> to vector<16xi32>
    %swap3A_383 = vector.shape_cast %gather3A_379 : vector<16xi32> to vector<16xi32>
    tpu.vector_store %arg6[%swap3A_380], %swap3A_383 {strides = array<i32>} : memref<256xi32, #tpu.memory_space<vmem>>, vector<16xi32>,
    %lt3A_384 = arith.constant 0 : i32
    %lt3A_385 = vector.broadcast %lt3A_384 : i32 to vector<16xi32>
    %lt3A_386 = arith.cmpi slt, %broadcast_in_dim3A_369, %lt3A_385 : vector<16xi32>
    %add3A_387 = arith.constant 16 : i32
    %add3A_388 = vector.broadcast %add3A_387 : i32 to vector<16xi32>
    %add3A_389 = arith.addi %broadcast_in_dim3A_369, %add3A_388 : vector<16xi32>
    %select_n3A_390 = arith.select %lt3A_386, %add3A_389, %broadcast_in_dim3A_369 : vector<16xi1>, vector<16xi32>
    %broadcast_in_dim3A_391 = vector.shape_cast %select_n3A_390 : vector<16xi32> to vector<16x1xi32>
    %gather3A_392 = vector.shape_cast %broadcast_in_dim3A_391 : vector<16x1xi32> to vector<16xi32>
    %gather3A_393 = tpu.dynamic_gather %sub3A_98[%gather3A_392] in [0] : vector<16xi32>, vector<16xi32> -> vector<16xi32>
    %swap3A_394 = arith.constant 144 : index
    %swap3A_395 = tpu.vector_load %arg7[%swap3A_394] {strides = array<i32>} : memref<256xi32, #tpu.memory_space<vmem>>, vector<16xi32>,
    %swap3A_396 = vector.shape_cast %swap3A_395 : vector<16xi32> to vector<16xi32>
    %swap3A_397 = vector.shape_cast %gather3A_393 : vector<16xi32> to vector<16xi32>
    tpu.vector_store %arg7[%swap3A_394], %swap3A_397 {strides = array<i32>} : memref<256xi32, #tpu.memory_space<vmem>>, vector<16xi32>,
    %broadcast_in_dim3A_398 = arith.constant 10 : i32
    %broadcast_in_dim3A_399 = vector.broadcast %broadcast_in_dim3A_398 : i32 to vector<16xi32>
    %lt3A_400 = arith.constant 0 : i32
    %lt3A_401 = vector.broadcast %lt3A_400 : i32 to vector<16xi32>
    %lt3A_402 = arith.cmpi slt, %broadcast_in_dim3A_399, %lt3A_401 : vector<16xi32>
    %add3A_403 = arith.constant 16 : i32
    %add3A_404 = vector.broadcast %add3A_403 : i32 to vector<16xi32>
    %add3A_405 = arith.addi %broadcast_in_dim3A_399, %add3A_404 : vector<16xi32>
    %select_n3A_406 = arith.select %lt3A_402, %add3A_405, %broadcast_in_dim3A_399 : vector<16xi1>, vector<16xi32>
    %broadcast_in_dim3A_407 = vector.shape_cast %select_n3A_406 : vector<16xi32> to vector<16x1xi32>
    %gather3A_408 = vector.shape_cast %broadcast_in_dim3A_407 : vector<16x1xi32> to vector<16xi32>
    %gather3A_409 = tpu.dynamic_gather %get3A_2[%gather3A_408] in [0] : vector<16xi32>, vector<16xi32> -> vector<16xi32>
    %swap3A_410 = arith.constant 160 : index
    %swap3A_411 = tpu.vector_load %arg6[%swap3A_410] {strides = array<i32>} : memref<256xi32, #tpu.memory_space<vmem>>, vector<16xi32>,
    %swap3A_412 = vector.shape_cast %swap3A_411 : vector<16xi32> to vector<16xi32>
    %swap3A_413 = vector.shape_cast %gather3A_409 : vector<16xi32> to vector<16xi32>
    tpu.vector_store %arg6[%swap3A_410], %swap3A_413 {strides = array<i32>} : memref<256xi32, #tpu.memory_space<vmem>>, vector<16xi32>,
    %lt3A_414 = arith.constant 0 : i32
    %lt3A_415 = vector.broadcast %lt3A_414 : i32 to vector<16xi32>
    %lt3A_416 = arith.cmpi slt, %broadcast_in_dim3A_399, %lt3A_415 : vector<16xi32>
    %add3A_417 = arith.constant 16 : i32
    %add3A_418 = vector.broadcast %add3A_417 : i32 to vector<16xi32>
    %add3A_419 = arith.addi %broadcast_in_dim3A_399, %add3A_418 : vector<16xi32>
    %select_n3A_420 = arith.select %lt3A_416, %add3A_419, %broadcast_in_dim3A_399 : vector<16xi1>, vector<16xi32>
    %broadcast_in_dim3A_421 = vector.shape_cast %select_n3A_420 : vector<16xi32> to vector<16x1xi32>
    %gather3A_422 = vector.shape_cast %broadcast_in_dim3A_421 : vector<16x1xi32> to vector<16xi32>
    %gather3A_423 = tpu.dynamic_gather %sub3A_98[%gather3A_422] in [0] : vector<16xi32>, vector<16xi32> -> vector<16xi32>
    %swap3A_424 = arith.constant 160 : index
    %swap3A_425 = tpu.vector_load %arg7[%swap3A_424] {strides = array<i32>} : memref<256xi32, #tpu.memory_space<vmem>>, vector<16xi32>,
    %swap3A_426 = vector.shape_cast %swap3A_425 : vector<16xi32> to vector<16xi32>
    %swap3A_427 = vector.shape_cast %gather3A_423 : vector<16xi32> to vector<16xi32>
    tpu.vector_store %arg7[%swap3A_424], %swap3A_427 {strides = array<i32>} : memref<256xi32, #tpu.memory_space<vmem>>, vector<16xi32>,
    %broadcast_in_dim3A_428 = arith.constant 11 : i32
    %broadcast_in_dim3A_429 = vector.broadcast %broadcast_in_dim3A_428 : i32 to vector<16xi32>
    %lt3A_430 = arith.constant 0 : i32
    %lt3A_431 = vector.broadcast %lt3A_430 : i32 to vector<16xi32>
    %lt3A_432 = arith.cmpi slt, %broadcast_in_dim3A_429, %lt3A_431 : vector<16xi32>
    %add3A_433 = arith.constant 16 : i32
    %add3A_434 = vector.broadcast %add3A_433 : i32 to vector<16xi32>
    %add3A_435 = arith.addi %broadcast_in_dim3A_429, %add3A_434 : vector<16xi32>
    %select_n3A_436 = arith.select %lt3A_432, %add3A_435, %broadcast_in_dim3A_429 : vector<16xi1>, vector<16xi32>
    %broadcast_in_dim3A_437 = vector.shape_cast %select_n3A_436 : vector<16xi32> to vector<16x1xi32>
    %gather3A_438 = vector.shape_cast %broadcast_in_dim3A_437 : vector<16x1xi32> to vector<16xi32>
    %gather3A_439 = tpu.dynamic_gather %get3A_2[%gather3A_438] in [0] : vector<16xi32>, vector<16xi32> -> vector<16xi32>
    %swap3A_440 = arith.constant 176 : index
    %swap3A_441 = tpu.vector_load %arg6[%swap3A_440] {strides = array<i32>} : memref<256xi32, #tpu.memory_space<vmem>>, vector<16xi32>,
    %swap3A_442 = vector.shape_cast %swap3A_441 : vector<16xi32> to vector<16xi32>
    %swap3A_443 = vector.shape_cast %gather3A_439 : vector<16xi32> to vector<16xi32>
    tpu.vector_store %arg6[%swap3A_440], %swap3A_443 {strides = array<i32>} : memref<256xi32, #tpu.memory_space<vmem>>, vector<16xi32>,
    %lt3A_444 = arith.constant 0 : i32
    %lt3A_445 = vector.broadcast %lt3A_444 : i32 to vector<16xi32>
    %lt3A_446 = arith.cmpi slt, %broadcast_in_dim3A_429, %lt3A_445 : vector<16xi32>
    %add3A_447 = arith.constant 16 : i32
    %add3A_448 = vector.broadcast %add3A_447 : i32 to vector<16xi32>
    %add3A_449 = arith.addi %broadcast_in_dim3A_429, %add3A_448 : vector<16xi32>
    %select_n3A_450 = arith.select %lt3A_446, %add3A_449, %broadcast_in_dim3A_429 : vector<16xi1>, vector<16xi32>
    %broadcast_in_dim3A_451 = vector.shape_cast %select_n3A_450 : vector<16xi32> to vector<16x1xi32>
    %gather3A_452 = vector.shape_cast %broadcast_in_dim3A_451 : vector<16x1xi32> to vector<16xi32>
    %gather3A_453 = tpu.dynamic_gather %sub3A_98[%gather3A_452] in [0] : vector<16xi32>, vector<16xi32> -> vector<16xi32>
    %swap3A_454 = arith.constant 176 : index
    %swap3A_455 = tpu.vector_load %arg7[%swap3A_454] {strides = array<i32>} : memref<256xi32, #tpu.memory_space<vmem>>, vector<16xi32>,
    %swap3A_456 = vector.shape_cast %swap3A_455 : vector<16xi32> to vector<16xi32>
    %swap3A_457 = vector.shape_cast %gather3A_453 : vector<16xi32> to vector<16xi32>
    tpu.vector_store %arg7[%swap3A_454], %swap3A_457 {strides = array<i32>} : memref<256xi32, #tpu.memory_space<vmem>>, vector<16xi32>,
    %broadcast_in_dim3A_458 = arith.constant 12 : i32
    %broadcast_in_dim3A_459 = vector.broadcast %broadcast_in_dim3A_458 : i32 to vector<16xi32>
    %lt3A_460 = arith.constant 0 : i32
    %lt3A_461 = vector.broadcast %lt3A_460 : i32 to vector<16xi32>
    %lt3A_462 = arith.cmpi slt, %broadcast_in_dim3A_459, %lt3A_461 : vector<16xi32>
    %add3A_463 = arith.constant 16 : i32
    %add3A_464 = vector.broadcast %add3A_463 : i32 to vector<16xi32>
    %add3A_465 = arith.addi %broadcast_in_dim3A_459, %add3A_464 : vector<16xi32>
    %select_n3A_466 = arith.select %lt3A_462, %add3A_465, %broadcast_in_dim3A_459 : vector<16xi1>, vector<16xi32>
    %broadcast_in_dim3A_467 = vector.shape_cast %select_n3A_466 : vector<16xi32> to vector<16x1xi32>
    %gather3A_468 = vector.shape_cast %broadcast_in_dim3A_467 : vector<16x1xi32> to vector<16xi32>
    %gather3A_469 = tpu.dynamic_gather %get3A_2[%gather3A_468] in [0] : vector<16xi32>, vector<16xi32> -> vector<16xi32>
    %swap3A_470 = arith.constant 192 : index
    %swap3A_471 = tpu.vector_load %arg6[%swap3A_470] {strides = array<i32>} : memref<256xi32, #tpu.memory_space<vmem>>, vector<16xi32>,
    %swap3A_472 = vector.shape_cast %swap3A_471 : vector<16xi32> to vector<16xi32>
    %swap3A_473 = vector.shape_cast %gather3A_469 : vector<16xi32> to vector<16xi32>
    tpu.vector_store %arg6[%swap3A_470], %swap3A_473 {strides = array<i32>} : memref<256xi32, #tpu.memory_space<vmem>>, vector<16xi32>,
    %lt3A_474 = arith.constant 0 : i32
    %lt3A_475 = vector.broadcast %lt3A_474 : i32 to vector<16xi32>
    %lt3A_476 = arith.cmpi slt, %broadcast_in_dim3A_459, %lt3A_475 : vector<16xi32>
    %add3A_477 = arith.constant 16 : i32
    %add3A_478 = vector.broadcast %add3A_477 : i32 to vector<16xi32>
    %add3A_479 = arith.addi %broadcast_in_dim3A_459, %add3A_478 : vector<16xi32>
    %select_n3A_480 = arith.select %lt3A_476, %add3A_479, %broadcast_in_dim3A_459 : vector<16xi1>, vector<16xi32>
    %broadcast_in_dim3A_481 = vector.shape_cast %select_n3A_480 : vector<16xi32> to vector<16x1xi32>
    %gather3A_482 = vector.shape_cast %broadcast_in_dim3A_481 : vector<16x1xi32> to vector<16xi32>
    %gather3A_483 = tpu.dynamic_gather %sub3A_98[%gather3A_482] in [0] : vector<16xi32>, vector<16xi32> -> vector<16xi32>
    %swap3A_484 = arith.constant 192 : index
    %swap3A_485 = tpu.vector_load %arg7[%swap3A_484] {strides = array<i32>} : memref<256xi32, #tpu.memory_space<vmem>>, vector<16xi32>,
    %swap3A_486 = vector.shape_cast %swap3A_485 : vector<16xi32> to vector<16xi32>
    %swap3A_487 = vector.shape_cast %gather3A_483 : vector<16xi32> to vector<16xi32>
    tpu.vector_store %arg7[%swap3A_484], %swap3A_487 {strides = array<i32>} : memref<256xi32, #tpu.memory_space<vmem>>, vector<16xi32>,
    %broadcast_in_dim3A_488 = arith.constant 13 : i32
    %broadcast_in_dim3A_489 = vector.broadcast %broadcast_in_dim3A_488 : i32 to vector<16xi32>
    %lt3A_490 = arith.constant 0 : i32
    %lt3A_491 = vector.broadcast %lt3A_490 : i32 to vector<16xi32>
    %lt3A_492 = arith.cmpi slt, %broadcast_in_dim3A_489, %lt3A_491 : vector<16xi32>
    %add3A_493 = arith.constant 16 : i32
    %add3A_494 = vector.broadcast %add3A_493 : i32 to vector<16xi32>
    %add3A_495 = arith.addi %broadcast_in_dim3A_489, %add3A_494 : vector<16xi32>
    %select_n3A_496 = arith.select %lt3A_492, %add3A_495, %broadcast_in_dim3A_489 : vector<16xi1>, vector<16xi32>
    %broadcast_in_dim3A_497 = vector.shape_cast %select_n3A_496 : vector<16xi32> to vector<16x1xi32>
    %gather3A_498 = vector.shape_cast %broadcast_in_dim3A_497 : vector<16x1xi32> to vector<16xi32>
    %gather3A_499 = tpu.dynamic_gather %get3A_2[%gather3A_498] in [0] : vector<16xi32>, vector<16xi32> -> vector<16xi32>
    %swap3A_500 = arith.constant 208 : index
    %swap3A_501 = tpu.vector_load %arg6[%swap3A_500] {strides = array<i32>} : memref<256xi32, #tpu.memory_space<vmem>>, vector<16xi32>,
    %swap3A_502 = vector.shape_cast %swap3A_501 : vector<16xi32> to vector<16xi32>
    %swap3A_503 = vector.shape_cast %gather3A_499 : vector<16xi32> to vector<16xi32>
    tpu.vector_store %arg6[%swap3A_500], %swap3A_503 {strides = array<i32>} : memref<256xi32, #tpu.memory_space<vmem>>, vector<16xi32>,
    %lt3A_504 = arith.constant 0 : i32
    %lt3A_505 = vector.broadcast %lt3A_504 : i32 to vector<16xi32>
    %lt3A_506 = arith.cmpi slt, %broadcast_in_dim3A_489, %lt3A_505 : vector<16xi32>
    %add3A_507 = arith.constant 16 : i32
    %add3A_508 = vector.broadcast %add3A_507 : i32 to vector<16xi32>
    %add3A_509 = arith.addi %broadcast_in_dim3A_489, %add3A_508 : vector<16xi32>
    %select_n3A_510 = arith.select %lt3A_506, %add3A_509, %broadcast_in_dim3A_489 : vector<16xi1>, vector<16xi32>
    %broadcast_in_dim3A_511 = vector.shape_cast %select_n3A_510 : vector<16xi32> to vector<16x1xi32>
    %gather3A_512 = vector.shape_cast %broadcast_in_dim3A_511 : vector<16x1xi32> to vector<16xi32>
    %gather3A_513 = tpu.dynamic_gather %sub3A_98[%gather3A_512] in [0] : vector<16xi32>, vector<16xi32> -> vector<16xi32>
    %swap3A_514 = arith.constant 208 : index
    %swap3A_515 = tpu.vector_load %arg7[%swap3A_514] {strides = array<i32>} : memref<256xi32, #tpu.memory_space<vmem>>, vector<16xi32>,
    %swap3A_516 = vector.shape_cast %swap3A_515 : vector<16xi32> to vector<16xi32>
    %swap3A_517 = vector.shape_cast %gather3A_513 : vector<16xi32> to vector<16xi32>
    tpu.vector_store %arg7[%swap3A_514], %swap3A_517 {strides = array<i32>} : memref<256xi32, #tpu.memory_space<vmem>>, vector<16xi32>,
    %broadcast_in_dim3A_518 = arith.constant 14 : i32
    %broadcast_in_dim3A_519 = vector.broadcast %broadcast_in_dim3A_518 : i32 to vector<16xi32>
    %lt3A_520 = arith.constant 0 : i32
    %lt3A_521 = vector.broadcast %lt3A_520 : i32 to vector<16xi32>
    %lt3A_522 = arith.cmpi slt, %broadcast_in_dim3A_519, %lt3A_521 : vector<16xi32>
    %add3A_523 = arith.constant 16 : i32
    %add3A_524 = vector.broadcast %add3A_523 : i32 to vector<16xi32>
    %add3A_525 = arith.addi %broadcast_in_dim3A_519, %add3A_524 : vector<16xi32>
    %select_n3A_526 = arith.select %lt3A_522, %add3A_525, %broadcast_in_dim3A_519 : vector<16xi1>, vector<16xi32>
    %broadcast_in_dim3A_527 = vector.shape_cast %select_n3A_526 : vector<16xi32> to vector<16x1xi32>
    %gather3A_528 = vector.shape_cast %broadcast_in_dim3A_527 : vector<16x1xi32> to vector<16xi32>
    %gather3A_529 = tpu.dynamic_gather %get3A_2[%gather3A_528] in [0] : vector<16xi32>, vector<16xi32> -> vector<16xi32>
    %swap3A_530 = arith.constant 224 : index
    %swap3A_531 = tpu.vector_load %arg6[%swap3A_530] {strides = array<i32>} : memref<256xi32, #tpu.memory_space<vmem>>, vector<16xi32>,
    %swap3A_532 = vector.shape_cast %swap3A_531 : vector<16xi32> to vector<16xi32>
    %swap3A_533 = vector.shape_cast %gather3A_529 : vector<16xi32> to vector<16xi32>
    tpu.vector_store %arg6[%swap3A_530], %swap3A_533 {strides = array<i32>} : memref<256xi32, #tpu.memory_space<vmem>>, vector<16xi32>,
    %lt3A_534 = arith.constant 0 : i32
    %lt3A_535 = vector.broadcast %lt3A_534 : i32 to vector<16xi32>
    %lt3A_536 = arith.cmpi slt, %broadcast_in_dim3A_519, %lt3A_535 : vector<16xi32>
    %add3A_537 = arith.constant 16 : i32
    %add3A_538 = vector.broadcast %add3A_537 : i32 to vector<16xi32>
    %add3A_539 = arith.addi %broadcast_in_dim3A_519, %add3A_538 : vector<16xi32>
    %select_n3A_540 = arith.select %lt3A_536, %add3A_539, %broadcast_in_dim3A_519 : vector<16xi1>, vector<16xi32>
    %broadcast_in_dim3A_541 = vector.shape_cast %select_n3A_540 : vector<16xi32> to vector<16x1xi32>
    %gather3A_542 = vector.shape_cast %broadcast_in_dim3A_541 : vector<16x1xi32> to vector<16xi32>
    %gather3A_543 = tpu.dynamic_gather %sub3A_98[%gather3A_542] in [0] : vector<16xi32>, vector<16xi32> -> vector<16xi32>
    %swap3A_544 = arith.constant 224 : index
    %swap3A_545 = tpu.vector_load %arg7[%swap3A_544] {strides = array<i32>} : memref<256xi32, #tpu.memory_space<vmem>>, vector<16xi32>,
    %swap3A_546 = vector.shape_cast %swap3A_545 : vector<16xi32> to vector<16xi32>
    %swap3A_547 = vector.shape_cast %gather3A_543 : vector<16xi32> to vector<16xi32>
    tpu.vector_store %arg7[%swap3A_544], %swap3A_547 {strides = array<i32>} : memref<256xi32, #tpu.memory_space<vmem>>, vector<16xi32>,
    %broadcast_in_dim3A_548 = arith.constant 15 : i32
    %broadcast_in_dim3A_549 = vector.broadcast %broadcast_in_dim3A_548 : i32 to vector<16xi32>
    %lt3A_550 = arith.constant 0 : i32
    %lt3A_551 = vector.broadcast %lt3A_550 : i32 to vector<16xi32>
    %lt3A_552 = arith.cmpi slt, %broadcast_in_dim3A_549, %lt3A_551 : vector<16xi32>
    %add3A_553 = arith.constant 16 : i32
    %add3A_554 = vector.broadcast %add3A_553 : i32 to vector<16xi32>
    %add3A_555 = arith.addi %broadcast_in_dim3A_549, %add3A_554 : vector<16xi32>
    %select_n3A_556 = arith.select %lt3A_552, %add3A_555, %broadcast_in_dim3A_549 : vector<16xi1>, vector<16xi32>
    %broadcast_in_dim3A_557 = vector.shape_cast %select_n3A_556 : vector<16xi32> to vector<16x1xi32>
    %gather3A_558 = vector.shape_cast %broadcast_in_dim3A_557 : vector<16x1xi32> to vector<16xi32>
    %gather3A_559 = tpu.dynamic_gather %get3A_2[%gather3A_558] in [0] : vector<16xi32>, vector<16xi32> -> vector<16xi32>
    %swap3A_560 = arith.constant 240 : index
    %swap3A_561 = tpu.vector_load %arg6[%swap3A_560] {strides = array<i32>} : memref<256xi32, #tpu.memory_space<vmem>>, vector<16xi32>,
    %swap3A_562 = vector.shape_cast %swap3A_561 : vector<16xi32> to vector<16xi32>
    %swap3A_563 = vector.shape_cast %gather3A_559 : vector<16xi32> to vector<16xi32>
    tpu.vector_store %arg6[%swap3A_560], %swap3A_563 {strides = array<i32>} : memref<256xi32, #tpu.memory_space<vmem>>, vector<16xi32>,
    %lt3A_564 = arith.constant 0 : i32
    %lt3A_565 = vector.broadcast %lt3A_564 : i32 to vector<16xi32>
    %lt3A_566 = arith.cmpi slt, %broadcast_in_dim3A_549, %lt3A_565 : vector<16xi32>
    %add3A_567 = arith.constant 16 : i32
    %add3A_568 = vector.broadcast %add3A_567 : i32 to vector<16xi32>
    %add3A_569 = arith.addi %broadcast_in_dim3A_549, %add3A_568 : vector<16xi32>
    %select_n3A_570 = arith.select %lt3A_566, %add3A_569, %broadcast_in_dim3A_549 : vector<16xi1>, vector<16xi32>
    %broadcast_in_dim3A_571 = vector.shape_cast %select_n3A_570 : vector<16xi32> to vector<16x1xi32>
    %gather3A_572 = vector.shape_cast %broadcast_in_dim3A_571 : vector<16x1xi32> to vector<16xi32>
    %gather3A_573 = tpu.dynamic_gather %sub3A_98[%gather3A_572] in [0] : vector<16xi32>, vector<16xi32> -> vector<16xi32>
    %swap3A_574 = arith.constant 240 : index
    %swap3A_575 = tpu.vector_load %arg7[%swap3A_574] {strides = array<i32>} : memref<256xi32, #tpu.memory_space<vmem>>, vector<16xi32>,
    %swap3A_576 = vector.shape_cast %swap3A_575 : vector<16xi32> to vector<16xi32>
    %swap3A_577 = vector.shape_cast %gather3A_573 : vector<16xi32> to vector<16xi32>
    tpu.vector_store %arg7[%swap3A_574], %swap3A_577 {strides = array<i32>} : memref<256xi32, #tpu.memory_space<vmem>>, vector<16xi32>,
    %get3A_578 = arith.constant 0 : index
    %get3A_579 = tpu.vector_load %arg6[%get3A_578] {strides = array<i32>} : memref<256xi32, #tpu.memory_space<vmem>>, vector<16xi32>,
    %get3A_580 = vector.shape_cast %get3A_579 : vector<16xi32> to vector<16xi32>
    %slice3A = vector.extract_strided_slice %get3A_580 {offsets = [0], sizes = [1], strides = [1]} : vector<16xi32> to vector<1xi32>
    %squeeze3A = vector.extract %slice3A[0] : i32 from vector<1xi32>
    %get3A_581 = arith.constant 0 : index
    %get3A_582 = tpu.vector_load %arg7[%get3A_581] {strides = array<i32>} : memref<256xi32, #tpu.memory_space<vmem>>, vector<16xi32>,
    %get3A_583 = vector.shape_cast %get3A_582 : vector<16xi32> to vector<16xi32>
    %slice3A_584 = vector.extract_strided_slice %get3A_583 {offsets = [0], sizes = [1], strides = [1]} : vector<16xi32> to vector<1xi32>
    %squeeze3A_585 = vector.extract %slice3A_584[0] : i32 from vector<1xi32>
    %mul3A_586 = arith.constant 32 : i32
    %mul3A_587 = arith.muli %add3A, %mul3A_586 : i32
    %add3A_588 = arith.constant 0 : i32
    %add3A_589 = arith.addi %mul3A_587, %add3A_588 : i32
    %sub3A_590 = arith.subi %squeeze3A, %add3A_589 : i32
    %jit3A_591 = arith.constant 0 : i32
    %jit3A_592 = arith.constant 32 : i32
    %max3A_593 = arith.maxsi %jit3A_591, %sub3A_590 : i32
    %min3A_594 = arith.minsi %jit3A_592, %max3A_593 : i32
    %add3A_595 = arith.addi %squeeze3A_585, %add3A_589 : i32
    %add3A_596 = arith.constant 0 : i32
    %add3A_597 = arith.addi %add3A_596, %add3A_589 : i32
    %gt3A = arith.constant 0 : i32
    %gt3A_598 = arith.cmpi sgt, %min3A_594, %gt3A : i32
    %convert_element_type3A = arith.extui %gt3A_598 : i1 to i32
    %cond3A = arith.constant 0 : i32
    %cond3A_599 = arith.cmpi ne, %convert_element_type3A, %cond3A : i32
    scf.if %cond3A_599 {
      %add3A_746 = arith.constant 0 : i32
      %add3A_747 = vector.broadcast %add3A_746 : i32 to vector<16xi32>
      %add3A_748 = arith.addi %add3A_747, %iota3A : vector<16xi32>
      %lt3A_749 = vector.broadcast %min3A_594 : i32 to vector<16xi32>
      %lt3A_750 = arith.cmpi slt, %add3A_748, %lt3A_749 : vector<16xi32>
      %add3A_751 = vector.broadcast %add3A_595 : i32 to vector<16xi32>
      %add3A_752 = arith.addi %add3A_751, %add3A_748 : vector<16xi32>
      %jit3A_753 = arith.constant 0 : i32
      %broadcast_in_dim3A_754 = vector.broadcast %jit3A_753 : i32 to vector<16xi32>
      %select_n3A_755 = arith.select %lt3A_750, %add3A_752, %broadcast_in_dim3A_754 : vector<16xi1>, vector<16xi32>
      %swap3A_756 = arith.constant 0 : index
      %swap3A_757 = tpu.vector_load %arg11[%swap3A_756] {strides = array<i32>} : memref<32xi32, #tpu.memory_space<vmem>>, vector<16xi32>,
      %swap3A_758 = vector.shape_cast %swap3A_757 : vector<16xi32> to vector<16xi32>
      %swap3A_759 = vector.shape_cast %select_n3A_755 : vector<16xi32> to vector<16xi32>
      tpu.vector_store %arg11[%swap3A_756], %swap3A_759 {strides = array<i32>} : memref<32xi32, #tpu.memory_space<vmem>>, vector<16xi32>,
      %add3A_760 = arith.constant 16 : i32
      %add3A_761 = vector.broadcast %add3A_760 : i32 to vector<16xi32>
      %add3A_762 = arith.addi %add3A_761, %iota3A : vector<16xi32>
      %lt3A_763 = vector.broadcast %min3A_594 : i32 to vector<16xi32>
      %lt3A_764 = arith.cmpi slt, %add3A_762, %lt3A_763 : vector<16xi32>
      %add3A_765 = vector.broadcast %add3A_595 : i32 to vector<16xi32>
      %add3A_766 = arith.addi %add3A_765, %add3A_762 : vector<16xi32>
      %jit3A_767 = arith.constant 0 : i32
      %broadcast_in_dim3A_768 = vector.broadcast %jit3A_767 : i32 to vector<16xi32>
      %select_n3A_769 = arith.select %lt3A_764, %add3A_766, %broadcast_in_dim3A_768 : vector<16xi1>, vector<16xi32>
      %swap3A_770 = arith.constant 16 : index
      %swap3A_771 = tpu.vector_load %arg11[%swap3A_770] {strides = array<i32>} : memref<32xi32, #tpu.memory_space<vmem>>, vector<16xi32>,
      %swap3A_772 = vector.shape_cast %swap3A_771 : vector<16xi32> to vector<16xi32>
      %swap3A_773 = vector.shape_cast %select_n3A_769 : vector<16xi32> to vector<16xi32>
      tpu.vector_store %arg11[%swap3A_770], %swap3A_773 {strides = array<i32>} : memref<32xi32, #tpu.memory_space<vmem>>, vector<16xi32>,
      %dma_start3A = arith.constant 0 : i32
      %dma_start3A_774 = arith.constant 0 : i32
      %dma_start3A_775 = tpu.memref_slice %arg2[%dma_start3A, %dma_start3A_774] : memref<38086x1024xf32, #tpu.memory_space<hbm>> -> memref<38086x1024xf32, #tpu.memory_space<hbm>>
      tpu.enqueue_indirect_dma source(%dma_start3A_775 : memref<38086x1024xf32, #tpu.memory_space<hbm>>) target(%arg8 : memref<32x1024xf32, #tpu.memory_space<vmem>>) offsets(%arg11 : memref<32xi32, #tpu.memory_space<vmem>>) semaphore(%arg15 : memref<!tpu.dma_semaphore, #tpu.memory_space<semaphore_mem>>)
    } else {
    }
    %get3A_600 = arith.constant 0 : index
    %get3A_601 = tpu.vector_load %arg6[%get3A_600] {strides = array<i32>} : memref<256xi32, #tpu.memory_space<vmem>>, vector<16xi32>,
    %get3A_602 = vector.shape_cast %get3A_601 : vector<16xi32> to vector<16xi32>
    %slice3A_603 = vector.extract_strided_slice %get3A_602 {offsets = [0], sizes = [1], strides = [1]} : vector<16xi32> to vector<1xi32>
    %squeeze3A_604 = vector.extract %slice3A_603[0] : i32 from vector<1xi32>
    %get3A_605 = arith.constant 0 : index
    %get3A_606 = tpu.vector_load %arg7[%get3A_605] {strides = array<i32>} : memref<256xi32, #tpu.memory_space<vmem>>, vector<16xi32>,
    %get3A_607 = vector.shape_cast %get3A_606 : vector<16xi32> to vector<16xi32>
    %slice3A_608 = vector.extract_strided_slice %get3A_607 {offsets = [0], sizes = [1], strides = [1]} : vector<16xi32> to vector<1xi32>
    %squeeze3A_609 = vector.extract %slice3A_608[0] : i32 from vector<1xi32>
    %mul3A_610 = arith.constant 32 : i32
    %mul3A_611 = arith.muli %add3A, %mul3A_610 : i32
    %add3A_612 = arith.constant 1024 : i32
    %add3A_613 = arith.addi %mul3A_611, %add3A_612 : i32
    %sub3A_614 = arith.subi %squeeze3A_604, %add3A_613 : i32
    %jit3A_615 = arith.constant 0 : i32
    %jit3A_616 = arith.constant 32 : i32
    %max3A_617 = arith.maxsi %jit3A_615, %sub3A_614 : i32
    %min3A_618 = arith.minsi %jit3A_616, %max3A_617 : i32
    %add3A_619 = arith.addi %squeeze3A_609, %add3A_613 : i32
    %add3A_620 = arith.constant 0 : i32
    %add3A_621 = arith.addi %add3A_620, %add3A_613 : i32
    %gt3A_622 = arith.constant 0 : i32
    %gt3A_623 = arith.cmpi sgt, %min3A_618, %gt3A_622 : i32
    %convert_element_type3A_624 = arith.extui %gt3A_623 : i1 to i32
    %cond3A_625 = arith.constant 0 : i32
    %cond3A_626 = arith.cmpi ne, %convert_element_type3A_624, %cond3A_625 : i32
    scf.if %cond3A_626 {
      %add3A_746 = arith.constant 0 : i32
      %add3A_747 = vector.broadcast %add3A_746 : i32 to vector<16xi32>
      %add3A_748 = arith.addi %add3A_747, %iota3A : vector<16xi32>
      %lt3A_749 = vector.broadcast %min3A_618 : i32 to vector<16xi32>
      %lt3A_750 = arith.cmpi slt, %add3A_748, %lt3A_749 : vector<16xi32>
      %add3A_751 = vector.broadcast %add3A_619 : i32 to vector<16xi32>
      %add3A_752 = arith.addi %add3A_751, %add3A_748 : vector<16xi32>
      %jit3A_753 = arith.constant 0 : i32
      %broadcast_in_dim3A_754 = vector.broadcast %jit3A_753 : i32 to vector<16xi32>
      %select_n3A_755 = arith.select %lt3A_750, %add3A_752, %broadcast_in_dim3A_754 : vector<16xi1>, vector<16xi32>
      %swap3A_756 = arith.constant 0 : index
      %swap3A_757 = tpu.vector_load %arg12[%swap3A_756] {strides = array<i32>} : memref<32xi32, #tpu.memory_space<vmem>>, vector<16xi32>,
      %swap3A_758 = vector.shape_cast %swap3A_757 : vector<16xi32> to vector<16xi32>
      %swap3A_759 = vector.shape_cast %select_n3A_755 : vector<16xi32> to vector<16xi32>
      tpu.vector_store %arg12[%swap3A_756], %swap3A_759 {strides = array<i32>} : memref<32xi32, #tpu.memory_space<vmem>>, vector<16xi32>,
      %add3A_760 = arith.constant 16 : i32
      %add3A_761 = vector.broadcast %add3A_760 : i32 to vector<16xi32>
      %add3A_762 = arith.addi %add3A_761, %iota3A : vector<16xi32>
      %lt3A_763 = vector.broadcast %min3A_618 : i32 to vector<16xi32>
      %lt3A_764 = arith.cmpi slt, %add3A_762, %lt3A_763 : vector<16xi32>
      %add3A_765 = vector.broadcast %add3A_619 : i32 to vector<16xi32>
      %add3A_766 = arith.addi %add3A_765, %add3A_762 : vector<16xi32>
      %jit3A_767 = arith.constant 0 : i32
      %broadcast_in_dim3A_768 = vector.broadcast %jit3A_767 : i32 to vector<16xi32>
      %select_n3A_769 = arith.select %lt3A_764, %add3A_766, %broadcast_in_dim3A_768 : vector<16xi1>, vector<16xi32>
      %swap3A_770 = arith.constant 16 : index
      %swap3A_771 = tpu.vector_load %arg12[%swap3A_770] {strides = array<i32>} : memref<32xi32, #tpu.memory_space<vmem>>, vector<16xi32>,
      %swap3A_772 = vector.shape_cast %swap3A_771 : vector<16xi32> to vector<16xi32>
      %swap3A_773 = vector.shape_cast %select_n3A_769 : vector<16xi32> to vector<16xi32>
      tpu.vector_store %arg12[%swap3A_770], %swap3A_773 {strides = array<i32>} : memref<32xi32, #tpu.memory_space<vmem>>, vector<16xi32>,
      %dma_start3A = arith.constant 0 : i32
      %dma_start3A_774 = arith.constant 0 : i32
      %dma_start3A_775 = tpu.memref_slice %arg2[%dma_start3A, %dma_start3A_774] : memref<38086x1024xf32, #tpu.memory_space<hbm>> -> memref<38086x1024xf32, #tpu.memory_space<hbm>>
      tpu.enqueue_indirect_dma source(%dma_start3A_775 : memref<38086x1024xf32, #tpu.memory_space<hbm>>) target(%arg9 : memref<32x1024xf32, #tpu.memory_space<vmem>>) offsets(%arg12 : memref<32xi32, #tpu.memory_space<vmem>>) semaphore(%arg16 : memref<!tpu.dma_semaphore, #tpu.memory_space<semaphore_mem>>)
    } else {
    }
    %scan3A = arith.constant 0 : i32
    %scan3A_627 = arith.constant 0 : i32
    %scan3A_628 = arith.constant 16 : i32
    %scan3A_629 = arith.addi %scan3A_627, %scan3A_628 : i32
    %scan3A_630 = arith.constant 1 : i32
    %scan3A_631 = scf.for %scan3A_746 = %scan3A_627 to %scan3A_629 step %scan3A_630 iter_args(%scan3A_747 = %scan3A) -> (i32)  : i32 {
      %scan3A_748 = arith.constant 0 : i32
      %scan3A_749 = arith.constant 0 : i32
      %scan3A_750 = arith.constant 64 : i32
      %scan3A_751 = arith.addi %scan3A_749, %scan3A_750 : i32
      %scan3A_752 = arith.constant 1 : i32
      %scan3A_753 = scf.for %scan3A_755 = %scan3A_749 to %scan3A_751 step %scan3A_752 iter_args(%scan3A_756 = %scan3A_748) -> (i32)  : i32 {
        %broadcast_in_dim3A_757 = arith.constant 0.000000e+00 : f32
        %broadcast_in_dim3A_758 = vector.broadcast %broadcast_in_dim3A_757 : f32 to vector<16xf32>
        %mul3A_759 = arith.constant 16 : i32
        %mul3A_760 = arith.muli %scan3A_755, %mul3A_759 : i32
        %swap3A_761 = arith.index_cast %scan3A_746 : i32 to index
        %swap3A_762 = arith.index_cast %mul3A_760 : i32 to index
        %swap3A_763 = tpu.vector_load %arg14[%swap3A_761, %swap3A_762] {strides = array<i32>} : memref<16x1024xf32, #tpu.memory_space<vmem>>, vector<1x16xf32>,
        %swap3A_764 = vector.shape_cast %swap3A_763 : vector<1x16xf32> to vector<16xf32>
        %swap3A_765 = vector.shape_cast %broadcast_in_dim3A_758 : vector<16xf32> to vector<1x16xf32>
        tpu.vector_store %arg14[%swap3A_761, %swap3A_762], %swap3A_765 {strides = array<i32>} : memref<16x1024xf32, #tpu.memory_space<vmem>>, vector<1x16xf32>,
        %scan3A_766 = arith.constant 0 : i32
        scf.yield %scan3A_766 : i32
      }
      %scan3A_754 = arith.constant 64 : i32
      scf.yield %scan3A_753 : i32
    }
    %scan3A_632 = arith.constant 16 : i32
    %scan3A_633 = arith.constant 0 : i32
    %scan3A_634 = arith.constant 0 : i32
    %scan3A_635 = arith.constant 21 : i32
    %scan3A_636 = arith.addi %scan3A_634, %scan3A_635 : i32
    %scan3A_637 = arith.constant 1 : i32
    %scan3A_638 = scf.for %scan3A_746 = %scan3A_634 to %scan3A_636 step %scan3A_637 iter_args(%scan3A_747 = %scan3A_633) -> (i32)  : i32 {
      %mul3A_748 = arith.constant 3 : i32
      %mul3A_749 = arith.muli %mul3A_748, %scan3A_746 : i32
      %add3A_750 = arith.constant 0 : i32
      %add3A_751 = arith.addi %mul3A_749, %add3A_750 : i32
      %jit3A_752 = arith.constant 4 : i32
      %div3A = arith.divsi %add3A_751, %jit3A_752 : i32
      %sign3A = arith.constant 0 : i32
      %sign3A_753 = arith.cmpi sgt, %add3A_751, %sign3A : i32
      %sign3A_754 = arith.extui %sign3A_753 : i1 to i32
      %sign3A_755 = arith.constant 0 : i32
      %sign3A_756 = arith.cmpi slt, %add3A_751, %sign3A_755 : i32
      %sign3A_757 = arith.extui %sign3A_756 : i1 to i32
      %sign3A_758 = arith.subi %sign3A_754, %sign3A_757 : i32
      %sign3A_759 = arith.constant 0 : i32
      %sign3A_760 = arith.cmpi sgt, %jit3A_752, %sign3A_759 : i32
      %sign3A_761 = arith.extui %sign3A_760 : i1 to i32
      %sign3A_762 = arith.constant 0 : i32
      %sign3A_763 = arith.cmpi slt, %jit3A_752, %sign3A_762 : i32
      %sign3A_764 = arith.extui %sign3A_763 : i1 to i32
      %sign3A_765 = arith.subi %sign3A_761, %sign3A_764 : i32
      %ne3A = arith.cmpi ne, %sign3A_758, %sign3A_765 : i32
      %rem3A = arith.remsi %add3A_751, %jit3A_752 : i32
      %ne3A_766 = arith.constant 0 : i32
      %ne3A_767 = arith.cmpi ne, %rem3A, %ne3A_766 : i32
      %and3A_768 = arith.andi %ne3A, %ne3A_767 : i1
      %sub3A_769 = arith.constant 1 : i32
      %sub3A_770 = arith.subi %div3A, %sub3A_769 : i32
      %select_n3A_771 = arith.select %and3A_768, %sub3A_770, %div3A : i32
      %jit3A_772 = arith.constant 4 : i32
      %eq3A_773 = arith.constant 0 : i32
      %eq3A_774 = arith.cmpi eq, %jit3A_772, %eq3A_773 : i32
      %jit3A_775 = arith.constant 1 : i32
      %select_n3A_776 = arith.select %eq3A_774, %jit3A_775, %jit3A_772 : i32
      %rem3A_777 = arith.remsi %add3A_751, %select_n3A_776 : i32
      %ne3A_778 = arith.constant 0 : i32
      %ne3A_779 = arith.cmpi ne, %rem3A_777, %ne3A_778 : i32
      %lt3A_780 = arith.constant 0 : i32
      %lt3A_781 = arith.cmpi slt, %rem3A_777, %lt3A_780 : i32
      %lt3A_782 = arith.constant 0 : i32
      %lt3A_783 = arith.cmpi slt, %select_n3A_776, %lt3A_782 : i32
      %ne3A_784 = arith.xori %lt3A_781, %lt3A_783 : i1
      %and3A_785 = arith.andi %ne3A_784, %ne3A_779 : i1
      %add3A_786 = arith.addi %rem3A_777, %select_n3A_776 : i32
      %select_n3A_787 = arith.select %and3A_785, %add3A_786, %rem3A_777 : i32
      %mul3A_788 = arith.constant 16 : i32
      %mul3A_789 = arith.muli %select_n3A_771, %mul3A_788 : i32
      %get3A_790 = arith.index_cast %mul3A_789 : i32 to index
      %get3A_791 = tpu.vector_load %arg6[%get3A_790] {strides = array<i32>} : memref<256xi32, #tpu.memory_space<vmem>>, vector<16xi32>,
      %get3A_792 = vector.shape_cast %get3A_791 : vector<16xi32> to vector<16xi32>
      %slice3A_793 = vector.extract_strided_slice %get3A_792 {offsets = [0], sizes = [1], strides = [1]} : vector<16xi32> to vector<1xi32>
      %squeeze3A_794 = vector.extract %slice3A_793[0] : i32 from vector<1xi32>
      %mul3A_795 = arith.constant 16 : i32
      %mul3A_796 = arith.muli %select_n3A_771, %mul3A_795 : i32
      %get3A_797 = arith.index_cast %mul3A_796 : i32 to index
      %get3A_798 = tpu.vector_load %arg7[%get3A_797] {strides = array<i32>} : memref<256xi32, #tpu.memory_space<vmem>>, vector<16xi32>,
      %get3A_799 = vector.shape_cast %get3A_798 : vector<16xi32> to vector<16xi32>
      %slice3A_800 = vector.extract_strided_slice %get3A_799 {offsets = [0], sizes = [1], strides = [1]} : vector<16xi32> to vector<1xi32>
      %squeeze3A_801 = vector.extract %slice3A_800[0] : i32 from vector<1xi32>
      %mul3A_802 = arith.constant 32 : i32
      %mul3A_803 = arith.muli %add3A, %mul3A_802 : i32
      %mul3A_804 = arith.constant 1024 : i32
      %mul3A_805 = arith.muli %select_n3A_787, %mul3A_804 : i32
      %add3A_806 = arith.addi %mul3A_803, %mul3A_805 : i32
      %sub3A_807 = arith.subi %squeeze3A_794, %add3A_806 : i32
      %jit3A_808 = arith.constant 0 : i32
      %jit3A_809 = arith.constant 32 : i32
      %max3A_810 = arith.maxsi %jit3A_808, %sub3A_807 : i32
      %min3A_811 = arith.minsi %jit3A_809, %max3A_810 : i32
      %add3A_812 = arith.addi %squeeze3A_801, %add3A_806 : i32
      %mul3A_813 = arith.constant 4096 : i32
      %mul3A_814 = arith.muli %select_n3A_771, %mul3A_813 : i32
      %add3A_815 = arith.addi %mul3A_814, %add3A_806 : i32
      %eq3A_816 = arith.constant 0 : i32
      %eq3A_817 = arith.cmpi eq, %min3A_811, %eq3A_816 : i32
      %gt3A_818 = arith.constant 0 : i32
      %gt3A_819 = arith.cmpi sgt, %min3A_811, %gt3A_818 : i32
      %lt3A_820 = arith.constant 32 : i32
      %lt3A_821 = arith.cmpi slt, %min3A_811, %lt3A_820 : i32
      %and3A_822 = arith.andi %gt3A_819, %lt3A_821 : i1
      %gt3A_823 = arith.constant 0 : i32
      %gt3A_824 = arith.cmpi sgt, %min3A_811, %gt3A_823 : i32
      %convert_element_type3A_825 = arith.extui %gt3A_824 : i1 to i32
      %cond3A_826 = arith.constant 0 : i32
      %cond3A_827 = arith.cmpi ne, %convert_element_type3A_825, %cond3A_826 : i32
      scf.if %cond3A_827 {
        %dma_wait3A = arith.constant 0 : i32
        %dma_wait3A_1065 = arith.constant 0 : i32
        %dma_wait3A_1066 = tpu.memref_slice %arg2[%dma_wait3A, %dma_wait3A_1065] : memref<38086x1024xf32, #tpu.memory_space<hbm>> -> memref<38086x1024xf32, #tpu.memory_space<hbm>>
        tpu.wait_indirect_dma semaphore(%arg15 : memref<!tpu.dma_semaphore, #tpu.memory_space<semaphore_mem>>) src(%dma_wait3A_1066 : memref<38086x1024xf32, #tpu.memory_space<hbm>>) dst(%arg8 : memref<32x1024xf32, #tpu.memory_space<vmem>>)
      } else {
      }
      %convert_element_type3A_828 = arith.extui %and3A_822 : i1 to i32
      %cond3A_829 = arith.constant 0 : i32
      %cond3A_830 = arith.cmpi ne, %convert_element_type3A_828, %cond3A_829 : i32
      scf.if %cond3A_830 {
        %while3A = arith.constant 32 : i32
        %while3A_1065 = arith.constant 0 : i32
        %while3A_1066 = arith.subi %while3A, %min3A_811 : i32
        %while3A_1067 = arith.addi %min3A_811, %while3A_1066 : i32
        %while3A_1068 = arith.constant 1 : i32
        %while3A_1069 = arith.divsi %while3A_1066, %while3A_1068 : i32
        %while3A_1070 = arith.muli %while3A_1069, %while3A_1068 : i32
        %while3A_1071 = arith.addi %min3A_811, %while3A_1070 : i32
        %while3A_1072 = arith.constant 1 : i32
        %while3A_1073 = scf.for %while3A_1076 = %min3A_811 to %while3A_1071 step %while3A_1072 iter_args(%while3A_1077 = %while3A_1065) -> (i32)  : i32 {
          %scan3A_1078 = arith.constant 0 : i32
          %scan3A_1079 = arith.constant 0 : i32
          %scan3A_1080 = arith.constant 64 : i32
          %scan3A_1081 = arith.addi %scan3A_1079, %scan3A_1080 : i32
          %scan3A_1082 = arith.constant 1 : i32
          %scan3A_1083 = scf.for %scan3A_1085 = %scan3A_1079 to %scan3A_1081 step %scan3A_1082 iter_args(%scan3A_1086 = %scan3A_1078) -> (i32)  : i32 {
            %broadcast_in_dim3A_1087 = arith.constant 0.000000e+00 : f32
            %broadcast_in_dim3A_1088 = vector.broadcast %broadcast_in_dim3A_1087 : f32 to vector<16xf32>
            %mul3A_1089 = arith.constant 16 : i32
            %mul3A_1090 = arith.muli %scan3A_1085, %mul3A_1089 : i32
            %swap3A_1091 = arith.index_cast %while3A_1076 : i32 to index
            %swap3A_1092 = arith.index_cast %mul3A_1090 : i32 to index
            %swap3A_1093 = tpu.vector_load %arg8[%swap3A_1091, %swap3A_1092] {strides = array<i32>} : memref<32x1024xf32, #tpu.memory_space<vmem>>, vector<1x16xf32>,
            %swap3A_1094 = vector.shape_cast %swap3A_1093 : vector<1x16xf32> to vector<16xf32>
            %swap3A_1095 = vector.shape_cast %broadcast_in_dim3A_1088 : vector<16xf32> to vector<1x16xf32>
            tpu.vector_store %arg8[%swap3A_1091, %swap3A_1092], %swap3A_1095 {strides = array<i32>} : memref<32x1024xf32, #tpu.memory_space<vmem>>, vector<1x16xf32>,
            %scan3A_1096 = arith.constant 0 : i32
            scf.yield %scan3A_1096 : i32
          }
          %scan3A_1084 = arith.constant 64 : i32
          scf.yield %scan3A_1083 : i32
        }
        %while3A_1074 = arith.constant 1 : i32
        %while3A_1075 = scf.for %while3A_1076 = %while3A_1071 to %while3A_1067 step %while3A_1074 iter_args(%while3A_1077 = %while3A_1073) -> (i32)  : i32 {
          %scan3A_1078 = arith.constant 0 : i32
          %scan3A_1079 = arith.constant 0 : i32
          %scan3A_1080 = arith.constant 64 : i32
          %scan3A_1081 = arith.addi %scan3A_1079, %scan3A_1080 : i32
          %scan3A_1082 = arith.constant 1 : i32
          %scan3A_1083 = scf.for %scan3A_1085 = %scan3A_1079 to %scan3A_1081 step %scan3A_1082 iter_args(%scan3A_1086 = %scan3A_1078) -> (i32)  : i32 {
            %broadcast_in_dim3A_1087 = arith.constant 0.000000e+00 : f32
            %broadcast_in_dim3A_1088 = vector.broadcast %broadcast_in_dim3A_1087 : f32 to vector<16xf32>
            %mul3A_1089 = arith.constant 16 : i32
            %mul3A_1090 = arith.muli %scan3A_1085, %mul3A_1089 : i32
            %swap3A_1091 = arith.index_cast %while3A_1076 : i32 to index
            %swap3A_1092 = arith.index_cast %mul3A_1090 : i32 to index
            %swap3A_1093 = tpu.vector_load %arg8[%swap3A_1091, %swap3A_1092] {strides = array<i32>} : memref<32x1024xf32, #tpu.memory_space<vmem>>, vector<1x16xf32>,
            %swap3A_1094 = vector.shape_cast %swap3A_1093 : vector<1x16xf32> to vector<16xf32>
            %swap3A_1095 = vector.shape_cast %broadcast_in_dim3A_1088 : vector<16xf32> to vector<1x16xf32>
            tpu.vector_store %arg8[%swap3A_1091, %swap3A_1092], %swap3A_1095 {strides = array<i32>} : memref<32x1024xf32, #tpu.memory_space<vmem>>, vector<1x16xf32>,
            %scan3A_1096 = arith.constant 0 : i32
            scf.yield %scan3A_1096 : i32
          }
          %scan3A_1084 = arith.constant 64 : i32
          scf.yield %scan3A_1083 : i32
        }
      } else {
      }
      %convert_element_type3A_831 = arith.extui %eq3A_817 : i1 to i32
      %cond3A_832 = arith.constant 0 : i32
      %cond3A_833 = arith.cmpi ne, %convert_element_type3A_831, %cond3A_832 : i32
      scf.if %cond3A_833 {
        %add3A_1065 = arith.constant 0 : i32
        %add3A_1066 = arith.addi %add3A_815, %add3A_1065 : i32
        %multiple_of3A = tpu.assume_multiple %add3A_1066, 8 : i32
        %dma_start3A = arith.constant 0 : i32
        %dma_start3A_1067 = tpu.memref_slice %arg4[%multiple_of3A, %dma_start3A] : memref<65536x1024xf32, #tpu.memory_space<hbm>> -> memref<16x1024xf32, #tpu.memory_space<hbm>>
        %dma_start3A_1068 = arith.constant 0 : i32
        %dma_start3A_1069 = tpu.memref_slice %arg4[%multiple_of3A, %dma_start3A_1068] : memref<65536x1024xf32, #tpu.memory_space<hbm>> -> memref<16x1024xf32, #tpu.memory_space<hbm>>
        tpu.enqueue_dma source(%arg14 : memref<16x1024xf32, #tpu.memory_space<vmem>>) target(%dma_start3A_1069 : memref<16x1024xf32, #tpu.memory_space<hbm>>) target_semaphore(%arg18 : memref<!tpu.dma_semaphore, #tpu.memory_space<semaphore_mem>>)
        %add3A_1070 = arith.constant 16 : i32
        %add3A_1071 = arith.addi %add3A_815, %add3A_1070 : i32
        %multiple_of3A_1072 = tpu.assume_multiple %add3A_1071, 8 : i32
        %dma_start3A_1073 = arith.constant 0 : i32
        %dma_start3A_1074 = tpu.memref_slice %arg4[%multiple_of3A_1072, %dma_start3A_1073] : memref<65536x1024xf32, #tpu.memory_space<hbm>> -> memref<16x1024xf32, #tpu.memory_space<hbm>>
        %dma_start3A_1075 = arith.constant 0 : i32
        %dma_start3A_1076 = tpu.memref_slice %arg4[%multiple_of3A_1072, %dma_start3A_1075] : memref<65536x1024xf32, #tpu.memory_space<hbm>> -> memref<16x1024xf32, #tpu.memory_space<hbm>>
        tpu.enqueue_dma source(%arg14 : memref<16x1024xf32, #tpu.memory_space<vmem>>) target(%dma_start3A_1076 : memref<16x1024xf32, #tpu.memory_space<hbm>>) target_semaphore(%arg18 : memref<!tpu.dma_semaphore, #tpu.memory_space<semaphore_mem>>)
      } else {
      }
      %not3A_834 = arith.constant true
      %not3A_835 = arith.xori %eq3A_817, %not3A_834 : i1
      %convert_element_type3A_836 = arith.extui %not3A_835 : i1 to i32
      %cond3A_837 = arith.constant 0 : i32
      %cond3A_838 = arith.cmpi ne, %convert_element_type3A_836, %cond3A_837 : i32
      scf.if %cond3A_838 {
        %multiple_of3A = tpu.assume_multiple %add3A_815, 8 : i32
        %dma_start3A = arith.constant 0 : i32
        %dma_start3A_1065 = tpu.memref_slice %arg4[%multiple_of3A, %dma_start3A] : memref<65536x1024xf32, #tpu.memory_space<hbm>> -> memref<32x1024xf32, #tpu.memory_space<hbm>>
        %dma_start3A_1066 = arith.constant 0 : i32
        %dma_start3A_1067 = tpu.memref_slice %arg4[%multiple_of3A, %dma_start3A_1066] : memref<65536x1024xf32, #tpu.memory_space<hbm>> -> memref<32x1024xf32, #tpu.memory_space<hbm>>
        tpu.enqueue_dma source(%arg8 : memref<32x1024xf32, #tpu.memory_space<vmem>>) target(%dma_start3A_1067 : memref<32x1024xf32, #tpu.memory_space<hbm>>) target_semaphore(%arg18 : memref<!tpu.dma_semaphore, #tpu.memory_space<semaphore_mem>>)
      } else {
      }
      %ge3A_839 = arith.constant 1 : i32
      %ge3A_840 = arith.cmpi sge, %add3A_751, %ge3A_839 : i32
      %convert_element_type3A_841 = arith.extui %ge3A_840 : i1 to i32
      %cond3A_842 = arith.constant 0 : i32
      %cond3A_843 = arith.cmpi ne, %convert_element_type3A_841, %cond3A_842 : i32
      scf.if %cond3A_843 {
        %sub3A_1065 = arith.constant 1 : i32
        %sub3A_1066 = arith.subi %add3A_751, %sub3A_1065 : i32
        %jit3A_1067 = arith.constant 4 : i32
        %div3A_1068 = arith.divsi %sub3A_1066, %jit3A_1067 : i32
        %sign3A_1069 = arith.constant 0 : i32
        %sign3A_1070 = arith.cmpi sgt, %sub3A_1066, %sign3A_1069 : i32
        %sign3A_1071 = arith.extui %sign3A_1070 : i1 to i32
        %sign3A_1072 = arith.constant 0 : i32
        %sign3A_1073 = arith.cmpi slt, %sub3A_1066, %sign3A_1072 : i32
        %sign3A_1074 = arith.extui %sign3A_1073 : i1 to i32
        %sign3A_1075 = arith.subi %sign3A_1071, %sign3A_1074 : i32
        %sign3A_1076 = arith.constant 0 : i32
        %sign3A_1077 = arith.cmpi sgt, %jit3A_1067, %sign3A_1076 : i32
        %sign3A_1078 = arith.extui %sign3A_1077 : i1 to i32
        %sign3A_1079 = arith.constant 0 : i32
        %sign3A_1080 = arith.cmpi slt, %jit3A_1067, %sign3A_1079 : i32
        %sign3A_1081 = arith.extui %sign3A_1080 : i1 to i32
        %sign3A_1082 = arith.subi %sign3A_1078, %sign3A_1081 : i32
        %ne3A_1083 = arith.cmpi ne, %sign3A_1075, %sign3A_1082 : i32
        %rem3A_1084 = arith.remsi %sub3A_1066, %jit3A_1067 : i32
        %ne3A_1085 = arith.constant 0 : i32
        %ne3A_1086 = arith.cmpi ne, %rem3A_1084, %ne3A_1085 : i32
        %and3A_1087 = arith.andi %ne3A_1083, %ne3A_1086 : i1
        %sub3A_1088 = arith.constant 1 : i32
        %sub3A_1089 = arith.subi %div3A_1068, %sub3A_1088 : i32
        %select_n3A_1090 = arith.select %and3A_1087, %sub3A_1089, %div3A_1068 : i32
        %jit3A_1091 = arith.constant 4 : i32
        %eq3A_1092 = arith.constant 0 : i32
        %eq3A_1093 = arith.cmpi eq, %jit3A_1091, %eq3A_1092 : i32
        %jit3A_1094 = arith.constant 1 : i32
        %select_n3A_1095 = arith.select %eq3A_1093, %jit3A_1094, %jit3A_1091 : i32
        %rem3A_1096 = arith.remsi %sub3A_1066, %select_n3A_1095 : i32
        %ne3A_1097 = arith.constant 0 : i32
        %ne3A_1098 = arith.cmpi ne, %rem3A_1096, %ne3A_1097 : i32
        %lt3A_1099 = arith.constant 0 : i32
        %lt3A_1100 = arith.cmpi slt, %rem3A_1096, %lt3A_1099 : i32
        %lt3A_1101 = arith.constant 0 : i32
        %lt3A_1102 = arith.cmpi slt, %select_n3A_1095, %lt3A_1101 : i32
        %ne3A_1103 = arith.xori %lt3A_1100, %lt3A_1102 : i1
        %and3A_1104 = arith.andi %ne3A_1103, %ne3A_1098 : i1
        %add3A_1105 = arith.addi %rem3A_1096, %select_n3A_1095 : i32
        %select_n3A_1106 = arith.select %and3A_1104, %add3A_1105, %rem3A_1096 : i32
        %mul3A_1107 = arith.constant 16 : i32
        %mul3A_1108 = arith.muli %select_n3A_1090, %mul3A_1107 : i32
        %get3A_1109 = arith.index_cast %mul3A_1108 : i32 to index
        %get3A_1110 = tpu.vector_load %arg6[%get3A_1109] {strides = array<i32>} : memref<256xi32, #tpu.memory_space<vmem>>, vector<16xi32>,
        %get3A_1111 = vector.shape_cast %get3A_1110 : vector<16xi32> to vector<16xi32>
        %slice3A_1112 = vector.extract_strided_slice %get3A_1111 {offsets = [0], sizes = [1], strides = [1]} : vector<16xi32> to vector<1xi32>
        %squeeze3A_1113 = vector.extract %slice3A_1112[0] : i32 from vector<1xi32>
        %mul3A_1114 = arith.constant 16 : i32
        %mul3A_1115 = arith.muli %select_n3A_1090, %mul3A_1114 : i32
        %get3A_1116 = arith.index_cast %mul3A_1115 : i32 to index
        %get3A_1117 = tpu.vector_load %arg7[%get3A_1116] {strides = array<i32>} : memref<256xi32, #tpu.memory_space<vmem>>, vector<16xi32>,
        %get3A_1118 = vector.shape_cast %get3A_1117 : vector<16xi32> to vector<16xi32>
        %slice3A_1119 = vector.extract_strided_slice %get3A_1118 {offsets = [0], sizes = [1], strides = [1]} : vector<16xi32> to vector<1xi32>
        %squeeze3A_1120 = vector.extract %slice3A_1119[0] : i32 from vector<1xi32>
        %mul3A_1121 = arith.constant 32 : i32
        %mul3A_1122 = arith.muli %add3A, %mul3A_1121 : i32
        %mul3A_1123 = arith.constant 1024 : i32
        %mul3A_1124 = arith.muli %select_n3A_1106, %mul3A_1123 : i32
        %add3A_1125 = arith.addi %mul3A_1122, %mul3A_1124 : i32
        %sub3A_1126 = arith.subi %squeeze3A_1113, %add3A_1125 : i32
        %jit3A_1127 = arith.constant 0 : i32
        %jit3A_1128 = arith.constant 32 : i32
        %max3A_1129 = arith.maxsi %jit3A_1127, %sub3A_1126 : i32
        %min3A_1130 = arith.minsi %jit3A_1128, %max3A_1129 : i32
        %add3A_1131 = arith.addi %squeeze3A_1120, %add3A_1125 : i32
        %mul3A_1132 = arith.constant 4096 : i32
        %mul3A_1133 = arith.muli %select_n3A_1090, %mul3A_1132 : i32
        %add3A_1134 = arith.addi %mul3A_1133, %add3A_1125 : i32
        %eq3A_1135 = arith.constant 0 : i32
        %eq3A_1136 = arith.cmpi eq, %min3A_1130, %eq3A_1135 : i32
        %convert_element_type3A_1137 = arith.extui %eq3A_1136 : i1 to i32
        %cond3A_1138 = arith.constant 0 : i32
        %cond3A_1139 = arith.cmpi ne, %convert_element_type3A_1137, %cond3A_1138 : i32
        scf.if %cond3A_1139 {
          %dma_wait3A = arith.constant 0 : i32
          %dma_wait3A_1145 = arith.constant 0 : i32
          %dma_wait3A_1146 = tpu.memref_slice %arg4[%dma_wait3A, %dma_wait3A_1145] : memref<65536x1024xf32, #tpu.memory_space<hbm>> -> memref<16x1024xf32, #tpu.memory_space<hbm>>
          %dma_wait3A_1147 = arith.constant 0 : i32
          %dma_wait3A_1148 = arith.constant 0 : i32
          %dma_wait3A_1149 = tpu.memref_slice %arg4[%dma_wait3A_1147, %dma_wait3A_1148] : memref<65536x1024xf32, #tpu.memory_space<hbm>> -> memref<16x1024xf32, #tpu.memory_space<hbm>>
          tpu.wait_dma2 semaphore(%arg20 : memref<!tpu.dma_semaphore, #tpu.memory_space<semaphore_mem>>) src(%arg14 : memref<16x1024xf32, #tpu.memory_space<vmem>>) dst(%dma_wait3A_1149 : memref<16x1024xf32, #tpu.memory_space<hbm>>)
          %dma_wait3A_1150 = arith.constant 0 : i32
          %dma_wait3A_1151 = arith.constant 0 : i32
          %dma_wait3A_1152 = tpu.memref_slice %arg4[%dma_wait3A_1150, %dma_wait3A_1151] : memref<65536x1024xf32, #tpu.memory_space<hbm>> -> memref<16x1024xf32, #tpu.memory_space<hbm>>
          %dma_wait3A_1153 = arith.constant 0 : i32
          %dma_wait3A_1154 = arith.constant 0 : i32
          %dma_wait3A_1155 = tpu.memref_slice %arg4[%dma_wait3A_1153, %dma_wait3A_1154] : memref<65536x1024xf32, #tpu.memory_space<hbm>> -> memref<16x1024xf32, #tpu.memory_space<hbm>>
          tpu.wait_dma2 semaphore(%arg20 : memref<!tpu.dma_semaphore, #tpu.memory_space<semaphore_mem>>) src(%arg14 : memref<16x1024xf32, #tpu.memory_space<vmem>>) dst(%dma_wait3A_1155 : memref<16x1024xf32, #tpu.memory_space<hbm>>)
        } else {
        }
        %gt3A_1140 = arith.constant 0 : i32
        %gt3A_1141 = arith.cmpi sgt, %min3A_1130, %gt3A_1140 : i32
        %convert_element_type3A_1142 = arith.extui %gt3A_1141 : i1 to i32
        %cond3A_1143 = arith.constant 0 : i32
        %cond3A_1144 = arith.cmpi ne, %convert_element_type3A_1142, %cond3A_1143 : i32
        scf.if %cond3A_1144 {
          %dma_wait3A = arith.constant 0 : i32
          %dma_wait3A_1145 = arith.constant 0 : i32
          %dma_wait3A_1146 = tpu.memref_slice %arg4[%dma_wait3A, %dma_wait3A_1145] : memref<65536x1024xf32, #tpu.memory_space<hbm>> -> memref<32x1024xf32, #tpu.memory_space<hbm>>
          %dma_wait3A_1147 = arith.constant 0 : i32
          %dma_wait3A_1148 = arith.constant 0 : i32
          %dma_wait3A_1149 = tpu.memref_slice %arg4[%dma_wait3A_1147, %dma_wait3A_1148] : memref<65536x1024xf32, #tpu.memory_space<hbm>> -> memref<32x1024xf32, #tpu.memory_space<hbm>>
          tpu.wait_dma2 semaphore(%arg20 : memref<!tpu.dma_semaphore, #tpu.memory_space<semaphore_mem>>) src(%arg10 : memref<32x1024xf32, #tpu.memory_space<vmem>>) dst(%dma_wait3A_1149 : memref<32x1024xf32, #tpu.memory_space<hbm>>)
        } else {
        }
      } else {
      }
      %add3A_844 = arith.constant 2 : i32
      %add3A_845 = arith.addi %add3A_751, %add3A_844 : i32
      %le3A = arith.constant 63 : i32
      %le3A_846 = arith.cmpi sle, %add3A_845, %le3A : i32
      %convert_element_type3A_847 = arith.extui %le3A_846 : i1 to i32
      %cond3A_848 = arith.constant 0 : i32
      %cond3A_849 = arith.cmpi ne, %convert_element_type3A_847, %cond3A_848 : i32
      scf.if %cond3A_849 {
        %add3A_1065 = arith.constant 2 : i32
        %add3A_1066 = arith.addi %add3A_751, %add3A_1065 : i32
        %jit3A_1067 = arith.constant 4 : i32
        %div3A_1068 = arith.divsi %add3A_1066, %jit3A_1067 : i32
        %sign3A_1069 = arith.constant 0 : i32
        %sign3A_1070 = arith.cmpi sgt, %add3A_1066, %sign3A_1069 : i32
        %sign3A_1071 = arith.extui %sign3A_1070 : i1 to i32
        %sign3A_1072 = arith.constant 0 : i32
        %sign3A_1073 = arith.cmpi slt, %add3A_1066, %sign3A_1072 : i32
        %sign3A_1074 = arith.extui %sign3A_1073 : i1 to i32
        %sign3A_1075 = arith.subi %sign3A_1071, %sign3A_1074 : i32
        %sign3A_1076 = arith.constant 0 : i32
        %sign3A_1077 = arith.cmpi sgt, %jit3A_1067, %sign3A_1076 : i32
        %sign3A_1078 = arith.extui %sign3A_1077 : i1 to i32
        %sign3A_1079 = arith.constant 0 : i32
        %sign3A_1080 = arith.cmpi slt, %jit3A_1067, %sign3A_1079 : i32
        %sign3A_1081 = arith.extui %sign3A_1080 : i1 to i32
        %sign3A_1082 = arith.subi %sign3A_1078, %sign3A_1081 : i32
        %ne3A_1083 = arith.cmpi ne, %sign3A_1075, %sign3A_1082 : i32
        %rem3A_1084 = arith.remsi %add3A_1066, %jit3A_1067 : i32
        %ne3A_1085 = arith.constant 0 : i32
        %ne3A_1086 = arith.cmpi ne, %rem3A_1084, %ne3A_1085 : i32
        %and3A_1087 = arith.andi %ne3A_1083, %ne3A_1086 : i1
        %sub3A_1088 = arith.constant 1 : i32
        %sub3A_1089 = arith.subi %div3A_1068, %sub3A_1088 : i32
        %select_n3A_1090 = arith.select %and3A_1087, %sub3A_1089, %div3A_1068 : i32
        %jit3A_1091 = arith.constant 4 : i32
        %eq3A_1092 = arith.constant 0 : i32
        %eq3A_1093 = arith.cmpi eq, %jit3A_1091, %eq3A_1092 : i32
        %jit3A_1094 = arith.constant 1 : i32
        %select_n3A_1095 = arith.select %eq3A_1093, %jit3A_1094, %jit3A_1091 : i32
        %rem3A_1096 = arith.remsi %add3A_1066, %select_n3A_1095 : i32
        %ne3A_1097 = arith.constant 0 : i32
        %ne3A_1098 = arith.cmpi ne, %rem3A_1096, %ne3A_1097 : i32
        %lt3A_1099 = arith.constant 0 : i32
        %lt3A_1100 = arith.cmpi slt, %rem3A_1096, %lt3A_1099 : i32
        %lt3A_1101 = arith.constant 0 : i32
        %lt3A_1102 = arith.cmpi slt, %select_n3A_1095, %lt3A_1101 : i32
        %ne3A_1103 = arith.xori %lt3A_1100, %lt3A_1102 : i1
        %and3A_1104 = arith.andi %ne3A_1103, %ne3A_1098 : i1
        %add3A_1105 = arith.addi %rem3A_1096, %select_n3A_1095 : i32
        %select_n3A_1106 = arith.select %and3A_1104, %add3A_1105, %rem3A_1096 : i32
        %mul3A_1107 = arith.constant 16 : i32
        %mul3A_1108 = arith.muli %select_n3A_1090, %mul3A_1107 : i32
        %get3A_1109 = arith.index_cast %mul3A_1108 : i32 to index
        %get3A_1110 = tpu.vector_load %arg6[%get3A_1109] {strides = array<i32>} : memref<256xi32, #tpu.memory_space<vmem>>, vector<16xi32>,
        %get3A_1111 = vector.shape_cast %get3A_1110 : vector<16xi32> to vector<16xi32>
        %slice3A_1112 = vector.extract_strided_slice %get3A_1111 {offsets = [0], sizes = [1], strides = [1]} : vector<16xi32> to vector<1xi32>
        %squeeze3A_1113 = vector.extract %slice3A_1112[0] : i32 from vector<1xi32>
        %mul3A_1114 = arith.constant 16 : i32
        %mul3A_1115 = arith.muli %select_n3A_1090, %mul3A_1114 : i32
        %get3A_1116 = arith.index_cast %mul3A_1115 : i32 to index
        %get3A_1117 = tpu.vector_load %arg7[%get3A_1116] {strides = array<i32>} : memref<256xi32, #tpu.memory_space<vmem>>, vector<16xi32>,
        %get3A_1118 = vector.shape_cast %get3A_1117 : vector<16xi32> to vector<16xi32>
        %slice3A_1119 = vector.extract_strided_slice %get3A_1118 {offsets = [0], sizes = [1], strides = [1]} : vector<16xi32> to vector<1xi32>
        %squeeze3A_1120 = vector.extract %slice3A_1119[0] : i32 from vector<1xi32>
        %mul3A_1121 = arith.constant 32 : i32
        %mul3A_1122 = arith.muli %add3A, %mul3A_1121 : i32
        %mul3A_1123 = arith.constant 1024 : i32
        %mul3A_1124 = arith.muli %select_n3A_1106, %mul3A_1123 : i32
        %add3A_1125 = arith.addi %mul3A_1122, %mul3A_1124 : i32
        %sub3A_1126 = arith.subi %squeeze3A_1113, %add3A_1125 : i32
        %jit3A_1127 = arith.constant 0 : i32
        %jit3A_1128 = arith.constant 32 : i32
        %max3A_1129 = arith.maxsi %jit3A_1127, %sub3A_1126 : i32
        %min3A_1130 = arith.minsi %jit3A_1128, %max3A_1129 : i32
        %add3A_1131 = arith.addi %squeeze3A_1120, %add3A_1125 : i32
        %mul3A_1132 = arith.constant 4096 : i32
        %mul3A_1133 = arith.muli %select_n3A_1090, %mul3A_1132 : i32
        %add3A_1134 = arith.addi %mul3A_1133, %add3A_1125 : i32
        %gt3A_1135 = arith.constant 0 : i32
        %gt3A_1136 = arith.cmpi sgt, %min3A_1130, %gt3A_1135 : i32
        %convert_element_type3A_1137 = arith.extui %gt3A_1136 : i1 to i32
        %cond3A_1138 = arith.constant 0 : i32
        %cond3A_1139 = arith.cmpi ne, %convert_element_type3A_1137, %cond3A_1138 : i32
        scf.if %cond3A_1139 {
          %add3A_1140 = arith.constant 0 : i32
          %add3A_1141 = vector.broadcast %add3A_1140 : i32 to vector<16xi32>
          %add3A_1142 = arith.addi %add3A_1141, %iota3A : vector<16xi32>
          %lt3A_1143 = vector.broadcast %min3A_1130 : i32 to vector<16xi32>
          %lt3A_1144 = arith.cmpi slt, %add3A_1142, %lt3A_1143 : vector<16xi32>
          %add3A_1145 = vector.broadcast %add3A_1131 : i32 to vector<16xi32>
          %add3A_1146 = arith.addi %add3A_1145, %add3A_1142 : vector<16xi32>
          %jit3A_1147 = arith.constant 0 : i32
          %broadcast_in_dim3A_1148 = vector.broadcast %jit3A_1147 : i32 to vector<16xi32>
          %select_n3A_1149 = arith.select %lt3A_1144, %add3A_1146, %broadcast_in_dim3A_1148 : vector<16xi1>, vector<16xi32>
          %swap3A_1150 = arith.constant 0 : index
          %swap3A_1151 = tpu.vector_load %arg13[%swap3A_1150] {strides = array<i32>} : memref<32xi32, #tpu.memory_space<vmem>>, vector<16xi32>,
          %swap3A_1152 = vector.shape_cast %swap3A_1151 : vector<16xi32> to vector<16xi32>
          %swap3A_1153 = vector.shape_cast %select_n3A_1149 : vector<16xi32> to vector<16xi32>
          tpu.vector_store %arg13[%swap3A_1150], %swap3A_1153 {strides = array<i32>} : memref<32xi32, #tpu.memory_space<vmem>>, vector<16xi32>,
          %add3A_1154 = arith.constant 16 : i32
          %add3A_1155 = vector.broadcast %add3A_1154 : i32 to vector<16xi32>
          %add3A_1156 = arith.addi %add3A_1155, %iota3A : vector<16xi32>
          %lt3A_1157 = vector.broadcast %min3A_1130 : i32 to vector<16xi32>
          %lt3A_1158 = arith.cmpi slt, %add3A_1156, %lt3A_1157 : vector<16xi32>
          %add3A_1159 = vector.broadcast %add3A_1131 : i32 to vector<16xi32>
          %add3A_1160 = arith.addi %add3A_1159, %add3A_1156 : vector<16xi32>
          %jit3A_1161 = arith.constant 0 : i32
          %broadcast_in_dim3A_1162 = vector.broadcast %jit3A_1161 : i32 to vector<16xi32>
          %select_n3A_1163 = arith.select %lt3A_1158, %add3A_1160, %broadcast_in_dim3A_1162 : vector<16xi1>, vector<16xi32>
          %swap3A_1164 = arith.constant 16 : index
          %swap3A_1165 = tpu.vector_load %arg13[%swap3A_1164] {strides = array<i32>} : memref<32xi32, #tpu.memory_space<vmem>>, vector<16xi32>,
          %swap3A_1166 = vector.shape_cast %swap3A_1165 : vector<16xi32> to vector<16xi32>
          %swap3A_1167 = vector.shape_cast %select_n3A_1163 : vector<16xi32> to vector<16xi32>
          tpu.vector_store %arg13[%swap3A_1164], %swap3A_1167 {strides = array<i32>} : memref<32xi32, #tpu.memory_space<vmem>>, vector<16xi32>,
          %dma_start3A = arith.constant 0 : i32
          %dma_start3A_1168 = arith.constant 0 : i32
          %dma_start3A_1169 = tpu.memref_slice %arg2[%dma_start3A, %dma_start3A_1168] : memref<38086x1024xf32, #tpu.memory_space<hbm>> -> memref<38086x1024xf32, #tpu.memory_space<hbm>>
          tpu.enqueue_indirect_dma source(%dma_start3A_1169 : memref<38086x1024xf32, #tpu.memory_space<hbm>>) target(%arg10 : memref<32x1024xf32, #tpu.memory_space<vmem>>) offsets(%arg13 : memref<32xi32, #tpu.memory_space<vmem>>) semaphore(%arg17 : memref<!tpu.dma_semaphore, #tpu.memory_space<semaphore_mem>>)
        } else {
        }
      } else {
      }
      %mul3A_850 = arith.constant 3 : i32
      %mul3A_851 = arith.muli %mul3A_850, %scan3A_746 : i32
      %add3A_852 = arith.constant 1 : i32
      %add3A_853 = arith.addi %mul3A_851, %add3A_852 : i32
      %jit3A_854 = arith.constant 4 : i32
      %div3A_855 = arith.divsi %add3A_853, %jit3A_854 : i32
      %sign3A_856 = arith.constant 0 : i32
      %sign3A_857 = arith.cmpi sgt, %add3A_853, %sign3A_856 : i32
      %sign3A_858 = arith.extui %sign3A_857 : i1 to i32
      %sign3A_859 = arith.constant 0 : i32
      %sign3A_860 = arith.cmpi slt, %add3A_853, %sign3A_859 : i32
      %sign3A_861 = arith.extui %sign3A_860 : i1 to i32
      %sign3A_862 = arith.subi %sign3A_858, %sign3A_861 : i32
      %sign3A_863 = arith.constant 0 : i32
      %sign3A_864 = arith.cmpi sgt, %jit3A_854, %sign3A_863 : i32
      %sign3A_865 = arith.extui %sign3A_864 : i1 to i32
      %sign3A_866 = arith.constant 0 : i32
      %sign3A_867 = arith.cmpi slt, %jit3A_854, %sign3A_866 : i32
      %sign3A_868 = arith.extui %sign3A_867 : i1 to i32
      %sign3A_869 = arith.subi %sign3A_865, %sign3A_868 : i32
      %ne3A_870 = arith.cmpi ne, %sign3A_862, %sign3A_869 : i32
      %rem3A_871 = arith.remsi %add3A_853, %jit3A_854 : i32
      %ne3A_872 = arith.constant 0 : i32
      %ne3A_873 = arith.cmpi ne, %rem3A_871, %ne3A_872 : i32
      %and3A_874 = arith.andi %ne3A_870, %ne3A_873 : i1
      %sub3A_875 = arith.constant 1 : i32
      %sub3A_876 = arith.subi %div3A_855, %sub3A_875 : i32
      %select_n3A_877 = arith.select %and3A_874, %sub3A_876, %div3A_855 : i32
      %jit3A_878 = arith.constant 4 : i32
      %eq3A_879 = arith.constant 0 : i32
      %eq3A_880 = arith.cmpi eq, %jit3A_878, %eq3A_879 : i32
      %jit3A_881 = arith.constant 1 : i32
      %select_n3A_882 = arith.select %eq3A_880, %jit3A_881, %jit3A_878 : i32
      %rem3A_883 = arith.remsi %add3A_853, %select_n3A_882 : i32
      %ne3A_884 = arith.constant 0 : i32
      %ne3A_885 = arith.cmpi ne, %rem3A_883, %ne3A_884 : i32
      %lt3A_886 = arith.constant 0 : i32
      %lt3A_887 = arith.cmpi slt, %rem3A_883, %lt3A_886 : i32
      %lt3A_888 = arith.constant 0 : i32
      %lt3A_889 = arith.cmpi slt, %select_n3A_882, %lt3A_888 : i32
      %ne3A_890 = arith.xori %lt3A_887, %lt3A_889 : i1
      %and3A_891 = arith.andi %ne3A_890, %ne3A_885 : i1
      %add3A_892 = arith.addi %rem3A_883, %select_n3A_882 : i32
      %select_n3A_893 = arith.select %and3A_891, %add3A_892, %rem3A_883 : i32
      %mul3A_894 = arith.constant 16 : i32
      %mul3A_895 = arith.muli %select_n3A_877, %mul3A_894 : i32
      %get3A_896 = arith.index_cast %mul3A_895 : i32 to index
      %get3A_897 = tpu.vector_load %arg6[%get3A_896] {strides = array<i32>} : memref<256xi32, #tpu.memory_space<vmem>>, vector<16xi32>,
      %get3A_898 = vector.shape_cast %get3A_897 : vector<16xi32> to vector<16xi32>
      %slice3A_899 = vector.extract_strided_slice %get3A_898 {offsets = [0], sizes = [1], strides = [1]} : vector<16xi32> to vector<1xi32>
      %squeeze3A_900 = vector.extract %slice3A_899[0] : i32 from vector<1xi32>
      %mul3A_901 = arith.constant 16 : i32
      %mul3A_902 = arith.muli %select_n3A_877, %mul3A_901 : i32
      %get3A_903 = arith.index_cast %mul3A_902 : i32 to index
      %get3A_904 = tpu.vector_load %arg7[%get3A_903] {strides = array<i32>} : memref<256xi32, #tpu.memory_space<vmem>>, vector<16xi32>,
      %get3A_905 = vector.shape_cast %get3A_904 : vector<16xi32> to vector<16xi32>
      %slice3A_906 = vector.extract_strided_slice %get3A_905 {offsets = [0], sizes = [1], strides = [1]} : vector<16xi32> to vector<1xi32>
      %squeeze3A_907 = vector.extract %slice3A_906[0] : i32 from vector<1xi32>
      %mul3A_908 = arith.constant 32 : i32
      %mul3A_909 = arith.muli %add3A, %mul3A_908 : i32
      %mul3A_910 = arith.constant 1024 : i32
      %mul3A_911 = arith.muli %select_n3A_893, %mul3A_910 : i32
      %add3A_912 = arith.addi %mul3A_909, %mul3A_911 : i32
      %sub3A_913 = arith.subi %squeeze3A_900, %add3A_912 : i32
      %jit3A_914 = arith.constant 0 : i32
      %jit3A_915 = arith.constant 32 : i32
      %max3A_916 = arith.maxsi %jit3A_914, %sub3A_913 : i32
      %min3A_917 = arith.minsi %jit3A_915, %max3A_916 : i32
      %add3A_918 = arith.addi %squeeze3A_907, %add3A_912 : i32
      %mul3A_919 = arith.constant 4096 : i32
      %mul3A_920 = arith.muli %select_n3A_877, %mul3A_919 : i32
      %add3A_921 = arith.addi %mul3A_920, %add3A_912 : i32
      %eq3A_922 = arith.constant 0 : i32
      %eq3A_923 = arith.cmpi eq, %min3A_917, %eq3A_922 : i32
      %gt3A_924 = arith.constant 0 : i32
      %gt3A_925 = arith.cmpi sgt, %min3A_917, %gt3A_924 : i32
      %lt3A_926 = arith.constant 32 : i32
      %lt3A_927 = arith.cmpi slt, %min3A_917, %lt3A_926 : i32
      %and3A_928 = arith.andi %gt3A_925, %lt3A_927 : i1
      %gt3A_929 = arith.constant 0 : i32
      %gt3A_930 = arith.cmpi sgt, %min3A_917, %gt3A_929 : i32
      %convert_element_type3A_931 = arith.extui %gt3A_930 : i1 to i32
      %cond3A_932 = arith.constant 0 : i32
      %cond3A_933 = arith.cmpi ne, %convert_element_type3A_931, %cond3A_932 : i32
      scf.if %cond3A_933 {
        %dma_wait3A = arith.constant 0 : i32
        %dma_wait3A_1065 = arith.constant 0 : i32
        %dma_wait3A_1066 = tpu.memref_slice %arg2[%dma_wait3A, %dma_wait3A_1065] : memref<38086x1024xf32, #tpu.memory_space<hbm>> -> memref<38086x1024xf32, #tpu.memory_space<hbm>>
        tpu.wait_indirect_dma semaphore(%arg16 : memref<!tpu.dma_semaphore, #tpu.memory_space<semaphore_mem>>) src(%dma_wait3A_1066 : memref<38086x1024xf32, #tpu.memory_space<hbm>>) dst(%arg9 : memref<32x1024xf32, #tpu.memory_space<vmem>>)
      } else {
      }
      %convert_element_type3A_934 = arith.extui %and3A_928 : i1 to i32
      %cond3A_935 = arith.constant 0 : i32
      %cond3A_936 = arith.cmpi ne, %convert_element_type3A_934, %cond3A_935 : i32
      scf.if %cond3A_936 {
        %while3A = arith.constant 32 : i32
        %while3A_1065 = arith.constant 0 : i32
        %while3A_1066 = arith.subi %while3A, %min3A_917 : i32
        %while3A_1067 = arith.addi %min3A_917, %while3A_1066 : i32
        %while3A_1068 = arith.constant 1 : i32
        %while3A_1069 = arith.divsi %while3A_1066, %while3A_1068 : i32
        %while3A_1070 = arith.muli %while3A_1069, %while3A_1068 : i32
        %while3A_1071 = arith.addi %min3A_917, %while3A_1070 : i32
        %while3A_1072 = arith.constant 1 : i32
        %while3A_1073 = scf.for %while3A_1076 = %min3A_917 to %while3A_1071 step %while3A_1072 iter_args(%while3A_1077 = %while3A_1065) -> (i32)  : i32 {
          %scan3A_1078 = arith.constant 0 : i32
          %scan3A_1079 = arith.constant 0 : i32
          %scan3A_1080 = arith.constant 64 : i32
          %scan3A_1081 = arith.addi %scan3A_1079, %scan3A_1080 : i32
          %scan3A_1082 = arith.constant 1 : i32
          %scan3A_1083 = scf.for %scan3A_1085 = %scan3A_1079 to %scan3A_1081 step %scan3A_1082 iter_args(%scan3A_1086 = %scan3A_1078) -> (i32)  : i32 {
            %broadcast_in_dim3A_1087 = arith.constant 0.000000e+00 : f32
            %broadcast_in_dim3A_1088 = vector.broadcast %broadcast_in_dim3A_1087 : f32 to vector<16xf32>
            %mul3A_1089 = arith.constant 16 : i32
            %mul3A_1090 = arith.muli %scan3A_1085, %mul3A_1089 : i32
            %swap3A_1091 = arith.index_cast %while3A_1076 : i32 to index
            %swap3A_1092 = arith.index_cast %mul3A_1090 : i32 to index
            %swap3A_1093 = tpu.vector_load %arg9[%swap3A_1091, %swap3A_1092] {strides = array<i32>} : memref<32x1024xf32, #tpu.memory_space<vmem>>, vector<1x16xf32>,
            %swap3A_1094 = vector.shape_cast %swap3A_1093 : vector<1x16xf32> to vector<16xf32>
            %swap3A_1095 = vector.shape_cast %broadcast_in_dim3A_1088 : vector<16xf32> to vector<1x16xf32>
            tpu.vector_store %arg9[%swap3A_1091, %swap3A_1092], %swap3A_1095 {strides = array<i32>} : memref<32x1024xf32, #tpu.memory_space<vmem>>, vector<1x16xf32>,
            %scan3A_1096 = arith.constant 0 : i32
            scf.yield %scan3A_1096 : i32
          }
          %scan3A_1084 = arith.constant 64 : i32
          scf.yield %scan3A_1083 : i32
        }
        %while3A_1074 = arith.constant 1 : i32
        %while3A_1075 = scf.for %while3A_1076 = %while3A_1071 to %while3A_1067 step %while3A_1074 iter_args(%while3A_1077 = %while3A_1073) -> (i32)  : i32 {
          %scan3A_1078 = arith.constant 0 : i32
          %scan3A_1079 = arith.constant 0 : i32
          %scan3A_1080 = arith.constant 64 : i32
          %scan3A_1081 = arith.addi %scan3A_1079, %scan3A_1080 : i32
          %scan3A_1082 = arith.constant 1 : i32
          %scan3A_1083 = scf.for %scan3A_1085 = %scan3A_1079 to %scan3A_1081 step %scan3A_1082 iter_args(%scan3A_1086 = %scan3A_1078) -> (i32)  : i32 {
            %broadcast_in_dim3A_1087 = arith.constant 0.000000e+00 : f32
            %broadcast_in_dim3A_1088 = vector.broadcast %broadcast_in_dim3A_1087 : f32 to vector<16xf32>
            %mul3A_1089 = arith.constant 16 : i32
            %mul3A_1090 = arith.muli %scan3A_1085, %mul3A_1089 : i32
            %swap3A_1091 = arith.index_cast %while3A_1076 : i32 to index
            %swap3A_1092 = arith.index_cast %mul3A_1090 : i32 to index
            %swap3A_1093 = tpu.vector_load %arg9[%swap3A_1091, %swap3A_1092] {strides = array<i32>} : memref<32x1024xf32, #tpu.memory_space<vmem>>, vector<1x16xf32>,
            %swap3A_1094 = vector.shape_cast %swap3A_1093 : vector<1x16xf32> to vector<16xf32>
            %swap3A_1095 = vector.shape_cast %broadcast_in_dim3A_1088 : vector<16xf32> to vector<1x16xf32>
            tpu.vector_store %arg9[%swap3A_1091, %swap3A_1092], %swap3A_1095 {strides = array<i32>} : memref<32x1024xf32, #tpu.memory_space<vmem>>, vector<1x16xf32>,
            %scan3A_1096 = arith.constant 0 : i32
            scf.yield %scan3A_1096 : i32
          }
          %scan3A_1084 = arith.constant 64 : i32
          scf.yield %scan3A_1083 : i32
        }
      } else {
      }
      %convert_element_type3A_937 = arith.extui %eq3A_923 : i1 to i32
      %cond3A_938 = arith.constant 0 : i32
      %cond3A_939 = arith.cmpi ne, %convert_element_type3A_937, %cond3A_938 : i32
      scf.if %cond3A_939 {
        %add3A_1065 = arith.constant 0 : i32
        %add3A_1066 = arith.addi %add3A_921, %add3A_1065 : i32
        %multiple_of3A = tpu.assume_multiple %add3A_1066, 8 : i32
        %dma_start3A = arith.constant 0 : i32
        %dma_start3A_1067 = tpu.memref_slice %arg4[%multiple_of3A, %dma_start3A] : memref<65536x1024xf32, #tpu.memory_space<hbm>> -> memref<16x1024xf32, #tpu.memory_space<hbm>>
        %dma_start3A_1068 = arith.constant 0 : i32
        %dma_start3A_1069 = tpu.memref_slice %arg4[%multiple_of3A, %dma_start3A_1068] : memref<65536x1024xf32, #tpu.memory_space<hbm>> -> memref<16x1024xf32, #tpu.memory_space<hbm>>
        tpu.enqueue_dma source(%arg14 : memref<16x1024xf32, #tpu.memory_space<vmem>>) target(%dma_start3A_1069 : memref<16x1024xf32, #tpu.memory_space<hbm>>) target_semaphore(%arg19 : memref<!tpu.dma_semaphore, #tpu.memory_space<semaphore_mem>>)
        %add3A_1070 = arith.constant 16 : i32
        %add3A_1071 = arith.addi %add3A_921, %add3A_1070 : i32
        %multiple_of3A_1072 = tpu.assume_multiple %add3A_1071, 8 : i32
        %dma_start3A_1073 = arith.constant 0 : i32
        %dma_start3A_1074 = tpu.memref_slice %arg4[%multiple_of3A_1072, %dma_start3A_1073] : memref<65536x1024xf32, #tpu.memory_space<hbm>> -> memref<16x1024xf32, #tpu.memory_space<hbm>>
        %dma_start3A_1075 = arith.constant 0 : i32
        %dma_start3A_1076 = tpu.memref_slice %arg4[%multiple_of3A_1072, %dma_start3A_1075] : memref<65536x1024xf32, #tpu.memory_space<hbm>> -> memref<16x1024xf32, #tpu.memory_space<hbm>>
        tpu.enqueue_dma source(%arg14 : memref<16x1024xf32, #tpu.memory_space<vmem>>) target(%dma_start3A_1076 : memref<16x1024xf32, #tpu.memory_space<hbm>>) target_semaphore(%arg19 : memref<!tpu.dma_semaphore, #tpu.memory_space<semaphore_mem>>)
      } else {
      }
      %not3A_940 = arith.constant true
      %not3A_941 = arith.xori %eq3A_923, %not3A_940 : i1
      %convert_element_type3A_942 = arith.extui %not3A_941 : i1 to i32
      %cond3A_943 = arith.constant 0 : i32
      %cond3A_944 = arith.cmpi ne, %convert_element_type3A_942, %cond3A_943 : i32
      scf.if %cond3A_944 {
        %multiple_of3A = tpu.assume_multiple %add3A_921, 8 : i32
        %dma_start3A = arith.constant 0 : i32
        %dma_start3A_1065 = tpu.memref_slice %arg4[%multiple_of3A, %dma_start3A] : memref<65536x1024xf32, #tpu.memory_space<hbm>> -> memref<32x1024xf32, #tpu.memory_space<hbm>>
        %dma_start3A_1066 = arith.constant 0 : i32
        %dma_start3A_1067 = tpu.memref_slice %arg4[%multiple_of3A, %dma_start3A_1066] : memref<65536x1024xf32, #tpu.memory_space<hbm>> -> memref<32x1024xf32, #tpu.memory_space<hbm>>
        tpu.enqueue_dma source(%arg9 : memref<32x1024xf32, #tpu.memory_space<vmem>>) target(%dma_start3A_1067 : memref<32x1024xf32, #tpu.memory_space<hbm>>) target_semaphore(%arg19 : memref<!tpu.dma_semaphore, #tpu.memory_space<semaphore_mem>>)
      } else {
      }
      %ge3A_945 = arith.constant 1 : i32
      %ge3A_946 = arith.cmpi sge, %add3A_853, %ge3A_945 : i32
      %convert_element_type3A_947 = arith.extui %ge3A_946 : i1 to i32
      %cond3A_948 = arith.constant 0 : i32
      %cond3A_949 = arith.cmpi ne, %convert_element_type3A_947, %cond3A_948 : i32
      scf.if %cond3A_949 {
        %sub3A_1065 = arith.constant 1 : i32
        %sub3A_1066 = arith.subi %add3A_853, %sub3A_1065 : i32
        %jit3A_1067 = arith.constant 4 : i32
        %div3A_1068 = arith.divsi %sub3A_1066, %jit3A_1067 : i32
        %sign3A_1069 = arith.constant 0 : i32
        %sign3A_1070 = arith.cmpi sgt, %sub3A_1066, %sign3A_1069 : i32
        %sign3A_1071 = arith.extui %sign3A_1070 : i1 to i32
        %sign3A_1072 = arith.constant 0 : i32
        %sign3A_1073 = arith.cmpi slt, %sub3A_1066, %sign3A_1072 : i32
        %sign3A_1074 = arith.extui %sign3A_1073 : i1 to i32
        %sign3A_1075 = arith.subi %sign3A_1071, %sign3A_1074 : i32
        %sign3A_1076 = arith.constant 0 : i32
        %sign3A_1077 = arith.cmpi sgt, %jit3A_1067, %sign3A_1076 : i32
        %sign3A_1078 = arith.extui %sign3A_1077 : i1 to i32
        %sign3A_1079 = arith.constant 0 : i32
        %sign3A_1080 = arith.cmpi slt, %jit3A_1067, %sign3A_1079 : i32
        %sign3A_1081 = arith.extui %sign3A_1080 : i1 to i32
        %sign3A_1082 = arith.subi %sign3A_1078, %sign3A_1081 : i32
        %ne3A_1083 = arith.cmpi ne, %sign3A_1075, %sign3A_1082 : i32
        %rem3A_1084 = arith.remsi %sub3A_1066, %jit3A_1067 : i32
        %ne3A_1085 = arith.constant 0 : i32
        %ne3A_1086 = arith.cmpi ne, %rem3A_1084, %ne3A_1085 : i32
        %and3A_1087 = arith.andi %ne3A_1083, %ne3A_1086 : i1
        %sub3A_1088 = arith.constant 1 : i32
        %sub3A_1089 = arith.subi %div3A_1068, %sub3A_1088 : i32
        %select_n3A_1090 = arith.select %and3A_1087, %sub3A_1089, %div3A_1068 : i32
        %jit3A_1091 = arith.constant 4 : i32
        %eq3A_1092 = arith.constant 0 : i32
        %eq3A_1093 = arith.cmpi eq, %jit3A_1091, %eq3A_1092 : i32
        %jit3A_1094 = arith.constant 1 : i32
        %select_n3A_1095 = arith.select %eq3A_1093, %jit3A_1094, %jit3A_1091 : i32
        %rem3A_1096 = arith.remsi %sub3A_1066, %select_n3A_1095 : i32
        %ne3A_1097 = arith.constant 0 : i32
        %ne3A_1098 = arith.cmpi ne, %rem3A_1096, %ne3A_1097 : i32
        %lt3A_1099 = arith.constant 0 : i32
        %lt3A_1100 = arith.cmpi slt, %rem3A_1096, %lt3A_1099 : i32
        %lt3A_1101 = arith.constant 0 : i32
        %lt3A_1102 = arith.cmpi slt, %select_n3A_1095, %lt3A_1101 : i32
        %ne3A_1103 = arith.xori %lt3A_1100, %lt3A_1102 : i1
        %and3A_1104 = arith.andi %ne3A_1103, %ne3A_1098 : i1
        %add3A_1105 = arith.addi %rem3A_1096, %select_n3A_1095 : i32
        %select_n3A_1106 = arith.select %and3A_1104, %add3A_1105, %rem3A_1096 : i32
        %mul3A_1107 = arith.constant 16 : i32
        %mul3A_1108 = arith.muli %select_n3A_1090, %mul3A_1107 : i32
        %get3A_1109 = arith.index_cast %mul3A_1108 : i32 to index
        %get3A_1110 = tpu.vector_load %arg6[%get3A_1109] {strides = array<i32>} : memref<256xi32, #tpu.memory_space<vmem>>, vector<16xi32>,
        %get3A_1111 = vector.shape_cast %get3A_1110 : vector<16xi32> to vector<16xi32>
        %slice3A_1112 = vector.extract_strided_slice %get3A_1111 {offsets = [0], sizes = [1], strides = [1]} : vector<16xi32> to vector<1xi32>
        %squeeze3A_1113 = vector.extract %slice3A_1112[0] : i32 from vector<1xi32>
        %mul3A_1114 = arith.constant 16 : i32
        %mul3A_1115 = arith.muli %select_n3A_1090, %mul3A_1114 : i32
        %get3A_1116 = arith.index_cast %mul3A_1115 : i32 to index
        %get3A_1117 = tpu.vector_load %arg7[%get3A_1116] {strides = array<i32>} : memref<256xi32, #tpu.memory_space<vmem>>, vector<16xi32>,
        %get3A_1118 = vector.shape_cast %get3A_1117 : vector<16xi32> to vector<16xi32>
        %slice3A_1119 = vector.extract_strided_slice %get3A_1118 {offsets = [0], sizes = [1], strides = [1]} : vector<16xi32> to vector<1xi32>
        %squeeze3A_1120 = vector.extract %slice3A_1119[0] : i32 from vector<1xi32>
        %mul3A_1121 = arith.constant 32 : i32
        %mul3A_1122 = arith.muli %add3A, %mul3A_1121 : i32
        %mul3A_1123 = arith.constant 1024 : i32
        %mul3A_1124 = arith.muli %select_n3A_1106, %mul3A_1123 : i32
        %add3A_1125 = arith.addi %mul3A_1122, %mul3A_1124 : i32
        %sub3A_1126 = arith.subi %squeeze3A_1113, %add3A_1125 : i32
        %jit3A_1127 = arith.constant 0 : i32
        %jit3A_1128 = arith.constant 32 : i32
        %max3A_1129 = arith.maxsi %jit3A_1127, %sub3A_1126 : i32
        %min3A_1130 = arith.minsi %jit3A_1128, %max3A_1129 : i32
        %add3A_1131 = arith.addi %squeeze3A_1120, %add3A_1125 : i32
        %mul3A_1132 = arith.constant 4096 : i32
        %mul3A_1133 = arith.muli %select_n3A_1090, %mul3A_1132 : i32
        %add3A_1134 = arith.addi %mul3A_1133, %add3A_1125 : i32
        %eq3A_1135 = arith.constant 0 : i32
        %eq3A_1136 = arith.cmpi eq, %min3A_1130, %eq3A_1135 : i32
        %convert_element_type3A_1137 = arith.extui %eq3A_1136 : i1 to i32
        %cond3A_1138 = arith.constant 0 : i32
        %cond3A_1139 = arith.cmpi ne, %convert_element_type3A_1137, %cond3A_1138 : i32
        scf.if %cond3A_1139 {
          %dma_wait3A = arith.constant 0 : i32
          %dma_wait3A_1145 = arith.constant 0 : i32
          %dma_wait3A_1146 = tpu.memref_slice %arg4[%dma_wait3A, %dma_wait3A_1145] : memref<65536x1024xf32, #tpu.memory_space<hbm>> -> memref<16x1024xf32, #tpu.memory_space<hbm>>
          %dma_wait3A_1147 = arith.constant 0 : i32
          %dma_wait3A_1148 = arith.constant 0 : i32
          %dma_wait3A_1149 = tpu.memref_slice %arg4[%dma_wait3A_1147, %dma_wait3A_1148] : memref<65536x1024xf32, #tpu.memory_space<hbm>> -> memref<16x1024xf32, #tpu.memory_space<hbm>>
          tpu.wait_dma2 semaphore(%arg18 : memref<!tpu.dma_semaphore, #tpu.memory_space<semaphore_mem>>) src(%arg14 : memref<16x1024xf32, #tpu.memory_space<vmem>>) dst(%dma_wait3A_1149 : memref<16x1024xf32, #tpu.memory_space<hbm>>)
          %dma_wait3A_1150 = arith.constant 0 : i32
          %dma_wait3A_1151 = arith.constant 0 : i32
          %dma_wait3A_1152 = tpu.memref_slice %arg4[%dma_wait3A_1150, %dma_wait3A_1151] : memref<65536x1024xf32, #tpu.memory_space<hbm>> -> memref<16x1024xf32, #tpu.memory_space<hbm>>
          %dma_wait3A_1153 = arith.constant 0 : i32
          %dma_wait3A_1154 = arith.constant 0 : i32
          %dma_wait3A_1155 = tpu.memref_slice %arg4[%dma_wait3A_1153, %dma_wait3A_1154] : memref<65536x1024xf32, #tpu.memory_space<hbm>> -> memref<16x1024xf32, #tpu.memory_space<hbm>>
          tpu.wait_dma2 semaphore(%arg18 : memref<!tpu.dma_semaphore, #tpu.memory_space<semaphore_mem>>) src(%arg14 : memref<16x1024xf32, #tpu.memory_space<vmem>>) dst(%dma_wait3A_1155 : memref<16x1024xf32, #tpu.memory_space<hbm>>)
        } else {
        }
        %gt3A_1140 = arith.constant 0 : i32
        %gt3A_1141 = arith.cmpi sgt, %min3A_1130, %gt3A_1140 : i32
        %convert_element_type3A_1142 = arith.extui %gt3A_1141 : i1 to i32
        %cond3A_1143 = arith.constant 0 : i32
        %cond3A_1144 = arith.cmpi ne, %convert_element_type3A_1142, %cond3A_1143 : i32
        scf.if %cond3A_1144 {
          %dma_wait3A = arith.constant 0 : i32
          %dma_wait3A_1145 = arith.constant 0 : i32
          %dma_wait3A_1146 = tpu.memref_slice %arg4[%dma_wait3A, %dma_wait3A_1145] : memref<65536x1024xf32, #tpu.memory_space<hbm>> -> memref<32x1024xf32, #tpu.memory_space<hbm>>
          %dma_wait3A_1147 = arith.constant 0 : i32
          %dma_wait3A_1148 = arith.constant 0 : i32
          %dma_wait3A_1149 = tpu.memref_slice %arg4[%dma_wait3A_1147, %dma_wait3A_1148] : memref<65536x1024xf32, #tpu.memory_space<hbm>> -> memref<32x1024xf32, #tpu.memory_space<hbm>>
          tpu.wait_dma2 semaphore(%arg18 : memref<!tpu.dma_semaphore, #tpu.memory_space<semaphore_mem>>) src(%arg8 : memref<32x1024xf32, #tpu.memory_space<vmem>>) dst(%dma_wait3A_1149 : memref<32x1024xf32, #tpu.memory_space<hbm>>)
        } else {
        }
      } else {
      }
      %add3A_950 = arith.constant 2 : i32
      %add3A_951 = arith.addi %add3A_853, %add3A_950 : i32
      %le3A_952 = arith.constant 63 : i32
      %le3A_953 = arith.cmpi sle, %add3A_951, %le3A_952 : i32
      %convert_element_type3A_954 = arith.extui %le3A_953 : i1 to i32
      %cond3A_955 = arith.constant 0 : i32
      %cond3A_956 = arith.cmpi ne, %convert_element_type3A_954, %cond3A_955 : i32
      scf.if %cond3A_956 {
        %add3A_1065 = arith.constant 2 : i32
        %add3A_1066 = arith.addi %add3A_853, %add3A_1065 : i32
        %jit3A_1067 = arith.constant 4 : i32
        %div3A_1068 = arith.divsi %add3A_1066, %jit3A_1067 : i32
        %sign3A_1069 = arith.constant 0 : i32
        %sign3A_1070 = arith.cmpi sgt, %add3A_1066, %sign3A_1069 : i32
        %sign3A_1071 = arith.extui %sign3A_1070 : i1 to i32
        %sign3A_1072 = arith.constant 0 : i32
        %sign3A_1073 = arith.cmpi slt, %add3A_1066, %sign3A_1072 : i32
        %sign3A_1074 = arith.extui %sign3A_1073 : i1 to i32
        %sign3A_1075 = arith.subi %sign3A_1071, %sign3A_1074 : i32
        %sign3A_1076 = arith.constant 0 : i32
        %sign3A_1077 = arith.cmpi sgt, %jit3A_1067, %sign3A_1076 : i32
        %sign3A_1078 = arith.extui %sign3A_1077 : i1 to i32
        %sign3A_1079 = arith.constant 0 : i32
        %sign3A_1080 = arith.cmpi slt, %jit3A_1067, %sign3A_1079 : i32
        %sign3A_1081 = arith.extui %sign3A_1080 : i1 to i32
        %sign3A_1082 = arith.subi %sign3A_1078, %sign3A_1081 : i32
        %ne3A_1083 = arith.cmpi ne, %sign3A_1075, %sign3A_1082 : i32
        %rem3A_1084 = arith.remsi %add3A_1066, %jit3A_1067 : i32
        %ne3A_1085 = arith.constant 0 : i32
        %ne3A_1086 = arith.cmpi ne, %rem3A_1084, %ne3A_1085 : i32
        %and3A_1087 = arith.andi %ne3A_1083, %ne3A_1086 : i1
        %sub3A_1088 = arith.constant 1 : i32
        %sub3A_1089 = arith.subi %div3A_1068, %sub3A_1088 : i32
        %select_n3A_1090 = arith.select %and3A_1087, %sub3A_1089, %div3A_1068 : i32
        %jit3A_1091 = arith.constant 4 : i32
        %eq3A_1092 = arith.constant 0 : i32
        %eq3A_1093 = arith.cmpi eq, %jit3A_1091, %eq3A_1092 : i32
        %jit3A_1094 = arith.constant 1 : i32
        %select_n3A_1095 = arith.select %eq3A_1093, %jit3A_1094, %jit3A_1091 : i32
        %rem3A_1096 = arith.remsi %add3A_1066, %select_n3A_1095 : i32
        %ne3A_1097 = arith.constant 0 : i32
        %ne3A_1098 = arith.cmpi ne, %rem3A_1096, %ne3A_1097 : i32
        %lt3A_1099 = arith.constant 0 : i32
        %lt3A_1100 = arith.cmpi slt, %rem3A_1096, %lt3A_1099 : i32
        %lt3A_1101 = arith.constant 0 : i32
        %lt3A_1102 = arith.cmpi slt, %select_n3A_1095, %lt3A_1101 : i32
        %ne3A_1103 = arith.xori %lt3A_1100, %lt3A_1102 : i1
        %and3A_1104 = arith.andi %ne3A_1103, %ne3A_1098 : i1
        %add3A_1105 = arith.addi %rem3A_1096, %select_n3A_1095 : i32
        %select_n3A_1106 = arith.select %and3A_1104, %add3A_1105, %rem3A_1096 : i32
        %mul3A_1107 = arith.constant 16 : i32
        %mul3A_1108 = arith.muli %select_n3A_1090, %mul3A_1107 : i32
        %get3A_1109 = arith.index_cast %mul3A_1108 : i32 to index
        %get3A_1110 = tpu.vector_load %arg6[%get3A_1109] {strides = array<i32>} : memref<256xi32, #tpu.memory_space<vmem>>, vector<16xi32>,
        %get3A_1111 = vector.shape_cast %get3A_1110 : vector<16xi32> to vector<16xi32>
        %slice3A_1112 = vector.extract_strided_slice %get3A_1111 {offsets = [0], sizes = [1], strides = [1]} : vector<16xi32> to vector<1xi32>
        %squeeze3A_1113 = vector.extract %slice3A_1112[0] : i32 from vector<1xi32>
        %mul3A_1114 = arith.constant 16 : i32
        %mul3A_1115 = arith.muli %select_n3A_1090, %mul3A_1114 : i32
        %get3A_1116 = arith.index_cast %mul3A_1115 : i32 to index
        %get3A_1117 = tpu.vector_load %arg7[%get3A_1116] {strides = array<i32>} : memref<256xi32, #tpu.memory_space<vmem>>, vector<16xi32>,
        %get3A_1118 = vector.shape_cast %get3A_1117 : vector<16xi32> to vector<16xi32>
        %slice3A_1119 = vector.extract_strided_slice %get3A_1118 {offsets = [0], sizes = [1], strides = [1]} : vector<16xi32> to vector<1xi32>
        %squeeze3A_1120 = vector.extract %slice3A_1119[0] : i32 from vector<1xi32>
        %mul3A_1121 = arith.constant 32 : i32
        %mul3A_1122 = arith.muli %add3A, %mul3A_1121 : i32
        %mul3A_1123 = arith.constant 1024 : i32
        %mul3A_1124 = arith.muli %select_n3A_1106, %mul3A_1123 : i32
        %add3A_1125 = arith.addi %mul3A_1122, %mul3A_1124 : i32
        %sub3A_1126 = arith.subi %squeeze3A_1113, %add3A_1125 : i32
        %jit3A_1127 = arith.constant 0 : i32
        %jit3A_1128 = arith.constant 32 : i32
        %max3A_1129 = arith.maxsi %jit3A_1127, %sub3A_1126 : i32
        %min3A_1130 = arith.minsi %jit3A_1128, %max3A_1129 : i32
        %add3A_1131 = arith.addi %squeeze3A_1120, %add3A_1125 : i32
        %mul3A_1132 = arith.constant 4096 : i32
        %mul3A_1133 = arith.muli %select_n3A_1090, %mul3A_1132 : i32
        %add3A_1134 = arith.addi %mul3A_1133, %add3A_1125 : i32
        %gt3A_1135 = arith.constant 0 : i32
        %gt3A_1136 = arith.cmpi sgt, %min3A_1130, %gt3A_1135 : i32
        %convert_element_type3A_1137 = arith.extui %gt3A_1136 : i1 to i32
        %cond3A_1138 = arith.constant 0 : i32
        %cond3A_1139 = arith.cmpi ne, %convert_element_type3A_1137, %cond3A_1138 : i32
        scf.if %cond3A_1139 {
          %add3A_1140 = arith.constant 0 : i32
          %add3A_1141 = vector.broadcast %add3A_1140 : i32 to vector<16xi32>
          %add3A_1142 = arith.addi %add3A_1141, %iota3A : vector<16xi32>
          %lt3A_1143 = vector.broadcast %min3A_1130 : i32 to vector<16xi32>
          %lt3A_1144 = arith.cmpi slt, %add3A_1142, %lt3A_1143 : vector<16xi32>
          %add3A_1145 = vector.broadcast %add3A_1131 : i32 to vector<16xi32>
          %add3A_1146 = arith.addi %add3A_1145, %add3A_1142 : vector<16xi32>
          %jit3A_1147 = arith.constant 0 : i32
          %broadcast_in_dim3A_1148 = vector.broadcast %jit3A_1147 : i32 to vector<16xi32>
          %select_n3A_1149 = arith.select %lt3A_1144, %add3A_1146, %broadcast_in_dim3A_1148 : vector<16xi1>, vector<16xi32>
          %swap3A_1150 = arith.constant 0 : index
          %swap3A_1151 = tpu.vector_load %arg11[%swap3A_1150] {strides = array<i32>} : memref<32xi32, #tpu.memory_space<vmem>>, vector<16xi32>,
          %swap3A_1152 = vector.shape_cast %swap3A_1151 : vector<16xi32> to vector<16xi32>
          %swap3A_1153 = vector.shape_cast %select_n3A_1149 : vector<16xi32> to vector<16xi32>
          tpu.vector_store %arg11[%swap3A_1150], %swap3A_1153 {strides = array<i32>} : memref<32xi32, #tpu.memory_space<vmem>>, vector<16xi32>,
          %add3A_1154 = arith.constant 16 : i32
          %add3A_1155 = vector.broadcast %add3A_1154 : i32 to vector<16xi32>
          %add3A_1156 = arith.addi %add3A_1155, %iota3A : vector<16xi32>
          %lt3A_1157 = vector.broadcast %min3A_1130 : i32 to vector<16xi32>
          %lt3A_1158 = arith.cmpi slt, %add3A_1156, %lt3A_1157 : vector<16xi32>
          %add3A_1159 = vector.broadcast %add3A_1131 : i32 to vector<16xi32>
          %add3A_1160 = arith.addi %add3A_1159, %add3A_1156 : vector<16xi32>
          %jit3A_1161 = arith.constant 0 : i32
          %broadcast_in_dim3A_1162 = vector.broadcast %jit3A_1161 : i32 to vector<16xi32>
          %select_n3A_1163 = arith.select %lt3A_1158, %add3A_1160, %broadcast_in_dim3A_1162 : vector<16xi1>, vector<16xi32>
          %swap3A_1164 = arith.constant 16 : index
          %swap3A_1165 = tpu.vector_load %arg11[%swap3A_1164] {strides = array<i32>} : memref<32xi32, #tpu.memory_space<vmem>>, vector<16xi32>,
          %swap3A_1166 = vector.shape_cast %swap3A_1165 : vector<16xi32> to vector<16xi32>
          %swap3A_1167 = vector.shape_cast %select_n3A_1163 : vector<16xi32> to vector<16xi32>
          tpu.vector_store %arg11[%swap3A_1164], %swap3A_1167 {strides = array<i32>} : memref<32xi32, #tpu.memory_space<vmem>>, vector<16xi32>,
          %dma_start3A = arith.constant 0 : i32
          %dma_start3A_1168 = arith.constant 0 : i32
          %dma_start3A_1169 = tpu.memref_slice %arg2[%dma_start3A, %dma_start3A_1168] : memref<38086x1024xf32, #tpu.memory_space<hbm>> -> memref<38086x1024xf32, #tpu.memory_space<hbm>>
          tpu.enqueue_indirect_dma source(%dma_start3A_1169 : memref<38086x1024xf32, #tpu.memory_space<hbm>>) target(%arg8 : memref<32x1024xf32, #tpu.memory_space<vmem>>) offsets(%arg11 : memref<32xi32, #tpu.memory_space<vmem>>) semaphore(%arg15 : memref<!tpu.dma_semaphore, #tpu.memory_space<semaphore_mem>>)
        } else {
        }
      } else {
      }
      %mul3A_957 = arith.constant 3 : i32
      %mul3A_958 = arith.muli %mul3A_957, %scan3A_746 : i32
      %add3A_959 = arith.constant 2 : i32
      %add3A_960 = arith.addi %mul3A_958, %add3A_959 : i32
      %jit3A_961 = arith.constant 4 : i32
      %div3A_962 = arith.divsi %add3A_960, %jit3A_961 : i32
      %sign3A_963 = arith.constant 0 : i32
      %sign3A_964 = arith.cmpi sgt, %add3A_960, %sign3A_963 : i32
      %sign3A_965 = arith.extui %sign3A_964 : i1 to i32
      %sign3A_966 = arith.constant 0 : i32
      %sign3A_967 = arith.cmpi slt, %add3A_960, %sign3A_966 : i32
      %sign3A_968 = arith.extui %sign3A_967 : i1 to i32
      %sign3A_969 = arith.subi %sign3A_965, %sign3A_968 : i32
      %sign3A_970 = arith.constant 0 : i32
      %sign3A_971 = arith.cmpi sgt, %jit3A_961, %sign3A_970 : i32
      %sign3A_972 = arith.extui %sign3A_971 : i1 to i32
      %sign3A_973 = arith.constant 0 : i32
      %sign3A_974 = arith.cmpi slt, %jit3A_961, %sign3A_973 : i32
      %sign3A_975 = arith.extui %sign3A_974 : i1 to i32
      %sign3A_976 = arith.subi %sign3A_972, %sign3A_975 : i32
      %ne3A_977 = arith.cmpi ne, %sign3A_969, %sign3A_976 : i32
      %rem3A_978 = arith.remsi %add3A_960, %jit3A_961 : i32
      %ne3A_979 = arith.constant 0 : i32
      %ne3A_980 = arith.cmpi ne, %rem3A_978, %ne3A_979 : i32
      %and3A_981 = arith.andi %ne3A_977, %ne3A_980 : i1
      %sub3A_982 = arith.constant 1 : i32
      %sub3A_983 = arith.subi %div3A_962, %sub3A_982 : i32
      %select_n3A_984 = arith.select %and3A_981, %sub3A_983, %div3A_962 : i32
      %jit3A_985 = arith.constant 4 : i32
      %eq3A_986 = arith.constant 0 : i32
      %eq3A_987 = arith.cmpi eq, %jit3A_985, %eq3A_986 : i32
      %jit3A_988 = arith.constant 1 : i32
      %select_n3A_989 = arith.select %eq3A_987, %jit3A_988, %jit3A_985 : i32
      %rem3A_990 = arith.remsi %add3A_960, %select_n3A_989 : i32
      %ne3A_991 = arith.constant 0 : i32
      %ne3A_992 = arith.cmpi ne, %rem3A_990, %ne3A_991 : i32
      %lt3A_993 = arith.constant 0 : i32
      %lt3A_994 = arith.cmpi slt, %rem3A_990, %lt3A_993 : i32
      %lt3A_995 = arith.constant 0 : i32
      %lt3A_996 = arith.cmpi slt, %select_n3A_989, %lt3A_995 : i32
      %ne3A_997 = arith.xori %lt3A_994, %lt3A_996 : i1
      %and3A_998 = arith.andi %ne3A_997, %ne3A_992 : i1
      %add3A_999 = arith.addi %rem3A_990, %select_n3A_989 : i32
      %select_n3A_1000 = arith.select %and3A_998, %add3A_999, %rem3A_990 : i32
      %mul3A_1001 = arith.constant 16 : i32
      %mul3A_1002 = arith.muli %select_n3A_984, %mul3A_1001 : i32
      %get3A_1003 = arith.index_cast %mul3A_1002 : i32 to index
      %get3A_1004 = tpu.vector_load %arg6[%get3A_1003] {strides = array<i32>} : memref<256xi32, #tpu.memory_space<vmem>>, vector<16xi32>,
      %get3A_1005 = vector.shape_cast %get3A_1004 : vector<16xi32> to vector<16xi32>
      %slice3A_1006 = vector.extract_strided_slice %get3A_1005 {offsets = [0], sizes = [1], strides = [1]} : vector<16xi32> to vector<1xi32>
      %squeeze3A_1007 = vector.extract %slice3A_1006[0] : i32 from vector<1xi32>
      %mul3A_1008 = arith.constant 16 : i32
      %mul3A_1009 = arith.muli %select_n3A_984, %mul3A_1008 : i32
      %get3A_1010 = arith.index_cast %mul3A_1009 : i32 to index
      %get3A_1011 = tpu.vector_load %arg7[%get3A_1010] {strides = array<i32>} : memref<256xi32, #tpu.memory_space<vmem>>, vector<16xi32>,
      %get3A_1012 = vector.shape_cast %get3A_1011 : vector<16xi32> to vector<16xi32>
      %slice3A_1013 = vector.extract_strided_slice %get3A_1012 {offsets = [0], sizes = [1], strides = [1]} : vector<16xi32> to vector<1xi32>
      %squeeze3A_1014 = vector.extract %slice3A_1013[0] : i32 from vector<1xi32>
      %mul3A_1015 = arith.constant 32 : i32
      %mul3A_1016 = arith.muli %add3A, %mul3A_1015 : i32
      %mul3A_1017 = arith.constant 1024 : i32
      %mul3A_1018 = arith.muli %select_n3A_1000, %mul3A_1017 : i32
      %add3A_1019 = arith.addi %mul3A_1016, %mul3A_1018 : i32
      %sub3A_1020 = arith.subi %squeeze3A_1007, %add3A_1019 : i32
      %jit3A_1021 = arith.constant 0 : i32
      %jit3A_1022 = arith.constant 32 : i32
      %max3A_1023 = arith.maxsi %jit3A_1021, %sub3A_1020 : i32
      %min3A_1024 = arith.minsi %jit3A_1022, %max3A_1023 : i32
      %add3A_1025 = arith.addi %squeeze3A_1014, %add3A_1019 : i32
      %mul3A_1026 = arith.constant 4096 : i32
      %mul3A_1027 = arith.muli %select_n3A_984, %mul3A_1026 : i32
      %add3A_1028 = arith.addi %mul3A_1027, %add3A_1019 : i32
      %eq3A_1029 = arith.constant 0 : i32
      %eq3A_1030 = arith.cmpi eq, %min3A_1024, %eq3A_1029 : i32
      %gt3A_1031 = arith.constant 0 : i32
      %gt3A_1032 = arith.cmpi sgt, %min3A_1024, %gt3A_1031 : i32
      %lt3A_1033 = arith.constant 32 : i32
      %lt3A_1034 = arith.cmpi slt, %min3A_1024, %lt3A_1033 : i32
      %and3A_1035 = arith.andi %gt3A_1032, %lt3A_1034 : i1
      %gt3A_1036 = arith.constant 0 : i32
      %gt3A_1037 = arith.cmpi sgt, %min3A_1024, %gt3A_1036 : i32
      %convert_element_type3A_1038 = arith.extui %gt3A_1037 : i1 to i32
      %cond3A_1039 = arith.constant 0 : i32
      %cond3A_1040 = arith.cmpi ne, %convert_element_type3A_1038, %cond3A_1039 : i32
      scf.if %cond3A_1040 {
        %dma_wait3A = arith.constant 0 : i32
        %dma_wait3A_1065 = arith.constant 0 : i32
        %dma_wait3A_1066 = tpu.memref_slice %arg2[%dma_wait3A, %dma_wait3A_1065] : memref<38086x1024xf32, #tpu.memory_space<hbm>> -> memref<38086x1024xf32, #tpu.memory_space<hbm>>
        tpu.wait_indirect_dma semaphore(%arg17 : memref<!tpu.dma_semaphore, #tpu.memory_space<semaphore_mem>>) src(%dma_wait3A_1066 : memref<38086x1024xf32, #tpu.memory_space<hbm>>) dst(%arg10 : memref<32x1024xf32, #tpu.memory_space<vmem>>)
      } else {
      }
      %convert_element_type3A_1041 = arith.extui %and3A_1035 : i1 to i32
      %cond3A_1042 = arith.constant 0 : i32
      %cond3A_1043 = arith.cmpi ne, %convert_element_type3A_1041, %cond3A_1042 : i32
      scf.if %cond3A_1043 {
        %while3A = arith.constant 32 : i32
        %while3A_1065 = arith.constant 0 : i32
        %while3A_1066 = arith.subi %while3A, %min3A_1024 : i32
        %while3A_1067 = arith.addi %min3A_1024, %while3A_1066 : i32
        %while3A_1068 = arith.constant 1 : i32
        %while3A_1069 = arith.divsi %while3A_1066, %while3A_1068 : i32
        %while3A_1070 = arith.muli %while3A_1069, %while3A_1068 : i32
        %while3A_1071 = arith.addi %min3A_1024, %while3A_1070 : i32
        %while3A_1072 = arith.constant 1 : i32
        %while3A_1073 = scf.for %while3A_1076 = %min3A_1024 to %while3A_1071 step %while3A_1072 iter_args(%while3A_1077 = %while3A_1065) -> (i32)  : i32 {
          %scan3A_1078 = arith.constant 0 : i32
          %scan3A_1079 = arith.constant 0 : i32
          %scan3A_1080 = arith.constant 64 : i32
          %scan3A_1081 = arith.addi %scan3A_1079, %scan3A_1080 : i32
          %scan3A_1082 = arith.constant 1 : i32
          %scan3A_1083 = scf.for %scan3A_1085 = %scan3A_1079 to %scan3A_1081 step %scan3A_1082 iter_args(%scan3A_1086 = %scan3A_1078) -> (i32)  : i32 {
            %broadcast_in_dim3A_1087 = arith.constant 0.000000e+00 : f32
            %broadcast_in_dim3A_1088 = vector.broadcast %broadcast_in_dim3A_1087 : f32 to vector<16xf32>
            %mul3A_1089 = arith.constant 16 : i32
            %mul3A_1090 = arith.muli %scan3A_1085, %mul3A_1089 : i32
            %swap3A_1091 = arith.index_cast %while3A_1076 : i32 to index
            %swap3A_1092 = arith.index_cast %mul3A_1090 : i32 to index
            %swap3A_1093 = tpu.vector_load %arg10[%swap3A_1091, %swap3A_1092] {strides = array<i32>} : memref<32x1024xf32, #tpu.memory_space<vmem>>, vector<1x16xf32>,
            %swap3A_1094 = vector.shape_cast %swap3A_1093 : vector<1x16xf32> to vector<16xf32>
            %swap3A_1095 = vector.shape_cast %broadcast_in_dim3A_1088 : vector<16xf32> to vector<1x16xf32>
            tpu.vector_store %arg10[%swap3A_1091, %swap3A_1092], %swap3A_1095 {strides = array<i32>} : memref<32x1024xf32, #tpu.memory_space<vmem>>, vector<1x16xf32>,
            %scan3A_1096 = arith.constant 0 : i32
            scf.yield %scan3A_1096 : i32
          }
          %scan3A_1084 = arith.constant 64 : i32
          scf.yield %scan3A_1083 : i32
        }
        %while3A_1074 = arith.constant 1 : i32
        %while3A_1075 = scf.for %while3A_1076 = %while3A_1071 to %while3A_1067 step %while3A_1074 iter_args(%while3A_1077 = %while3A_1073) -> (i32)  : i32 {
          %scan3A_1078 = arith.constant 0 : i32
          %scan3A_1079 = arith.constant 0 : i32
          %scan3A_1080 = arith.constant 64 : i32
          %scan3A_1081 = arith.addi %scan3A_1079, %scan3A_1080 : i32
          %scan3A_1082 = arith.constant 1 : i32
          %scan3A_1083 = scf.for %scan3A_1085 = %scan3A_1079 to %scan3A_1081 step %scan3A_1082 iter_args(%scan3A_1086 = %scan3A_1078) -> (i32)  : i32 {
            %broadcast_in_dim3A_1087 = arith.constant 0.000000e+00 : f32
            %broadcast_in_dim3A_1088 = vector.broadcast %broadcast_in_dim3A_1087 : f32 to vector<16xf32>
            %mul3A_1089 = arith.constant 16 : i32
            %mul3A_1090 = arith.muli %scan3A_1085, %mul3A_1089 : i32
            %swap3A_1091 = arith.index_cast %while3A_1076 : i32 to index
            %swap3A_1092 = arith.index_cast %mul3A_1090 : i32 to index
            %swap3A_1093 = tpu.vector_load %arg10[%swap3A_1091, %swap3A_1092] {strides = array<i32>} : memref<32x1024xf32, #tpu.memory_space<vmem>>, vector<1x16xf32>,
            %swap3A_1094 = vector.shape_cast %swap3A_1093 : vector<1x16xf32> to vector<16xf32>
            %swap3A_1095 = vector.shape_cast %broadcast_in_dim3A_1088 : vector<16xf32> to vector<1x16xf32>
            tpu.vector_store %arg10[%swap3A_1091, %swap3A_1092], %swap3A_1095 {strides = array<i32>} : memref<32x1024xf32, #tpu.memory_space<vmem>>, vector<1x16xf32>,
            %scan3A_1096 = arith.constant 0 : i32
            scf.yield %scan3A_1096 : i32
          }
          %scan3A_1084 = arith.constant 64 : i32
          scf.yield %scan3A_1083 : i32
        }
      } else {
      }
      %convert_element_type3A_1044 = arith.extui %eq3A_1030 : i1 to i32
      %cond3A_1045 = arith.constant 0 : i32
      %cond3A_1046 = arith.cmpi ne, %convert_element_type3A_1044, %cond3A_1045 : i32
      scf.if %cond3A_1046 {
        %add3A_1065 = arith.constant 0 : i32
        %add3A_1066 = arith.addi %add3A_1028, %add3A_1065 : i32
        %multiple_of3A = tpu.assume_multiple %add3A_1066, 8 : i32
        %dma_start3A = arith.constant 0 : i32
        %dma_start3A_1067 = tpu.memref_slice %arg4[%multiple_of3A, %dma_start3A] : memref<65536x1024xf32, #tpu.memory_space<hbm>> -> memref<16x1024xf32, #tpu.memory_space<hbm>>
        %dma_start3A_1068 = arith.constant 0 : i32
        %dma_start3A_1069 = tpu.memref_slice %arg4[%multiple_of3A, %dma_start3A_1068] : memref<65536x1024xf32, #tpu.memory_space<hbm>> -> memref<16x1024xf32, #tpu.memory_space<hbm>>
        tpu.enqueue_dma source(%arg14 : memref<16x1024xf32, #tpu.memory_space<vmem>>) target(%dma_start3A_1069 : memref<16x1024xf32, #tpu.memory_space<hbm>>) target_semaphore(%arg20 : memref<!tpu.dma_semaphore, #tpu.memory_space<semaphore_mem>>)
        %add3A_1070 = arith.constant 16 : i32
        %add3A_1071 = arith.addi %add3A_1028, %add3A_1070 : i32
        %multiple_of3A_1072 = tpu.assume_multiple %add3A_1071, 8 : i32
        %dma_start3A_1073 = arith.constant 0 : i32
        %dma_start3A_1074 = tpu.memref_slice %arg4[%multiple_of3A_1072, %dma_start3A_1073] : memref<65536x1024xf32, #tpu.memory_space<hbm>> -> memref<16x1024xf32, #tpu.memory_space<hbm>>
        %dma_start3A_1075 = arith.constant 0 : i32
        %dma_start3A_1076 = tpu.memref_slice %arg4[%multiple_of3A_1072, %dma_start3A_1075] : memref<65536x1024xf32, #tpu.memory_space<hbm>> -> memref<16x1024xf32, #tpu.memory_space<hbm>>
        tpu.enqueue_dma source(%arg14 : memref<16x1024xf32, #tpu.memory_space<vmem>>) target(%dma_start3A_1076 : memref<16x1024xf32, #tpu.memory_space<hbm>>) target_semaphore(%arg20 : memref<!tpu.dma_semaphore, #tpu.memory_space<semaphore_mem>>)
      } else {
      }
      %not3A_1047 = arith.constant true
      %not3A_1048 = arith.xori %eq3A_1030, %not3A_1047 : i1
      %convert_element_type3A_1049 = arith.extui %not3A_1048 : i1 to i32
      %cond3A_1050 = arith.constant 0 : i32
      %cond3A_1051 = arith.cmpi ne, %convert_element_type3A_1049, %cond3A_1050 : i32
      scf.if %cond3A_1051 {
        %multiple_of3A = tpu.assume_multiple %add3A_1028, 8 : i32
        %dma_start3A = arith.constant 0 : i32
        %dma_start3A_1065 = tpu.memref_slice %arg4[%multiple_of3A, %dma_start3A] : memref<65536x1024xf32, #tpu.memory_space<hbm>> -> memref<32x1024xf32, #tpu.memory_space<hbm>>
        %dma_start3A_1066 = arith.constant 0 : i32
        %dma_start3A_1067 = tpu.memref_slice %arg4[%multiple_of3A, %dma_start3A_1066] : memref<65536x1024xf32, #tpu.memory_space<hbm>> -> memref<32x1024xf32, #tpu.memory_space<hbm>>
        tpu.enqueue_dma source(%arg10 : memref<32x1024xf32, #tpu.memory_space<vmem>>) target(%dma_start3A_1067 : memref<32x1024xf32, #tpu.memory_space<hbm>>) target_semaphore(%arg20 : memref<!tpu.dma_semaphore, #tpu.memory_space<semaphore_mem>>)
      } else {
      }
      %ge3A_1052 = arith.constant 1 : i32
      %ge3A_1053 = arith.cmpi sge, %add3A_960, %ge3A_1052 : i32
      %convert_element_type3A_1054 = arith.extui %ge3A_1053 : i1 to i32
      %cond3A_1055 = arith.constant 0 : i32
      %cond3A_1056 = arith.cmpi ne, %convert_element_type3A_1054, %cond3A_1055 : i32
      scf.if %cond3A_1056 {
        %sub3A_1065 = arith.constant 1 : i32
        %sub3A_1066 = arith.subi %add3A_960, %sub3A_1065 : i32
        %jit3A_1067 = arith.constant 4 : i32
        %div3A_1068 = arith.divsi %sub3A_1066, %jit3A_1067 : i32
        %sign3A_1069 = arith.constant 0 : i32
        %sign3A_1070 = arith.cmpi sgt, %sub3A_1066, %sign3A_1069 : i32
        %sign3A_1071 = arith.extui %sign3A_1070 : i1 to i32
        %sign3A_1072 = arith.constant 0 : i32
        %sign3A_1073 = arith.cmpi slt, %sub3A_1066, %sign3A_1072 : i32
        %sign3A_1074 = arith.extui %sign3A_1073 : i1 to i32
        %sign3A_1075 = arith.subi %sign3A_1071, %sign3A_1074 : i32
        %sign3A_1076 = arith.constant 0 : i32
        %sign3A_1077 = arith.cmpi sgt, %jit3A_1067, %sign3A_1076 : i32
        %sign3A_1078 = arith.extui %sign3A_1077 : i1 to i32
        %sign3A_1079 = arith.constant 0 : i32
        %sign3A_1080 = arith.cmpi slt, %jit3A_1067, %sign3A_1079 : i32
        %sign3A_1081 = arith.extui %sign3A_1080 : i1 to i32
        %sign3A_1082 = arith.subi %sign3A_1078, %sign3A_1081 : i32
        %ne3A_1083 = arith.cmpi ne, %sign3A_1075, %sign3A_1082 : i32
        %rem3A_1084 = arith.remsi %sub3A_1066, %jit3A_1067 : i32
        %ne3A_1085 = arith.constant 0 : i32
        %ne3A_1086 = arith.cmpi ne, %rem3A_1084, %ne3A_1085 : i32
        %and3A_1087 = arith.andi %ne3A_1083, %ne3A_1086 : i1
        %sub3A_1088 = arith.constant 1 : i32
        %sub3A_1089 = arith.subi %div3A_1068, %sub3A_1088 : i32
        %select_n3A_1090 = arith.select %and3A_1087, %sub3A_1089, %div3A_1068 : i32
        %jit3A_1091 = arith.constant 4 : i32
        %eq3A_1092 = arith.constant 0 : i32
        %eq3A_1093 = arith.cmpi eq, %jit3A_1091, %eq3A_1092 : i32
        %jit3A_1094 = arith.constant 1 : i32
        %select_n3A_1095 = arith.select %eq3A_1093, %jit3A_1094, %jit3A_1091 : i32
        %rem3A_1096 = arith.remsi %sub3A_1066, %select_n3A_1095 : i32
        %ne3A_1097 = arith.constant 0 : i32
        %ne3A_1098 = arith.cmpi ne, %rem3A_1096, %ne3A_1097 : i32
        %lt3A_1099 = arith.constant 0 : i32
        %lt3A_1100 = arith.cmpi slt, %rem3A_1096, %lt3A_1099 : i32
        %lt3A_1101 = arith.constant 0 : i32
        %lt3A_1102 = arith.cmpi slt, %select_n3A_1095, %lt3A_1101 : i32
        %ne3A_1103 = arith.xori %lt3A_1100, %lt3A_1102 : i1
        %and3A_1104 = arith.andi %ne3A_1103, %ne3A_1098 : i1
        %add3A_1105 = arith.addi %rem3A_1096, %select_n3A_1095 : i32
        %select_n3A_1106 = arith.select %and3A_1104, %add3A_1105, %rem3A_1096 : i32
        %mul3A_1107 = arith.constant 16 : i32
        %mul3A_1108 = arith.muli %select_n3A_1090, %mul3A_1107 : i32
        %get3A_1109 = arith.index_cast %mul3A_1108 : i32 to index
        %get3A_1110 = tpu.vector_load %arg6[%get3A_1109] {strides = array<i32>} : memref<256xi32, #tpu.memory_space<vmem>>, vector<16xi32>,
        %get3A_1111 = vector.shape_cast %get3A_1110 : vector<16xi32> to vector<16xi32>
        %slice3A_1112 = vector.extract_strided_slice %get3A_1111 {offsets = [0], sizes = [1], strides = [1]} : vector<16xi32> to vector<1xi32>
        %squeeze3A_1113 = vector.extract %slice3A_1112[0] : i32 from vector<1xi32>
        %mul3A_1114 = arith.constant 16 : i32
        %mul3A_1115 = arith.muli %select_n3A_1090, %mul3A_1114 : i32
        %get3A_1116 = arith.index_cast %mul3A_1115 : i32 to index
        %get3A_1117 = tpu.vector_load %arg7[%get3A_1116] {strides = array<i32>} : memref<256xi32, #tpu.memory_space<vmem>>, vector<16xi32>,
        %get3A_1118 = vector.shape_cast %get3A_1117 : vector<16xi32> to vector<16xi32>
        %slice3A_1119 = vector.extract_strided_slice %get3A_1118 {offsets = [0], sizes = [1], strides = [1]} : vector<16xi32> to vector<1xi32>
        %squeeze3A_1120 = vector.extract %slice3A_1119[0] : i32 from vector<1xi32>
        %mul3A_1121 = arith.constant 32 : i32
        %mul3A_1122 = arith.muli %add3A, %mul3A_1121 : i32
        %mul3A_1123 = arith.constant 1024 : i32
        %mul3A_1124 = arith.muli %select_n3A_1106, %mul3A_1123 : i32
        %add3A_1125 = arith.addi %mul3A_1122, %mul3A_1124 : i32
        %sub3A_1126 = arith.subi %squeeze3A_1113, %add3A_1125 : i32
        %jit3A_1127 = arith.constant 0 : i32
        %jit3A_1128 = arith.constant 32 : i32
        %max3A_1129 = arith.maxsi %jit3A_1127, %sub3A_1126 : i32
        %min3A_1130 = arith.minsi %jit3A_1128, %max3A_1129 : i32
        %add3A_1131 = arith.addi %squeeze3A_1120, %add3A_1125 : i32
        %mul3A_1132 = arith.constant 4096 : i32
        %mul3A_1133 = arith.muli %select_n3A_1090, %mul3A_1132 : i32
        %add3A_1134 = arith.addi %mul3A_1133, %add3A_1125 : i32
        %eq3A_1135 = arith.constant 0 : i32
        %eq3A_1136 = arith.cmpi eq, %min3A_1130, %eq3A_1135 : i32
        %convert_element_type3A_1137 = arith.extui %eq3A_1136 : i1 to i32
        %cond3A_1138 = arith.constant 0 : i32
        %cond3A_1139 = arith.cmpi ne, %convert_element_type3A_1137, %cond3A_1138 : i32
        scf.if %cond3A_1139 {
          %dma_wait3A = arith.constant 0 : i32
          %dma_wait3A_1145 = arith.constant 0 : i32
          %dma_wait3A_1146 = tpu.memref_slice %arg4[%dma_wait3A, %dma_wait3A_1145] : memref<65536x1024xf32, #tpu.memory_space<hbm>> -> memref<16x1024xf32, #tpu.memory_space<hbm>>
          %dma_wait3A_1147 = arith.constant 0 : i32
          %dma_wait3A_1148 = arith.constant 0 : i32
          %dma_wait3A_1149 = tpu.memref_slice %arg4[%dma_wait3A_1147, %dma_wait3A_1148] : memref<65536x1024xf32, #tpu.memory_space<hbm>> -> memref<16x1024xf32, #tpu.memory_space<hbm>>
          tpu.wait_dma2 semaphore(%arg19 : memref<!tpu.dma_semaphore, #tpu.memory_space<semaphore_mem>>) src(%arg14 : memref<16x1024xf32, #tpu.memory_space<vmem>>) dst(%dma_wait3A_1149 : memref<16x1024xf32, #tpu.memory_space<hbm>>)
          %dma_wait3A_1150 = arith.constant 0 : i32
          %dma_wait3A_1151 = arith.constant 0 : i32
          %dma_wait3A_1152 = tpu.memref_slice %arg4[%dma_wait3A_1150, %dma_wait3A_1151] : memref<65536x1024xf32, #tpu.memory_space<hbm>> -> memref<16x1024xf32, #tpu.memory_space<hbm>>
          %dma_wait3A_1153 = arith.constant 0 : i32
          %dma_wait3A_1154 = arith.constant 0 : i32
          %dma_wait3A_1155 = tpu.memref_slice %arg4[%dma_wait3A_1153, %dma_wait3A_1154] : memref<65536x1024xf32, #tpu.memory_space<hbm>> -> memref<16x1024xf32, #tpu.memory_space<hbm>>
          tpu.wait_dma2 semaphore(%arg19 : memref<!tpu.dma_semaphore, #tpu.memory_space<semaphore_mem>>) src(%arg14 : memref<16x1024xf32, #tpu.memory_space<vmem>>) dst(%dma_wait3A_1155 : memref<16x1024xf32, #tpu.memory_space<hbm>>)
        } else {
        }
        %gt3A_1140 = arith.constant 0 : i32
        %gt3A_1141 = arith.cmpi sgt, %min3A_1130, %gt3A_1140 : i32
        %convert_element_type3A_1142 = arith.extui %gt3A_1141 : i1 to i32
        %cond3A_1143 = arith.constant 0 : i32
        %cond3A_1144 = arith.cmpi ne, %convert_element_type3A_1142, %cond3A_1143 : i32
        scf.if %cond3A_1144 {
          %dma_wait3A = arith.constant 0 : i32
          %dma_wait3A_1145 = arith.constant 0 : i32
          %dma_wait3A_1146 = tpu.memref_slice %arg4[%dma_wait3A, %dma_wait3A_1145] : memref<65536x1024xf32, #tpu.memory_space<hbm>> -> memref<32x1024xf32, #tpu.memory_space<hbm>>
          %dma_wait3A_1147 = arith.constant 0 : i32
          %dma_wait3A_1148 = arith.constant 0 : i32
          %dma_wait3A_1149 = tpu.memref_slice %arg4[%dma_wait3A_1147, %dma_wait3A_1148] : memref<65536x1024xf32, #tpu.memory_space<hbm>> -> memref<32x1024xf32, #tpu.memory_space<hbm>>
          tpu.wait_dma2 semaphore(%arg19 : memref<!tpu.dma_semaphore, #tpu.memory_space<semaphore_mem>>) src(%arg9 : memref<32x1024xf32, #tpu.memory_space<vmem>>) dst(%dma_wait3A_1149 : memref<32x1024xf32, #tpu.memory_space<hbm>>)
        } else {
        }
      } else {
      }
      %add3A_1057 = arith.constant 2 : i32
      %add3A_1058 = arith.addi %add3A_960, %add3A_1057 : i32
      %le3A_1059 = arith.constant 63 : i32
      %le3A_1060 = arith.cmpi sle, %add3A_1058, %le3A_1059 : i32
      %convert_element_type3A_1061 = arith.extui %le3A_1060 : i1 to i32
      %cond3A_1062 = arith.constant 0 : i32
      %cond3A_1063 = arith.cmpi ne, %convert_element_type3A_1061, %cond3A_1062 : i32
      scf.if %cond3A_1063 {
        %add3A_1065 = arith.constant 2 : i32
        %add3A_1066 = arith.addi %add3A_960, %add3A_1065 : i32
        %jit3A_1067 = arith.constant 4 : i32
        %div3A_1068 = arith.divsi %add3A_1066, %jit3A_1067 : i32
        %sign3A_1069 = arith.constant 0 : i32
        %sign3A_1070 = arith.cmpi sgt, %add3A_1066, %sign3A_1069 : i32
        %sign3A_1071 = arith.extui %sign3A_1070 : i1 to i32
        %sign3A_1072 = arith.constant 0 : i32
        %sign3A_1073 = arith.cmpi slt, %add3A_1066, %sign3A_1072 : i32
        %sign3A_1074 = arith.extui %sign3A_1073 : i1 to i32
        %sign3A_1075 = arith.subi %sign3A_1071, %sign3A_1074 : i32
        %sign3A_1076 = arith.constant 0 : i32
        %sign3A_1077 = arith.cmpi sgt, %jit3A_1067, %sign3A_1076 : i32
        %sign3A_1078 = arith.extui %sign3A_1077 : i1 to i32
        %sign3A_1079 = arith.constant 0 : i32
        %sign3A_1080 = arith.cmpi slt, %jit3A_1067, %sign3A_1079 : i32
        %sign3A_1081 = arith.extui %sign3A_1080 : i1 to i32
        %sign3A_1082 = arith.subi %sign3A_1078, %sign3A_1081 : i32
        %ne3A_1083 = arith.cmpi ne, %sign3A_1075, %sign3A_1082 : i32
        %rem3A_1084 = arith.remsi %add3A_1066, %jit3A_1067 : i32
        %ne3A_1085 = arith.constant 0 : i32
        %ne3A_1086 = arith.cmpi ne, %rem3A_1084, %ne3A_1085 : i32
        %and3A_1087 = arith.andi %ne3A_1083, %ne3A_1086 : i1
        %sub3A_1088 = arith.constant 1 : i32
        %sub3A_1089 = arith.subi %div3A_1068, %sub3A_1088 : i32
        %select_n3A_1090 = arith.select %and3A_1087, %sub3A_1089, %div3A_1068 : i32
        %jit3A_1091 = arith.constant 4 : i32
        %eq3A_1092 = arith.constant 0 : i32
        %eq3A_1093 = arith.cmpi eq, %jit3A_1091, %eq3A_1092 : i32
        %jit3A_1094 = arith.constant 1 : i32
        %select_n3A_1095 = arith.select %eq3A_1093, %jit3A_1094, %jit3A_1091 : i32
        %rem3A_1096 = arith.remsi %add3A_1066, %select_n3A_1095 : i32
        %ne3A_1097 = arith.constant 0 : i32
        %ne3A_1098 = arith.cmpi ne, %rem3A_1096, %ne3A_1097 : i32
        %lt3A_1099 = arith.constant 0 : i32
        %lt3A_1100 = arith.cmpi slt, %rem3A_1096, %lt3A_1099 : i32
        %lt3A_1101 = arith.constant 0 : i32
        %lt3A_1102 = arith.cmpi slt, %select_n3A_1095, %lt3A_1101 : i32
        %ne3A_1103 = arith.xori %lt3A_1100, %lt3A_1102 : i1
        %and3A_1104 = arith.andi %ne3A_1103, %ne3A_1098 : i1
        %add3A_1105 = arith.addi %rem3A_1096, %select_n3A_1095 : i32
        %select_n3A_1106 = arith.select %and3A_1104, %add3A_1105, %rem3A_1096 : i32
        %mul3A_1107 = arith.constant 16 : i32
        %mul3A_1108 = arith.muli %select_n3A_1090, %mul3A_1107 : i32
        %get3A_1109 = arith.index_cast %mul3A_1108 : i32 to index
        %get3A_1110 = tpu.vector_load %arg6[%get3A_1109] {strides = array<i32>} : memref<256xi32, #tpu.memory_space<vmem>>, vector<16xi32>,
        %get3A_1111 = vector.shape_cast %get3A_1110 : vector<16xi32> to vector<16xi32>
        %slice3A_1112 = vector.extract_strided_slice %get3A_1111 {offsets = [0], sizes = [1], strides = [1]} : vector<16xi32> to vector<1xi32>
        %squeeze3A_1113 = vector.extract %slice3A_1112[0] : i32 from vector<1xi32>
        %mul3A_1114 = arith.constant 16 : i32
        %mul3A_1115 = arith.muli %select_n3A_1090, %mul3A_1114 : i32
        %get3A_1116 = arith.index_cast %mul3A_1115 : i32 to index
        %get3A_1117 = tpu.vector_load %arg7[%get3A_1116] {strides = array<i32>} : memref<256xi32, #tpu.memory_space<vmem>>, vector<16xi32>,
        %get3A_1118 = vector.shape_cast %get3A_1117 : vector<16xi32> to vector<16xi32>
        %slice3A_1119 = vector.extract_strided_slice %get3A_1118 {offsets = [0], sizes = [1], strides = [1]} : vector<16xi32> to vector<1xi32>
        %squeeze3A_1120 = vector.extract %slice3A_1119[0] : i32 from vector<1xi32>
        %mul3A_1121 = arith.constant 32 : i32
        %mul3A_1122 = arith.muli %add3A, %mul3A_1121 : i32
        %mul3A_1123 = arith.constant 1024 : i32
        %mul3A_1124 = arith.muli %select_n3A_1106, %mul3A_1123 : i32
        %add3A_1125 = arith.addi %mul3A_1122, %mul3A_1124 : i32
        %sub3A_1126 = arith.subi %squeeze3A_1113, %add3A_1125 : i32
        %jit3A_1127 = arith.constant 0 : i32
        %jit3A_1128 = arith.constant 32 : i32
        %max3A_1129 = arith.maxsi %jit3A_1127, %sub3A_1126 : i32
        %min3A_1130 = arith.minsi %jit3A_1128, %max3A_1129 : i32
        %add3A_1131 = arith.addi %squeeze3A_1120, %add3A_1125 : i32
        %mul3A_1132 = arith.constant 4096 : i32
        %mul3A_1133 = arith.muli %select_n3A_1090, %mul3A_1132 : i32
        %add3A_1134 = arith.addi %mul3A_1133, %add3A_1125 : i32
        %gt3A_1135 = arith.constant 0 : i32
        %gt3A_1136 = arith.cmpi sgt, %min3A_1130, %gt3A_1135 : i32
        %convert_element_type3A_1137 = arith.extui %gt3A_1136 : i1 to i32
        %cond3A_1138 = arith.constant 0 : i32
        %cond3A_1139 = arith.cmpi ne, %convert_element_type3A_1137, %cond3A_1138 : i32
        scf.if %cond3A_1139 {
          %add3A_1140 = arith.constant 0 : i32
          %add3A_1141 = vector.broadcast %add3A_1140 : i32 to vector<16xi32>
          %add3A_1142 = arith.addi %add3A_1141, %iota3A : vector<16xi32>
          %lt3A_1143 = vector.broadcast %min3A_1130 : i32 to vector<16xi32>
          %lt3A_1144 = arith.cmpi slt, %add3A_1142, %lt3A_1143 : vector<16xi32>
          %add3A_1145 = vector.broadcast %add3A_1131 : i32 to vector<16xi32>
          %add3A_1146 = arith.addi %add3A_1145, %add3A_1142 : vector<16xi32>
          %jit3A_1147 = arith.constant 0 : i32
          %broadcast_in_dim3A_1148 = vector.broadcast %jit3A_1147 : i32 to vector<16xi32>
          %select_n3A_1149 = arith.select %lt3A_1144, %add3A_1146, %broadcast_in_dim3A_1148 : vector<16xi1>, vector<16xi32>
          %swap3A_1150 = arith.constant 0 : index
          %swap3A_1151 = tpu.vector_load %arg12[%swap3A_1150] {strides = array<i32>} : memref<32xi32, #tpu.memory_space<vmem>>, vector<16xi32>,
          %swap3A_1152 = vector.shape_cast %swap3A_1151 : vector<16xi32> to vector<16xi32>
          %swap3A_1153 = vector.shape_cast %select_n3A_1149 : vector<16xi32> to vector<16xi32>
          tpu.vector_store %arg12[%swap3A_1150], %swap3A_1153 {strides = array<i32>} : memref<32xi32, #tpu.memory_space<vmem>>, vector<16xi32>,
          %add3A_1154 = arith.constant 16 : i32
          %add3A_1155 = vector.broadcast %add3A_1154 : i32 to vector<16xi32>
          %add3A_1156 = arith.addi %add3A_1155, %iota3A : vector<16xi32>
          %lt3A_1157 = vector.broadcast %min3A_1130 : i32 to vector<16xi32>
          %lt3A_1158 = arith.cmpi slt, %add3A_1156, %lt3A_1157 : vector<16xi32>
          %add3A_1159 = vector.broadcast %add3A_1131 : i32 to vector<16xi32>
          %add3A_1160 = arith.addi %add3A_1159, %add3A_1156 : vector<16xi32>
          %jit3A_1161 = arith.constant 0 : i32
          %broadcast_in_dim3A_1162 = vector.broadcast %jit3A_1161 : i32 to vector<16xi32>
          %select_n3A_1163 = arith.select %lt3A_1158, %add3A_1160, %broadcast_in_dim3A_1162 : vector<16xi1>, vector<16xi32>
          %swap3A_1164 = arith.constant 16 : index
          %swap3A_1165 = tpu.vector_load %arg12[%swap3A_1164] {strides = array<i32>} : memref<32xi32, #tpu.memory_space<vmem>>, vector<16xi32>,
          %swap3A_1166 = vector.shape_cast %swap3A_1165 : vector<16xi32> to vector<16xi32>
          %swap3A_1167 = vector.shape_cast %select_n3A_1163 : vector<16xi32> to vector<16xi32>
          tpu.vector_store %arg12[%swap3A_1164], %swap3A_1167 {strides = array<i32>} : memref<32xi32, #tpu.memory_space<vmem>>, vector<16xi32>,
          %dma_start3A = arith.constant 0 : i32
          %dma_start3A_1168 = arith.constant 0 : i32
          %dma_start3A_1169 = tpu.memref_slice %arg2[%dma_start3A, %dma_start3A_1168] : memref<38086x1024xf32, #tpu.memory_space<hbm>> -> memref<38086x1024xf32, #tpu.memory_space<hbm>>
          tpu.enqueue_indirect_dma source(%dma_start3A_1169 : memref<38086x1024xf32, #tpu.memory_space<hbm>>) target(%arg9 : memref<32x1024xf32, #tpu.memory_space<vmem>>) offsets(%arg12 : memref<32xi32, #tpu.memory_space<vmem>>) semaphore(%arg16 : memref<!tpu.dma_semaphore, #tpu.memory_space<semaphore_mem>>)
        } else {
        }
      } else {
      }
      %scan3A_1064 = arith.constant 0 : i32
      scf.yield %scan3A_1064 : i32
    }
    %scan3A_639 = arith.constant 21 : i32
    %get3A_640 = arith.constant 240 : index
    %get3A_641 = tpu.vector_load %arg6[%get3A_640] {strides = array<i32>} : memref<256xi32, #tpu.memory_space<vmem>>, vector<16xi32>,
    %get3A_642 = vector.shape_cast %get3A_641 : vector<16xi32> to vector<16xi32>
    %slice3A_643 = vector.extract_strided_slice %get3A_642 {offsets = [0], sizes = [1], strides = [1]} : vector<16xi32> to vector<1xi32>
    %squeeze3A_644 = vector.extract %slice3A_643[0] : i32 from vector<1xi32>
    %get3A_645 = arith.constant 240 : index
    %get3A_646 = tpu.vector_load %arg7[%get3A_645] {strides = array<i32>} : memref<256xi32, #tpu.memory_space<vmem>>, vector<16xi32>,
    %get3A_647 = vector.shape_cast %get3A_646 : vector<16xi32> to vector<16xi32>
    %slice3A_648 = vector.extract_strided_slice %get3A_647 {offsets = [0], sizes = [1], strides = [1]} : vector<16xi32> to vector<1xi32>
    %squeeze3A_649 = vector.extract %slice3A_648[0] : i32 from vector<1xi32>
    %mul3A_650 = arith.constant 32 : i32
    %mul3A_651 = arith.muli %add3A, %mul3A_650 : i32
    %add3A_652 = arith.constant 3072 : i32
    %add3A_653 = arith.addi %mul3A_651, %add3A_652 : i32
    %sub3A_654 = arith.subi %squeeze3A_644, %add3A_653 : i32
    %jit3A_655 = arith.constant 0 : i32
    %jit3A_656 = arith.constant 32 : i32
    %max3A_657 = arith.maxsi %jit3A_655, %sub3A_654 : i32
    %min3A_658 = arith.minsi %jit3A_656, %max3A_657 : i32
    %add3A_659 = arith.addi %squeeze3A_649, %add3A_653 : i32
    %add3A_660 = arith.constant 61440 : i32
    %add3A_661 = arith.addi %add3A_660, %add3A_653 : i32
    %eq3A = arith.constant 0 : i32
    %eq3A_662 = arith.cmpi eq, %min3A_658, %eq3A : i32
    %gt3A_663 = arith.constant 0 : i32
    %gt3A_664 = arith.cmpi sgt, %min3A_658, %gt3A_663 : i32
    %lt3A_665 = arith.constant 32 : i32
    %lt3A_666 = arith.cmpi slt, %min3A_658, %lt3A_665 : i32
    %and3A = arith.andi %gt3A_664, %lt3A_666 : i1
    %gt3A_667 = arith.constant 0 : i32
    %gt3A_668 = arith.cmpi sgt, %min3A_658, %gt3A_667 : i32
    %convert_element_type3A_669 = arith.extui %gt3A_668 : i1 to i32
    %cond3A_670 = arith.constant 0 : i32
    %cond3A_671 = arith.cmpi ne, %convert_element_type3A_669, %cond3A_670 : i32
    scf.if %cond3A_671 {
      %dma_wait3A = arith.constant 0 : i32
      %dma_wait3A_746 = arith.constant 0 : i32
      %dma_wait3A_747 = tpu.memref_slice %arg2[%dma_wait3A, %dma_wait3A_746] : memref<38086x1024xf32, #tpu.memory_space<hbm>> -> memref<38086x1024xf32, #tpu.memory_space<hbm>>
      tpu.wait_indirect_dma semaphore(%arg15 : memref<!tpu.dma_semaphore, #tpu.memory_space<semaphore_mem>>) src(%dma_wait3A_747 : memref<38086x1024xf32, #tpu.memory_space<hbm>>) dst(%arg8 : memref<32x1024xf32, #tpu.memory_space<vmem>>)
    } else {
    }
    %convert_element_type3A_672 = arith.extui %and3A : i1 to i32
    %cond3A_673 = arith.constant 0 : i32
    %cond3A_674 = arith.cmpi ne, %convert_element_type3A_672, %cond3A_673 : i32
    scf.if %cond3A_674 {
      %while3A = arith.constant 32 : i32
      %while3A_746 = arith.constant 0 : i32
      %while3A_747 = arith.subi %while3A, %min3A_658 : i32
      %while3A_748 = arith.addi %min3A_658, %while3A_747 : i32
      %while3A_749 = arith.constant 1 : i32
      %while3A_750 = arith.divsi %while3A_747, %while3A_749 : i32
      %while3A_751 = arith.muli %while3A_750, %while3A_749 : i32
      %while3A_752 = arith.addi %min3A_658, %while3A_751 : i32
      %while3A_753 = arith.constant 1 : i32
      %while3A_754 = scf.for %while3A_757 = %min3A_658 to %while3A_752 step %while3A_753 iter_args(%while3A_758 = %while3A_746) -> (i32)  : i32 {
        %scan3A_759 = arith.constant 0 : i32
        %scan3A_760 = arith.constant 0 : i32
        %scan3A_761 = arith.constant 64 : i32
        %scan3A_762 = arith.addi %scan3A_760, %scan3A_761 : i32
        %scan3A_763 = arith.constant 1 : i32
        %scan3A_764 = scf.for %scan3A_766 = %scan3A_760 to %scan3A_762 step %scan3A_763 iter_args(%scan3A_767 = %scan3A_759) -> (i32)  : i32 {
          %broadcast_in_dim3A_768 = arith.constant 0.000000e+00 : f32
          %broadcast_in_dim3A_769 = vector.broadcast %broadcast_in_dim3A_768 : f32 to vector<16xf32>
          %mul3A_770 = arith.constant 16 : i32
          %mul3A_771 = arith.muli %scan3A_766, %mul3A_770 : i32
          %swap3A_772 = arith.index_cast %while3A_757 : i32 to index
          %swap3A_773 = arith.index_cast %mul3A_771 : i32 to index
          %swap3A_774 = tpu.vector_load %arg8[%swap3A_772, %swap3A_773] {strides = array<i32>} : memref<32x1024xf32, #tpu.memory_space<vmem>>, vector<1x16xf32>,
          %swap3A_775 = vector.shape_cast %swap3A_774 : vector<1x16xf32> to vector<16xf32>
          %swap3A_776 = vector.shape_cast %broadcast_in_dim3A_769 : vector<16xf32> to vector<1x16xf32>
          tpu.vector_store %arg8[%swap3A_772, %swap3A_773], %swap3A_776 {strides = array<i32>} : memref<32x1024xf32, #tpu.memory_space<vmem>>, vector<1x16xf32>,
          %scan3A_777 = arith.constant 0 : i32
          scf.yield %scan3A_777 : i32
        }
        %scan3A_765 = arith.constant 64 : i32
        scf.yield %scan3A_764 : i32
      }
      %while3A_755 = arith.constant 1 : i32
      %while3A_756 = scf.for %while3A_757 = %while3A_752 to %while3A_748 step %while3A_755 iter_args(%while3A_758 = %while3A_754) -> (i32)  : i32 {
        %scan3A_759 = arith.constant 0 : i32
        %scan3A_760 = arith.constant 0 : i32
        %scan3A_761 = arith.constant 64 : i32
        %scan3A_762 = arith.addi %scan3A_760, %scan3A_761 : i32
        %scan3A_763 = arith.constant 1 : i32
        %scan3A_764 = scf.for %scan3A_766 = %scan3A_760 to %scan3A_762 step %scan3A_763 iter_args(%scan3A_767 = %scan3A_759) -> (i32)  : i32 {
          %broadcast_in_dim3A_768 = arith.constant 0.000000e+00 : f32
          %broadcast_in_dim3A_769 = vector.broadcast %broadcast_in_dim3A_768 : f32 to vector<16xf32>
          %mul3A_770 = arith.constant 16 : i32
          %mul3A_771 = arith.muli %scan3A_766, %mul3A_770 : i32
          %swap3A_772 = arith.index_cast %while3A_757 : i32 to index
          %swap3A_773 = arith.index_cast %mul3A_771 : i32 to index
          %swap3A_774 = tpu.vector_load %arg8[%swap3A_772, %swap3A_773] {strides = array<i32>} : memref<32x1024xf32, #tpu.memory_space<vmem>>, vector<1x16xf32>,
          %swap3A_775 = vector.shape_cast %swap3A_774 : vector<1x16xf32> to vector<16xf32>
          %swap3A_776 = vector.shape_cast %broadcast_in_dim3A_769 : vector<16xf32> to vector<1x16xf32>
          tpu.vector_store %arg8[%swap3A_772, %swap3A_773], %swap3A_776 {strides = array<i32>} : memref<32x1024xf32, #tpu.memory_space<vmem>>, vector<1x16xf32>,
          %scan3A_777 = arith.constant 0 : i32
          scf.yield %scan3A_777 : i32
        }
        %scan3A_765 = arith.constant 64 : i32
        scf.yield %scan3A_764 : i32
      }
    } else {
    }
    %convert_element_type3A_675 = arith.extui %eq3A_662 : i1 to i32
    %cond3A_676 = arith.constant 0 : i32
    %cond3A_677 = arith.cmpi ne, %convert_element_type3A_675, %cond3A_676 : i32
    scf.if %cond3A_677 {
      %add3A_746 = arith.constant 0 : i32
      %add3A_747 = arith.addi %add3A_661, %add3A_746 : i32
      %multiple_of3A = tpu.assume_multiple %add3A_747, 8 : i32
      %dma_start3A = arith.constant 0 : i32
      %dma_start3A_748 = tpu.memref_slice %arg4[%multiple_of3A, %dma_start3A] : memref<65536x1024xf32, #tpu.memory_space<hbm>> -> memref<16x1024xf32, #tpu.memory_space<hbm>>
      %dma_start3A_749 = arith.constant 0 : i32
      %dma_start3A_750 = tpu.memref_slice %arg4[%multiple_of3A, %dma_start3A_749] : memref<65536x1024xf32, #tpu.memory_space<hbm>> -> memref<16x1024xf32, #tpu.memory_space<hbm>>
      tpu.enqueue_dma source(%arg14 : memref<16x1024xf32, #tpu.memory_space<vmem>>) target(%dma_start3A_750 : memref<16x1024xf32, #tpu.memory_space<hbm>>) target_semaphore(%arg18 : memref<!tpu.dma_semaphore, #tpu.memory_space<semaphore_mem>>)
      %add3A_751 = arith.constant 16 : i32
      %add3A_752 = arith.addi %add3A_661, %add3A_751 : i32
      %multiple_of3A_753 = tpu.assume_multiple %add3A_752, 8 : i32
      %dma_start3A_754 = arith.constant 0 : i32
      %dma_start3A_755 = tpu.memref_slice %arg4[%multiple_of3A_753, %dma_start3A_754] : memref<65536x1024xf32, #tpu.memory_space<hbm>> -> memref<16x1024xf32, #tpu.memory_space<hbm>>
      %dma_start3A_756 = arith.constant 0 : i32
      %dma_start3A_757 = tpu.memref_slice %arg4[%multiple_of3A_753, %dma_start3A_756] : memref<65536x1024xf32, #tpu.memory_space<hbm>> -> memref<16x1024xf32, #tpu.memory_space<hbm>>
      tpu.enqueue_dma source(%arg14 : memref<16x1024xf32, #tpu.memory_space<vmem>>) target(%dma_start3A_757 : memref<16x1024xf32, #tpu.memory_space<hbm>>) target_semaphore(%arg18 : memref<!tpu.dma_semaphore, #tpu.memory_space<semaphore_mem>>)
    } else {
    }
    %not3A = arith.constant true
    %not3A_678 = arith.xori %eq3A_662, %not3A : i1
    %convert_element_type3A_679 = arith.extui %not3A_678 : i1 to i32
    %cond3A_680 = arith.constant 0 : i32
    %cond3A_681 = arith.cmpi ne, %convert_element_type3A_679, %cond3A_680 : i32
    scf.if %cond3A_681 {
      %multiple_of3A = tpu.assume_multiple %add3A_661, 8 : i32
      %dma_start3A = arith.constant 0 : i32
      %dma_start3A_746 = tpu.memref_slice %arg4[%multiple_of3A, %dma_start3A] : memref<65536x1024xf32, #tpu.memory_space<hbm>> -> memref<32x1024xf32, #tpu.memory_space<hbm>>
      %dma_start3A_747 = arith.constant 0 : i32
      %dma_start3A_748 = tpu.memref_slice %arg4[%multiple_of3A, %dma_start3A_747] : memref<65536x1024xf32, #tpu.memory_space<hbm>> -> memref<32x1024xf32, #tpu.memory_space<hbm>>
      tpu.enqueue_dma source(%arg8 : memref<32x1024xf32, #tpu.memory_space<vmem>>) target(%dma_start3A_748 : memref<32x1024xf32, #tpu.memory_space<hbm>>) target_semaphore(%arg18 : memref<!tpu.dma_semaphore, #tpu.memory_space<semaphore_mem>>)
    } else {
    }
    %get3A_682 = arith.constant 240 : index
    %get3A_683 = tpu.vector_load %arg6[%get3A_682] {strides = array<i32>} : memref<256xi32, #tpu.memory_space<vmem>>, vector<16xi32>,
    %get3A_684 = vector.shape_cast %get3A_683 : vector<16xi32> to vector<16xi32>
    %slice3A_685 = vector.extract_strided_slice %get3A_684 {offsets = [0], sizes = [1], strides = [1]} : vector<16xi32> to vector<1xi32>
    %squeeze3A_686 = vector.extract %slice3A_685[0] : i32 from vector<1xi32>
    %get3A_687 = arith.constant 240 : index
    %get3A_688 = tpu.vector_load %arg7[%get3A_687] {strides = array<i32>} : memref<256xi32, #tpu.memory_space<vmem>>, vector<16xi32>,
    %get3A_689 = vector.shape_cast %get3A_688 : vector<16xi32> to vector<16xi32>
    %slice3A_690 = vector.extract_strided_slice %get3A_689 {offsets = [0], sizes = [1], strides = [1]} : vector<16xi32> to vector<1xi32>
    %squeeze3A_691 = vector.extract %slice3A_690[0] : i32 from vector<1xi32>
    %mul3A_692 = arith.constant 32 : i32
    %mul3A_693 = arith.muli %add3A, %mul3A_692 : i32
    %add3A_694 = arith.constant 2048 : i32
    %add3A_695 = arith.addi %mul3A_693, %add3A_694 : i32
    %sub3A_696 = arith.subi %squeeze3A_686, %add3A_695 : i32
    %jit3A_697 = arith.constant 0 : i32
    %jit3A_698 = arith.constant 32 : i32
    %max3A_699 = arith.maxsi %jit3A_697, %sub3A_696 : i32
    %min3A_700 = arith.minsi %jit3A_698, %max3A_699 : i32
    %add3A_701 = arith.addi %squeeze3A_691, %add3A_695 : i32
    %add3A_702 = arith.constant 61440 : i32
    %add3A_703 = arith.addi %add3A_702, %add3A_695 : i32
    %eq3A_704 = arith.constant 0 : i32
    %eq3A_705 = arith.cmpi eq, %min3A_700, %eq3A_704 : i32
    %convert_element_type3A_706 = arith.extui %eq3A_705 : i1 to i32
    %cond3A_707 = arith.constant 0 : i32
    %cond3A_708 = arith.cmpi ne, %convert_element_type3A_706, %cond3A_707 : i32
    scf.if %cond3A_708 {
      %dma_wait3A = arith.constant 0 : i32
      %dma_wait3A_746 = arith.constant 0 : i32
      %dma_wait3A_747 = tpu.memref_slice %arg4[%dma_wait3A, %dma_wait3A_746] : memref<65536x1024xf32, #tpu.memory_space<hbm>> -> memref<16x1024xf32, #tpu.memory_space<hbm>>
      %dma_wait3A_748 = arith.constant 0 : i32
      %dma_wait3A_749 = arith.constant 0 : i32
      %dma_wait3A_750 = tpu.memref_slice %arg4[%dma_wait3A_748, %dma_wait3A_749] : memref<65536x1024xf32, #tpu.memory_space<hbm>> -> memref<16x1024xf32, #tpu.memory_space<hbm>>
      tpu.wait_dma2 semaphore(%arg20 : memref<!tpu.dma_semaphore, #tpu.memory_space<semaphore_mem>>) src(%arg14 : memref<16x1024xf32, #tpu.memory_space<vmem>>) dst(%dma_wait3A_750 : memref<16x1024xf32, #tpu.memory_space<hbm>>)
      %dma_wait3A_751 = arith.constant 0 : i32
      %dma_wait3A_752 = arith.constant 0 : i32
      %dma_wait3A_753 = tpu.memref_slice %arg4[%dma_wait3A_751, %dma_wait3A_752] : memref<65536x1024xf32, #tpu.memory_space<hbm>> -> memref<16x1024xf32, #tpu.memory_space<hbm>>
      %dma_wait3A_754 = arith.constant 0 : i32
      %dma_wait3A_755 = arith.constant 0 : i32
      %dma_wait3A_756 = tpu.memref_slice %arg4[%dma_wait3A_754, %dma_wait3A_755] : memref<65536x1024xf32, #tpu.memory_space<hbm>> -> memref<16x1024xf32, #tpu.memory_space<hbm>>
      tpu.wait_dma2 semaphore(%arg20 : memref<!tpu.dma_semaphore, #tpu.memory_space<semaphore_mem>>) src(%arg14 : memref<16x1024xf32, #tpu.memory_space<vmem>>) dst(%dma_wait3A_756 : memref<16x1024xf32, #tpu.memory_space<hbm>>)
    } else {
    }
    %gt3A_709 = arith.constant 0 : i32
    %gt3A_710 = arith.cmpi sgt, %min3A_700, %gt3A_709 : i32
    %convert_element_type3A_711 = arith.extui %gt3A_710 : i1 to i32
    %cond3A_712 = arith.constant 0 : i32
    %cond3A_713 = arith.cmpi ne, %convert_element_type3A_711, %cond3A_712 : i32
    scf.if %cond3A_713 {
      %dma_wait3A = arith.constant 0 : i32
      %dma_wait3A_746 = arith.constant 0 : i32
      %dma_wait3A_747 = tpu.memref_slice %arg4[%dma_wait3A, %dma_wait3A_746] : memref<65536x1024xf32, #tpu.memory_space<hbm>> -> memref<32x1024xf32, #tpu.memory_space<hbm>>
      %dma_wait3A_748 = arith.constant 0 : i32
      %dma_wait3A_749 = arith.constant 0 : i32
      %dma_wait3A_750 = tpu.memref_slice %arg4[%dma_wait3A_748, %dma_wait3A_749] : memref<65536x1024xf32, #tpu.memory_space<hbm>> -> memref<32x1024xf32, #tpu.memory_space<hbm>>
      tpu.wait_dma2 semaphore(%arg20 : memref<!tpu.dma_semaphore, #tpu.memory_space<semaphore_mem>>) src(%arg10 : memref<32x1024xf32, #tpu.memory_space<vmem>>) dst(%dma_wait3A_750 : memref<32x1024xf32, #tpu.memory_space<hbm>>)
    } else {
    }
    %get3A_714 = arith.constant 240 : index
    %get3A_715 = tpu.vector_load %arg6[%get3A_714] {strides = array<i32>} : memref<256xi32, #tpu.memory_space<vmem>>, vector<16xi32>,
    %get3A_716 = vector.shape_cast %get3A_715 : vector<16xi32> to vector<16xi32>
    %slice3A_717 = vector.extract_strided_slice %get3A_716 {offsets = [0], sizes = [1], strides = [1]} : vector<16xi32> to vector<1xi32>
    %squeeze3A_718 = vector.extract %slice3A_717[0] : i32 from vector<1xi32>
    %get3A_719 = arith.constant 240 : index
    %get3A_720 = tpu.vector_load %arg7[%get3A_719] {strides = array<i32>} : memref<256xi32, #tpu.memory_space<vmem>>, vector<16xi32>,
    %get3A_721 = vector.shape_cast %get3A_720 : vector<16xi32> to vector<16xi32>
    %slice3A_722 = vector.extract_strided_slice %get3A_721 {offsets = [0], sizes = [1], strides = [1]} : vector<16xi32> to vector<1xi32>
    %squeeze3A_723 = vector.extract %slice3A_722[0] : i32 from vector<1xi32>
    %mul3A_724 = arith.constant 32 : i32
    %mul3A_725 = arith.muli %add3A, %mul3A_724 : i32
    %add3A_726 = arith.constant 3072 : i32
    %add3A_727 = arith.addi %mul3A_725, %add3A_726 : i32
    %sub3A_728 = arith.subi %squeeze3A_718, %add3A_727 : i32
    %jit3A_729 = arith.constant 0 : i32
    %jit3A_730 = arith.constant 32 : i32
    %max3A_731 = arith.maxsi %jit3A_729, %sub3A_728 : i32
    %min3A_732 = arith.minsi %jit3A_730, %max3A_731 : i32
    %add3A_733 = arith.addi %squeeze3A_723, %add3A_727 : i32
    %add3A_734 = arith.constant 61440 : i32
    %add3A_735 = arith.addi %add3A_734, %add3A_727 : i32
    %eq3A_736 = arith.constant 0 : i32
    %eq3A_737 = arith.cmpi eq, %min3A_732, %eq3A_736 : i32
    %convert_element_type3A_738 = arith.extui %eq3A_737 : i1 to i32
    %cond3A_739 = arith.constant 0 : i32
    %cond3A_740 = arith.cmpi ne, %convert_element_type3A_738, %cond3A_739 : i32
    scf.if %cond3A_740 {
      %dma_wait3A = arith.constant 0 : i32
      %dma_wait3A_746 = arith.constant 0 : i32
      %dma_wait3A_747 = tpu.memref_slice %arg4[%dma_wait3A, %dma_wait3A_746] : memref<65536x1024xf32, #tpu.memory_space<hbm>> -> memref<16x1024xf32, #tpu.memory_space<hbm>>
      %dma_wait3A_748 = arith.constant 0 : i32
      %dma_wait3A_749 = arith.constant 0 : i32
      %dma_wait3A_750 = tpu.memref_slice %arg4[%dma_wait3A_748, %dma_wait3A_749] : memref<65536x1024xf32, #tpu.memory_space<hbm>> -> memref<16x1024xf32, #tpu.memory_space<hbm>>
      tpu.wait_dma2 semaphore(%arg18 : memref<!tpu.dma_semaphore, #tpu.memory_space<semaphore_mem>>) src(%arg14 : memref<16x1024xf32, #tpu.memory_space<vmem>>) dst(%dma_wait3A_750 : memref<16x1024xf32, #tpu.memory_space<hbm>>)
      %dma_wait3A_751 = arith.constant 0 : i32
      %dma_wait3A_752 = arith.constant 0 : i32
      %dma_wait3A_753 = tpu.memref_slice %arg4[%dma_wait3A_751, %dma_wait3A_752] : memref<65536x1024xf32, #tpu.memory_space<hbm>> -> memref<16x1024xf32, #tpu.memory_space<hbm>>
      %dma_wait3A_754 = arith.constant 0 : i32
      %dma_wait3A_755 = arith.constant 0 : i32
      %dma_wait3A_756 = tpu.memref_slice %arg4[%dma_wait3A_754, %dma_wait3A_755] : memref<65536x1024xf32, #tpu.memory_space<hbm>> -> memref<16x1024xf32, #tpu.memory_space<hbm>>
      tpu.wait_dma2 semaphore(%arg18 : memref<!tpu.dma_semaphore, #tpu.memory_space<semaphore_mem>>) src(%arg14 : memref<16x1024xf32, #tpu.memory_space<vmem>>) dst(%dma_wait3A_756 : memref<16x1024xf32, #tpu.memory_space<hbm>>)
    } else {
    }
    %gt3A_741 = arith.constant 0 : i32
    %gt3A_742 = arith.cmpi sgt, %min3A_732, %gt3A_741 : i32
    %convert_element_type3A_743 = arith.extui %gt3A_742 : i1 to i32
    %cond3A_744 = arith.constant 0 : i32
    %cond3A_745 = arith.cmpi ne, %convert_element_type3A_743, %cond3A_744 : i32
    scf.if %cond3A_745 {
      %dma_wait3A = arith.constant 0 : i32
      %dma_wait3A_746 = arith.constant 0 : i32
      %dma_wait3A_747 = tpu.memref_slice %arg4[%dma_wait3A, %dma_wait3A_746] : memref<65536x1024xf32, #tpu.memory_space<hbm>> -> memref<32x1024xf32, #tpu.memory_space<hbm>>
      %dma_wait3A_748 = arith.constant 0 : i32
      %dma_wait3A_749 = arith.constant 0 : i32
      %dma_wait3A_750 = tpu.memref_slice %arg4[%dma_wait3A_748, %dma_wait3A_749] : memref<65536x1024xf32, #tpu.memory_space<hbm>> -> memref<32x1024xf32, #tpu.memory_space<hbm>>
      tpu.wait_dma2 semaphore(%arg18 : memref<!tpu.dma_semaphore, #tpu.memory_space<semaphore_mem>>) src(%arg8 : memref<32x1024xf32, #tpu.memory_space<vmem>>) dst(%dma_wait3A_750 : memref<32x1024xf32, #tpu.memory_space<hbm>>)
    } else {
    }
    return
  }
}

module attributes {stable_mosaic.version = 14 : i64} {
  func.func @_mask_body(%arg0: memref<16x1xi32, #tpu.memory_space<vmem>>, %arg1: memref<16x4096xi32, #tpu.memory_space<vmem>>) attributes {dimension_semantics = [], scalar_prefetch = 0 : i64, scratch_operands = 0 : i64, tpu.core_type = #tpu.core_type<tc>} {
    %iota3A = tpu.iota {dimensions = array<i32: 1>} : vector<16x4096xi32>
    %get3A = arith.constant 0 : index
    %get3A_0 = arith.constant 0 : index
    %get3A_1 = vector.load %arg0[%get3A, %get3A_0] : memref<16x1xi32, #tpu.memory_space<vmem>>, vector<16x1xi32>
    %lt3A = vector.broadcast %get3A_1 : vector<16x1xi32> to vector<16x4096xi32>
    %lt3A_2 = arith.cmpi slt, %iota3A, %lt3A : vector<16x4096xi32>
    %swap3A = arith.constant 0 : index
    %swap3A_3 = arith.constant 0 : index
    %swap3A_4 = vector.load %arg1[%swap3A, %swap3A_3] : memref<16x4096xi32, #tpu.memory_space<vmem>>, vector<16x4096xi32>
    %swap3A_5 = arith.extui %lt3A_2 : vector<16x4096xi1> to vector<16x4096xi32>
    %swap3A_6 = arith.constant dense<0> : vector<16x4096xi32>
    %swap3A_7 = arith.cmpi ne, %swap3A_4, %swap3A_6 : vector<16x4096xi32>
    tpu.vector_store %arg1[%swap3A, %swap3A_3], %swap3A_5 {strides = array<i32>} : memref<16x4096xi32, #tpu.memory_space<vmem>>, vector<16x4096xi32>,
    return
  }
}

</mosaic_0001>

<sc_bundles>
// kernel: kernel.4.cloned.1.call-start
scs
__scs_entry_jumppad:
0x0: {  	(pc) =	sbr.rel $0x88, $3  }
0x1: {  	(tag) =	ssettag $0x0;
	lr =	simm.s32 $0x1  }
0x2: {  	[smem:$0x3F9F] =	sst lr;
	_ =	strace $0xD0000000  }
0x3: {  	_ = 	snop  }
0x4: {  	_ = 	snop  }
0x5: {  	_ = 	snop  }
0x6: {  	_ = 	snop  }
0x7: {  	_ = 	snop  }
__scs_overlays_trampoline_lowered:
0x8: {  	[smem:$0x3FAE] =	sst s0  }
0x9: {  	[smem:$0x3FAF] =	sst s1  }
0xa: {  	[smem:$0x3FB0] =	sst s2  }
0xb: {  	[smem:$0x3FB1] =	sst s3  }
0xc: {  	[smem:$0x3FB2] =	sst s4  }
0xd: {  	[smem:$0x3FB3] =	sst s5  }
0xe: {  	[smem:$0x3FB4] =	sst s6  }
0xf: {  	[smem:$0x3FB5] =	sst s7  }
0x10: {  	[smem:$0x3FB6] =	sst s8  }
0x11: {  	[smem:$0x3FB7] =	sst s9;
	s0 =	simm.s32 @!p0 $0x0  }
0x12: {  	s1 =	sld [smem:$0x3F9D];
	s0 =	simm.s32 @p0 $0x1  }
0x13: {  	[smem:$0x3FB8] =	sst s0;
	s0 =	simm.s32 @!p1 $0x0  }
0x14: {  	s2 =	sld [smem:$0x3F9C];
	s0 =	simm.s32 @p1 $0x1  }
0x15: {  	[smem:$0x3FB9] =	sst s0;
	s0 =	simm.s32 @!p2 $0x0  }
0x16: {  	s3 =	sld [smem:$0x3FDB];
	s0 =	simm.s32 @p2 $0x1  }
0x17: {  	s4 =	simm.s32 $0x1BF5;
	[smem:$0x3FBB] =	sst s0  }
0x18: {  	s0 =	sld [smem:$0x3F9E];
	_ =	swait.ge [sflag:s4], $0x0  }
0x19: {  	s7 =	sld [smem:$0x3F9F]  }
0x1a: {  	s8 =	sadd.s32 $0xFFFFE003, lr  }
0x1b: {  	s9 =	sadd.s32 $0xFFFFFEF7, lr;
	s5 =	simm.s32 $0xFFFFFFFF;
	p2 =	slt.u32 s8, $0xFFFFF086  }
0x1c: {  	p1 =	slt.u32 s9, $0xF7A;
	s5 =	simm.s32 @!p2 $0x0  }
0x1d: {  	s5 =	simm.s32 @p1 $0x1;
	p0 =	seq.s32 s7, s2  }
0x1e: {  	s7 =	smul.u32 @!p0 $0xF7A, s2;
	p2 =	seq.s32 @!p0 s5, $0x0  }
0x1f: {  	s9 =	smul.u32 $0xF7A, s1;
	s8 =	simm.s32 @!p0 $0x1BF5;
	p2 =	por !p2, p0  }
0x20: {  	[sflag:s8] =	ssyncset.s32 @!p0 $0xFFFFF086;
	s6 =	sadd.s32 @!p0 s3, s7;
	s7 =	simm.s32 @!p0 $0x108  }
0x21: {  	s3 =	sadd.s32 s3, s9;
	s6 =	sadd.s32 @!p0 $0x88, s6;
	s7 =	simm.s32 @p2 $0x1082  }
0x22: {  	[simem:s7], [sflag:s8] =	dma.local @!p0 [hbm:s6], $0xF7A  }
0x23: {  	s9 =	sor.u32 $0xD0000000, s2;
	s6 =	simm.s32 $0x108;
	_ =	swait.ge @!p0 [sflag:s8], $0x0  }
0x24: {  	s3 =	sadd.s32 $0x88, s3;
	s6 =	simm.s32 @!p1 $0x1082;
	[sflag:s4] =	ssyncset.s32 $0xFFFFF086  }
0x25: {  	[simem:s6], [sflag:s4] =	dma.local [hbm:s3], $0xF7A  }
0x26: {  	[smem:$0x3F9F] =	sst s1;
	(tag) =	ssettag s2;
	_ =	strace s9  }
0x27: {  	s1 =	sld [smem:$0x3FAF]  }
0x28: {  	s2 =	sld [smem:$0x3FB0]  }
0x29: {  	s4 =	sld [smem:$0x3FB2]  }
0x2a: {  	p0 =	seq.s32 s5, $0x0;
	s5 =	sld [smem:$0x3FB3]  }
0x2b: {  	s6 =	sld [smem:$0x3FB4]  }
0x2c: {  	s7 =	sld [smem:$0x3FB5]  }
0x2d: {  	s3 =	simm.s32 $0x108;
	s8 =	sld [smem:$0x3FB6]  }
0x2e: {  	s3 =	simm.s32 @!p0 $0x1082;
	s9 =	sld [smem:$0x3FB7]  }
0x2f: {  	lr =	sadd.s32 s0, s3;
	s0 =	sld [smem:$0x3FAE]  }
0x30: {  	s3 =	sld [smem:$0x3FB1]  }
0x31: {  	[smem:$0x3FBA] =	sst s10  }
0x32: {  	s10 =	sld [smem:$0x3FB8];
	_ =	sdelay $0x3  }
0x33: {  	p0 =	seq.s32 s10, $0x1;
	s10 =	sld [smem:$0x3FBA];
	_ =	sdelay $0x3  }
0x34: {  	[smem:$0x3FBA] =	sst s10  }
0x35: {  	s10 =	sld [smem:$0x3FB9];
	_ =	sdelay $0x3  }
0x36: {  	p1 =	seq.s32 s10, $0x1;
	s10 =	sld [smem:$0x3FBA];
	_ =	sdelay $0x3  }
0x37: {  	[smem:$0x3FBA] =	sst s10  }
0x38: {  	s10 =	sld [smem:$0x3FBB]  }
0x39: {  	_ = 	snop;
	(pc) =	sbr.ind lr, $3  }
0x3a: {  	_ = 	snop  }
0x3b: {  	_ = 	snop  }
0x3c: {  	p2 =	seq.s32 s10, $0x1;
	s10 =	sld [smem:$0x3FBA]  }
0x3d: {  	_ =	shalt  }
0x3e: {  	_ =	shalt  }
0x3f: {  	_ =	shalt  }
0x40: {  	_ =	shalt  }
0x41: {  	_ =	shalt  }
0x42: {  	_ =	shalt  }
0x43: {  	_ =	shalt  }
0x44: {  	_ =	shalt  }
0x45: {  	_ =	shalt  }
0x46: {  	_ =	shalt  }
0x47: {  	_ =	shalt  }
0x48: {  	_ =	shalt  }
0x49: {  	_ =	shalt  }
0x4a: {  	_ =	shalt  }
0x4b: {  	_ =	shalt  }
0x4c: {  	_ =	shalt  }
0x4d: {  	_ =	shalt  }
0x4e: {  	_ =	shalt  }
0x4f: {  	_ =	shalt  }
0x50: {  	_ =	shalt  }
0x51: {  	_ =	shalt  }
0x52: {  	_ =	shalt  }
0x53: {  	_ =	shalt  }
0x54: {  	_ =	shalt  }
0x55: {  	_ =	shalt  }
0x56: {  	_ =	shalt  }
0x57: {  	_ =	shalt  }
0x58: {  	_ =	shalt  }
0x59: {  	_ =	shalt  }
0x5a: {  	_ =	shalt  }
0x5b: {  	_ =	shalt  }
0x5c: {  	_ =	shalt  }
0x5d: {  	_ =	shalt  }
0x5e: {  	_ =	shalt  }
0x5f: {  	_ =	shalt  }
0x60: {  	_ =	shalt  }
0x61: {  	_ =	shalt  }
0x62: {  	_ =	shalt  }
0x63: {  	_ =	shalt  }
0x64: {  	_ =	shalt  }
0x65: {  	_ =	shalt  }
0x66: {  	_ =	shalt  }
0x67: {  	_ =	shalt  }
0x68: {  	_ =	shalt  }
0x69: {  	_ =	shalt  }
0x6a: {  	_ =	shalt  }
0x6b: {  	_ =	shalt  }
0x6c: {  	_ =	shalt  }
0x6d: {  	_ =	shalt  }
0x6e: {  	_ =	shalt  }
0x6f: {  	_ =	shalt  }
0x70: {  	_ =	shalt  }
0x71: {  	_ =	shalt  }
0x72: {  	_ =	shalt  }
0x73: {  	_ =	shalt  }
0x74: {  	_ =	shalt  }
0x75: {  	_ =	shalt  }
0x76: {  	_ =	shalt  }
0x77: {  	_ =	shalt  }
0x78: {  	_ =	shalt  }
0x79: {  	_ =	shalt  }
0x7a: {  	_ =	shalt  }
0x7b: {  	_ =	shalt  }
0x7c: {  	_ =	shalt  }
0x7d: {  	_ =	shalt  }
0x7e: {  	_ =	shalt  }
0x7f: {  	_ =	shalt  }
0x80: {  	_ =	shalt  }
0x81: {  	_ =	shalt  }
0x82: {  	_ =	shalt  }
0x83: {  	_ =	shalt  }
0x84: {  	_ =	shalt  }
0x85: {  	_ =	shalt  }
0x86: {  	_ =	shalt  }
0x87: {  	_ =	shalt  }
.Lfunc_end0:
.L_simem_size_0:
called_computation_lowered:
.L_overlay_start_0:
0x88: {  	s2 =	sld [smem:$0x3FD9]  }
0x89: {  	s3 =	sld [smem:$0x3FFE];
	_ =	sdelay $0x1  }
0x8a: {  	s1 =	srdreg.scid  }
0x8b: {  	s0 =	sand.u32 $0x1, s1  }
0x8c: {  	s15 =	sshll.u32 s0, $0xA;
	s2 =	sadd.s32 s3, s2  }
0x8d: {  	s2 =	sadd.s32 s2, s15  }
0x8e: {  	[smem:$0x3FC6] =	sst s2  }
0x8f: {  	_ = 	snop  }
0x90: {  	s2 =	sld [smem:$0x3FD0];
	_ =	sdelay $0x1  }
0x91: {  	s16 =	sld [smem:$0x3FC9]  }
0x92: {  	s5 =	simm.s32 $0xA;
	s6 =	simm.s32 $0x10;
	s4 =	sld [smem:$0x3FC8]  }
0x93: {  	[smem:s6], [sflag:s5] =	dma.local [hbm:s2], $0x1  }
0x94: {  	_ =	swait.eq [sflag:s5], $0x1  }
0x95: {  	[sflag:s5] =	ssyncset.done $0x0  }
0x96: {  	[sflag:s5] =	ssyncadd.s32 $0xFFFFFFFF  }
0x97: {  	s17 =	sld [smem:$0x10];
	(tm) =	ssettm $0x1  }
0x98: {  	s18 =	sld [smem:$0x3FFB];
	_ =	sdelay $0x3  }
0x99: {  	_ =	strace s18  }
0x9a: {  	s5 =	sld [smem:$0x3FFC];
	_ =	sdelay $0x3  }
0x9b: {  	_ =	strace s5  }
0x9c: {  	s5 =	sld [smem:$0x3FFD];
	_ =	sdelay $0x3  }
0x9d: {  	_ =	strace s5  }
0x9e: {  	_ =	strace $0x8FFFFFFF  }
0x9f: {  	s19 =	sld [smem:$0x3FDB];
	_ =	sdelay $0x1  }
0xa0: {  	s20 =	simm.s32 $_scs_section_size  }
0xa1: {  	s7 =	simm.s32 $_size__tile_overlayer_lowered;
	s8 =	simm.s32 $_tile_overlayer_lowered  }
0xa2: {  	s23 =	simm.s32 $0x1BFF;
	s22 =	sshll.u32 s8, $0x1;
	s5 =	sadd.s32 s20, s19  }
0xa3: {  	s9 =	simm.s32 $0x0;
	s21 =	sshll.u32 s7, $0x1;
	s7 =	sadd.s32 s22, s5  }
0xa4: {  	[timem:s9], [sflag:s23] =	dma.local [hbm:s7], s21  }
0xa5: {  	_ =	swait.ge [sflag:s23], s21  }
0xa6: {  	s6 =	ssub.s32 $0x0, s21;
	[sflag:s23] =	ssyncset.done $0x0  }
0xa7: {  	[sflag:s23] =	ssyncadd.s32 s6;
	_ =	sdelay $0x1  }
0xa8: {  	s24 =	simm.s32 $0x1B8B  }
0xa9: {  	_ =	swait.ge [sflag:s24], $0x1  }
0xaa: {  	[sflag:s24] =	ssyncset.done $0x0  }
0xab: {  	s25 =	simm.s32 $0x1B8E;
	[sflag:s24] =	ssyncadd.s32 $0xFFFFFFFF  }
0xac: {  	s26 =	simm.s32 $execute0_lowered;
	[smem:$0x3FD2] =	sst s25  }
0xad: {  	s6 =	sshll.u32 s26, $0x1;
	_ =	strace $0x80000046;
	[dreg:$0x1] =	wrdreg $0xFFFFFFFF  }
0xae: {  	s28 =	simm.s32 $_size_execute0_lowered;
	s5 =	sadd.s32 s5, s6;
	[dreg:$0x0] =	wrdreg $0x0  }
0xaf: {  	s6 =	sshll.u32 s28, $0x1;
	[dreg:$0x2] =	wrdreg s5  }
0xb0: {  	[dreg:$0x3] =	wrdreg s6  }
0xb1: {  	[dreg:$0x4] =	wrdreg $0xC0  }
0xb2: {  	_ =	task [dreg:s9], $0x5FFFF  }
0xb3: {  	[dreg:$0x1] =	wrdreg $0xFFFFFFFF  }
0xb4: {  	[dreg:$0x0] =	wrdreg $0x60  }
0xb5: {  	[dreg:$0x2] =	wrdreg s16  }
0xb6: {  	[dreg:$0x3] =	wrdreg s4  }
0xb7: {  	[dreg:$0x4] =	wrdreg s17  }
0xb8: {  	[dreg:$0x5] =	wrdreg $0x9  }
0xb9: {  	_ =	task.clear_ibuf [dreg:s9], $0x6FFFF;
	_ =	strace $0x90000046  }
0xba: {  	s29 =	simm.s32 $0x9;
	_ =	strace $0x80000048  }
0xbb: {  	_ =	swait.ge [sflag:s29], $0x1  }
0xbc: {  	[sflag:s29] =	ssyncadd.s32 $0xFFFFFFFF  }
0xbd: {  	_ =	strace $0x90000048  }
0xbe: {  	_ =	sfence  }
0xbf: {  	s30 =	sld [smem:$0x0];
	_ =	sdelay $0x2  }
0xc0: {  	s31 =	sshll.u32 s1, $0xD;
	s1 =	sshrl.u32 s1, $0x2  }
0xc1: {  	s3 =	sand.u32 $0x4000, s31;
	s1 =	sadd.s32 s1, s30  }
0xc2: {  	s0 =	sor.u32 s3, s0;
	s1 =	sshll.u32 s1, $0x11  }
0xc3: {  	s0 =	sor.u32 s1, s0  }
0xc4: {  	s0 =	sadd.s32 $0x8F2B, s0  }
0xc5: {  	[sflag:s0] =	ssyncadd.remote.s32 $0x1  }
0xc6: {  	_ =	sfence.sel $0xFFFF  }
0xc7: {  	[dreg:$0x0] =	wrdreg $0xFFFFFFFF;
	(pc) =	sbr.abs _section_cstart, $3  }
0xc8: {  	[dreg:$0x1] =	wrdreg $0xFFFFFFFF  }
0xc9: {  	_ =	task.clear_ibuf [dreg:s9], $0x2FFFF;
	_ =	strace $0x9FFFFFFF  }
0xca: {  	(tm) =	ssettm $0x7FFFFFFF  }
0xcb: {  	_ =	shalt  }
tec
execute0_lowered:
.L_overlay_start_1:
0x0: {  	(tag) =	ssettag $0x1  }
0x1: {  	v0 =	vimm.s32 $0xEDCBA987;
	v1 =	vimm.s32 $0x65432100;
	v2 =	vimm.s32 $0xDCBA9876  }
0x2: {  	v3 =	vimm.s32 $0x54321000;
	v4 =	vimm.s32 $0xE40000;
	v5 =	vimm.s32 $0x32100000  }
0x3: {  	vm0 =	vmmov $0x3;
	vm2 =	vcmask $0x3F30;
	vm1 =	vmmov $0xf  }
0x4: {  	v7 =	vimm.s32 $0x2;
	v8 =	vimm.s32 $0x3;
	v9 =	vimm.s32 $0x4  }
0x5: {  	v10 =	vimm.s32 $0x5;
	v11 =	vimm.s32 $0x6;
	v12 =	vimm.s32 $0x7  }
0x6: {  	v13 =	vimm.s32 $0x8;
	v14 =	vimm.s32 $0x9;
	v15 =	vimm.s32 $0xA  }
0x7: {  	s1 =	rddreg [dreg:$0x0];
	v16 =	vimm.s32 $0xB;
	v17 =	vimm.s32 $0xC;
	v0 =	vunpack.c.l.s4.s8 v0  }
0x8: {  	s3 =	rddreg [dreg:$0x2];
	s0 =	srdreg.scid;
	v18 =	vimm.s32 $0xD;
	v1 =	vunpack.c.l.s4.s8 v1;
	v2 =	vunpack.c.l.s4.s8 v2  }
0x9: {  	s4 =	simm.s32 $0x0;
	s6 =	stileid.u32;
	s17 =	simm.s32 $0x1;
	v19 =	vimm.s32 $0xE;
	v3 =	vunpack.c.l.s4.s8 v3;
	v0 =	vunpack.c.0.s8.s32 v0  }
0xa: {  	s18 =	simm.s32 $0x280;
	s19 =	simm.s32 $0x2;
	s20 =	simm.s32 $0x8280;
	v20 =	vimm.s32 $0xF;
	v1 =	vunpack.c.0.s8.s32 v1;
	v2 =	vunpack.c.0.s8.s32 v2  }
0xb: {  	s21 =	simm.s32 $0x3;
	s22 =	simm.s32 $0x10280;
	s23 =	simm.s32 $0x18400;
	v21 =	vimm.f32 $0.0e+00;
	v3 =	vunpack.c.0.s8.s32 v3;
	v0 =	vand.u32 $0xF, v0  }
0xc: {  	s24 =	simm.s32 $0x0;
	s0 =	sand.u32 $0x1, s0;
	[smem:$0x7FF] =	sst s4;
	v2 =	vand.u32 $0xF, v2;
	v0 =	vcombine.low v1, v0;
	v1 =	vunpack.c.l.s2.s4 v4  }
0xd: {  	s30 =	sshll.u32 s6, $0x6;
	s2 =	ssub.s32 $0x2, s0;
	s0 =	sshll.u32 s0, $0x5;
	v4 =	vimm.s32 $0xBA987654;
	v2 =	vcombine.low v3, v2;
	v3 =	vunpack.c.l.s4.s8 v5  }
0xe: {  	_ =	strace $0x80000047;
	s5 =	sshrl.u32 s2, $0x1;
	s6 =	sor.u32 s0, s30;
	v5 =	vimm.s32 $0x7060504;
	v4 =	vunpack.c.l.s4.s8 v4;
	v6 =	vunpack.c.l.s4.s8 v1  }
0xf: {  	vm3 =	vmmov $0xffff;
	s2 =	ssub.s32 s2, s5;
	s5 =	sor.u32 $0x400, s6;
	s0 =	sshll.u32 s6, $0x7;
	v5 =	vunpack.c.0.s8.s32 v5;
	v1 =	vlaneseq.u32  }
.Ltmp0:
0x10: {  	s16 =	sor.u32 $0xC00, s6;
	[dreg:$0x4] =	wrdreg s5;
	v3 =	vunpack.c.0.s8.s32 v3;
	v4 =	vunpack.c.0.s8.s32 v4;
	v6 =	vunpack.c.0.s8.s32 v6;
	(pc) =	sbr.rel .LBB2_1-.Ltmp0, $4  }
0x11: {  	s0 =	sadd.s32 s0, s3;
	s31 =	smax.u32 s2, $0x1;
	[dreg:$0x5] =	wrdreg s16;
	v22 =	vor.u32 $0x10, v1;
	v23 =	vand.u32 $0x7, v1;
	v24 =	vshrl.u32 v1, $0x3  }
0x12: {  	s7 =	sadd.s32 $0x100, s1;
	s10 =	sadd.s32 $0x7E0000, s0;
	[dreg:$0x8] =	wrdreg s31;
	v25 =	vor.u32 $0x8, v1;
	v4 =	vand.u32 $0xF, v4;
	v6 =	vand.u32 $0x3, v6  }
0x13: {  	s8 =	sadd.s32 $0x200, s1;
	s0 =	sadd.s32 $0x7E0800, s0;
	[dreg:$0x6] =	wrdreg s10;
	v24 =	vmul.u32 $0x8, v24;
	v3 =	vcombine.low v3, v4;
	v4 =	vsel vm2, v5, v6  }
0x14: {  	s9 =	sadd.s32 $0x300, s1;
	s11 =	sadd.s32 $0x800, s3;
	[dreg:$0x7] =	wrdreg s0;
	vm2 =	vmmov $0xff;
	v5 =	vimm.s32 $0x0;
	v6 =	vimm.s32 $0x1  }
.LBB2_41:
0x15: {  	s0 =	rddreg [dreg:$0x6]  }
0x16: {  	[hbm4b:s0+s4] =	stream.linear.scatter [tilespmem:s18], [sflag:$0x4], $0x8000, $0x38;
	[tilespmem:$0x1C400] =	vst v63  }
.LBB2_42:
0x17: {  	v26 =	vld [tilespmem:$0x170];
	_ =	sdelay $0x4  }
0x18: {  	(v2sf) =	vpush v26, $0x0;
	_ =	sdelay $0xe  }
0x19: {  	s0 =	spop (v2sf)  }
0x1a: {  	s2 =	ssub.s32 s0, s6  }
0x1b: {  	s2 =	sadd.s32 $0xFFFFF800, s2  }
0x1c: {  	p0 =	sgt.s32 s2, $0x0  }
0x1d: {  	s2 =	simm.s32 @p0 $0x6  }
0x1e: {  	_ =	swait.ge @p0 [sflag:s2], $0x8000  }
0x1f: {  	[sflag:s2] =	ssyncset.done @p0 $0x0  }
0x20: {  	[sflag:s2] =	ssyncadd.s32 @p0 $0xFFFF8000;
	s2 =	simm.s32 @!p0 $0x6  }
0x21: {  	_ =	swait.ge @!p0 [sflag:s2], $0x4000  }
0x22: {  	[sflag:s2] =	ssyncset.done @!p0 $0x0  }
0x23: {  	[sflag:s2] =	ssyncadd.s32 @!p0 $0xFFFFC000  }
0x24: {  	s0 =	ssub.s32 s0, s16;
	_ =	swait.ge @!p0 [sflag:s2], $0x4000  }
0x25: {  	p1 =	sgt.s32 s0, $0x0;
	[sflag:s2] =	ssyncset.done @!p0 $0x0  }
0x26: {  	s0 =	simm.s32 @p1 $0x4;
	[sflag:s2] =	ssyncadd.s32 @!p0 $0xFFFFC000  }
0x27: {  	_ =	swait.ge @p1 [sflag:s0], $0x8000  }
0x28: {  	[sflag:s0] =	ssyncset.done @p1 $0x0  }
0x29: {  	[sflag:s0] =	ssyncadd.s32 @p1 $0xFFFF8000;
	s0 =	simm.s32 @!p1 $0x4  }
0x2a: {  	_ =	swait.ge @!p1 [sflag:s0], $0x4000  }
0x2b: {  	[sflag:s0] =	ssyncset.done @!p1 $0x0  }
0x2c: {  	[sflag:s0] =	ssyncadd.s32 @!p1 $0xFFFFC000  }
0x2d: {  	_ =	swait.ge @!p1 [sflag:s0], $0x4000  }
0x2e: {  	s24 =	sadd.s32 $0x1, s24;
	s31 =	rddreg [dreg:$0x8]  }
0x2f: {  	p0 =	sne.s32 s24, s31  }
.Ltmp1:
0x30: {  	_ = 	snop;
	(pc) =	sbr.rel @!p0 .LBB2_43-.Ltmp1, $3  }
0x31: {  	_ =	sdelay $0x1  }
0x32: {  	[sflag:s0] =	ssyncset.done @!p1 $0x0  }
0x33: {  	s5 =	rddreg [dreg:$0x4];
	[sflag:s0] =	ssyncadd.s32 @!p1 $0xFFFFC000  }
.LBB2_1:
0x34: {  	s0 =	rddreg [dreg:$0x1];
	s30 =	simm.s32 $0x7  }
0x35: {  	[tilespmem:s4], [sflag:$0x7] =	stream.linear.gather [hbm4b:s0+s4], $0x80, $0x38;
	[tilespmem:$0x1C400] =	vst v63  }
0x36: {  	_ =	swait.ge [sflag:s30], $0x80  }
0x37: {  	[sflag:s30] =	ssyncset.done $0x0  }
0x38: {  	[sflag:s30] =	ssyncadd.s32 $0xFFFFFF80  }
0x39: {  	v26 =	vld [tilespmem:$0x0];
	_ =	sdelay $0x4  }
0x3a: {  	v27 =	vperm.xlane v26, v0  }
0x3b: {  	vm4 =	veq.s32 v1, $0x0;
	v35 =	vperm.xlane v26, v5  }
0x3c: {  	v36 =	vperm.xlane v26, v6;
	v27 =	vsel vm4, $0x0, v27  }
0x3d: {  	v38 =	vperm.xlane v26, v7;
	[tilespmem:$0x80] =	vst v35;
	v27 =	vadd.s32 v26, v27  }
0x3e: {  	v40 =	vperm.xlane v26, v8;
	[tilespmem:$0x90] =	vst v36;
	v28 =	vperm.xlane v27, v2  }
0x3f: {  	v42 =	vperm.xlane v26, v9;
	[tilespmem:$0xA0] =	vst v38  }
0x40: {  	v44 =	vperm.xlane v26, v10;
	[tilespmem:$0xB0] =	vst v40;
	v28 =	vsel vm0, $0x0, v28  }
0x41: {  	v46 =	vperm.xlane v26, v11;
	[tilespmem:$0xC0] =	vst v42;
	v30 =	vld [tilespmem:$0x80];
	v27 =	vadd.s32 v28, v27  }
0x42: {  	v48 =	vperm.xlane v26, v12;
	[tilespmem:$0xD0] =	vst v44;
	v28 =	vperm.xlane v27, v3  }
0x43: {  	v50 =	vperm.xlane v26, v13;
	[tilespmem:$0xE0] =	vst v46  }
0x44: {  	v52 =	vperm.xlane v26, v14;
	[tilespmem:$0xF0] =	vst v48;
	v28 =	vsel vm1, $0x0, v28  }
0x45: {  	v54 =	vperm.xlane v26, v15;
	[tilespmem:$0x100] =	vst v50;
	v27 =	vadd.s32 v28, v27  }
0x46: {  	v56 =	vperm.xlane v26, v16;
	[tilespmem:$0x110] =	vst v52;
	(v2sf) =	vpush v30, $0x0;
	v28 =	vperm.xlane v27, v4  }
0x47: {  	v58 =	vperm.xlane v26, v17;
	[tilespmem:$0x120] =	vst v54  }
0x48: {  	v60 =	vperm.xlane v26, v18;
	[tilespmem:$0x130] =	vst v56;
	v28 =	vsel vm2, $0x0, v28  }
0x49: {  	v62 =	vperm.xlane v26, v19;
	[tilespmem:$0x140] =	vst v58;
	v28 =	vsub.s32 v28, v26  }
0x4a: {  	[tilespmem:$0x150] =	vst v60;
	v26 =	vperm.xlane v26, v20;
	v27 =	vadd.s32 v27, v28  }
0x4b: {  	[tilespmem:$0x160] =	vst v62;
	v29 =	vperm.xlane v27, v5  }
0x4c: {  	v37 =	vperm.xlane v27, v6;
	[tilespmem:$0x170] =	vst v26  }
0x4d: {  	v39 =	vperm.xlane v27, v7;
	[tilespmem:$0x180] =	vst v29  }
0x4e: {  	v41 =	vperm.xlane v27, v8;
	[tilespmem:$0x190] =	vst v37  }
0x4f: {  	v43 =	vperm.xlane v27, v9;
	[tilespmem:$0x1A0] =	vst v39  }
0x50: {  	v45 =	vperm.xlane v27, v10;
	[tilespmem:$0x1B0] =	vst v41  }
0x51: {  	v47 =	vperm.xlane v27, v11;
	[tilespmem:$0x1C0] =	vst v43  }
0x52: {  	v49 =	vperm.xlane v27, v12;
	[tilespmem:$0x1D0] =	vst v45  }
0x53: {  	v51 =	vperm.xlane v27, v13;
	[tilespmem:$0x1E0] =	vst v47  }
0x54: {  	v53 =	vperm.xlane v27, v14;
	[tilespmem:$0x1F0] =	vst v49  }
0x55: {  	v55 =	vperm.xlane v27, v15;
	[tilespmem:$0x200] =	vst v51;
	s31 =	spop (v2sf)  }
0x56: {  	v57 =	vperm.xlane v27, v16;
	[tilespmem:$0x210] =	vst v53;
	s0 =	ssub.s32 s31, s6  }
0x57: {  	v59 =	vperm.xlane v27, v17;
	[tilespmem:$0x220] =	vst v55;
	p0 =	slt.s32 s0, $0x1  }
.Ltmp2:
0x58: {  	v61 =	vperm.xlane v27, v18;
	[tilespmem:$0x230] =	vst v57;
	(pc) =	sbr.rel @p0 .LBB2_3-.Ltmp2, $4  }
0x59: {  	v63 =	vperm.xlane v27, v19;
	[tilespmem:$0x240] =	vst v59  }
0x5a: {  	v27 =	vperm.xlane v27, v20;
	[tilespmem:$0x250] =	vst v61  }
0x5b: {  	[tilespmem:$0x260] =	vst v63  }
0x5c: {  	[tilespmem:$0x270] =	vst v27  }
0x5d: {  	v26 =	vld [tilespmem:$0x180];
	_ =	sdelay $0x4  }
0x5e: {  	(v2sf) =	vpush v26, $0x0;
	_ =	sdelay $0xe  }
0x5f: {  	s0 =	smin.u32 s0, $0x20;
	s2 =	spop (v2sf)  }
0x60: {  	v26 =	vmov s0;
	s2 =	sadd.s32 s6, s2  }
0x61: {  	vm4 =	vgt.u32 v26, v1;
	v27 =	vadd.s32 s2, v1  }
0x62: {  	v27 =	vnsel vm4, $0x0, v27  }
0x63: {  	v28 =	vshll.u32 v27, $0x3  }
0x64: {  	v29 =	vand.u32 $0x7, v27;
	v28 =	vand.u32 $0xFFFFFFC0, v28  }
0x65: {  	v28 =	vor.u32 v29, v28  }
0x66: {  	v29 =	vperm.xlane v28, v23;
	_ =	sdelay $0x1  }
0x67: {  	v29 =	vadd.s32 v24, v29;
	_ =	sdelay $0x1  }
0x68: {  	vm4 =	vgt.u32 v26, v22;
	v26 =	vadd.s32 s2, v22  }
0x69: {  	[tilespmem:$0x18280] =	vst v27;
	v26 =	vnsel vm4, $0x0, v26  }
0x6a: {  	[tilespmem:$0x18290] =	vst v26  }
0x6b: {  	[tilespmem:s18], [sflag:$0x1] =	stream.indirect_vreg.gather [hbm4b:s1+s4], $0x80, v29, vm3, $0xb8;
	[tilespmem:$0x1C400] =	vst v63  }
0x6c: {  	s30 =	simm.s32 $0xA80;
	v26 =	vperm.xlane v28, v25  }
0x6d: {  	[tilespmem:s30], [sflag:$0x1] =	stream.indirect_vreg.gather [hbm4b:s7+s4], $0x80, v29, vm3, $0xb8;
	[tilespmem:$0x1C400] =	vst v63  }
0x6e: {  	s31 =	simm.s32 $0x1280;
	v26 =	vadd.s32 v24, v26  }
0x6f: {  	[tilespmem:s31], [sflag:$0x1] =	stream.indirect_vreg.gather [hbm4b:s8+s4], $0x80, v29, vm3, $0xb8;
	[tilespmem:$0x1C400] =	vst v63  }
0x70: {  	s2 =	simm.s32 $0x1A80  }
0x71: {  	[tilespmem:s2], [sflag:$0x1] =	stream.indirect_vreg.gather [hbm4b:s9+s4], $0x80, v29, vm3, $0xb8;
	[tilespmem:$0x1C400] =	vst v63  }
0x72: {  	s10 =	simm.s32 $0x2280  }
0x73: {  	[tilespmem:s10], [sflag:$0x1] =	stream.indirect_vreg.gather [hbm4b:s1+s4], $0x80, v26, vm3, $0xb8;
	[tilespmem:$0x1C400] =	vst v63  }
0x74: {  	s12 =	simm.s32 $0x2A80  }
0x75: {  	[tilespmem:s12], [sflag:$0x1] =	stream.indirect_vreg.gather [hbm4b:s7+s4], $0x80, v26, vm3, $0xb8;
	[tilespmem:$0x1C400] =	vst v63  }
0x76: {  	s13 =	simm.s32 $0x3280  }
0x77: {  	[tilespmem:s13], [sflag:$0x1] =	stream.indirect_vreg.gather [hbm4b:s8+s4], $0x80, v26, vm3, $0xb8;
	[tilespmem:$0x1C400] =	vst v63  }
0x78: {  	s14 =	simm.s32 $0x3A80  }
0x79: {  	[tilespmem:s14], [sflag:$0x1] =	stream.indirect_vreg.gather [hbm4b:s9+s4], $0x80, v26, vm3, $0xb8;
	[tilespmem:$0x1C400] =	vst v63  }
0x7a: {  	v26 =	vld [tilespmem:$0x18290];
	_ =	sdelay $0x4  }
0x7b: {  	v27 =	vshll.u32 v26, $0x3  }
0x7c: {  	v26 =	vand.u32 $0x7, v26;
	v27 =	vand.u32 $0xFFFFFFC0, v27  }
0x7d: {  	v26 =	vor.u32 v26, v27  }
0x7e: {  	v27 =	vperm.xlane v26, v23;
	_ =	sdelay $0x1  }
0x7f: {  	v27 =	vadd.s32 v24, v27;
	_ =	sdelay $0x3  }
0x80: {  	s15 =	simm.s32 $0x4280  }
0x81: {  	[tilespmem:s15], [sflag:$0x1] =	stream.indirect_vreg.gather [hbm4b:s1+s4], $0x80, v27, vm3, $0xb8;
	[tilespmem:$0x1C400] =	vst v63  }
0x82: {  	s16 =	simm.s32 $0x4A80;
	v26 =	vperm.xlane v26, v25  }
0x83: {  	[tilespmem:s16], [sflag:$0x1] =	stream.indirect_vreg.gather [hbm4b:s7+s4], $0x80, v27, vm3, $0xb8;
	[tilespmem:$0x1C400] =	vst v63  }
0x84: {  	s25 =	simm.s32 $0x5280;
	v26 =	vadd.s32 v24, v26  }
0x85: {  	[tilespmem:s25], [sflag:$0x1] =	stream.indirect_vreg.gather [hbm4b:s8+s4], $0x80, v27, vm3, $0xb8;
	[tilespmem:$0x1C400] =	vst v63  }
0x86: {  	s26 =	simm.s32 $0x5A80  }
0x87: {  	[tilespmem:s26], [sflag:$0x1] =	stream.indirect_vreg.gather [hbm4b:s9+s4], $0x80, v27, vm3, $0xb8;
	[tilespmem:$0x1C400] =	vst v63  }
0x88: {  	s28 =	simm.s32 $0x6280  }
0x89: {  	[tilespmem:s28], [sflag:$0x1] =	stream.indirect_vreg.gather [hbm4b:s1+s4], $0x80, v26, vm3, $0xb8;
	[tilespmem:$0x1C400] =	vst v63  }
0x8a: {  	s29 =	simm.s32 $0x6A80  }
0x8b: {  	[tilespmem:s29], [sflag:$0x1] =	stream.indirect_vreg.gather [hbm4b:s7+s4], $0x80, v26, vm3, $0xb8;
	[tilespmem:$0x1C400] =	vst v63  }
0x8c: {  	s30 =	simm.s32 $0x7280  }
0x8d: {  	[tilespmem:s30], [sflag:$0x1] =	stream.indirect_vreg.gather [hbm4b:s8+s4], $0x80, v26, vm3, $0xb8;
	[tilespmem:$0x1C400] =	vst v63  }
0x8e: {  	s31 =	simm.s32 $0x7A80  }
0x8f: {  	[tilespmem:s31], [sflag:$0x1] =	stream.indirect_vreg.gather [hbm4b:s9+s4], $0x80, v26, vm3, $0xb8;
	[tilespmem:$0x1C400] =	vst v63  }
.LBB2_3:
0x90: {  	v26 =	vld [tilespmem:$0x80];
	_ =	sdelay $0x4  }
0x91: {  	(v2sf) =	vpush v26, $0x0;
	_ =	sdelay $0xe  }
0x92: {  	s0 =	spop (v2sf)  }
0x93: {  	s0 =	ssub.s32 s0, s5  }
0x94: {  	p0 =	slt.s32 s0, $0x1  }
.Ltmp3:
0x95: {  	_ = 	snop;
	(pc) =	sbr.rel @p0 .LBB2_5-.Ltmp3, $1  }
0x96: {  	_ =	sdelay $0x3  }
0x97: {  	v26 =	vld [tilespmem:$0x180];
	_ =	sdelay $0x4  }
0x98: {  	(v2sf) =	vpush v26, $0x0;
	_ =	sdelay $0xe  }
0x99: {  	s0 =	smin.u32 s0, $0x20;
	s2 =	spop (v2sf)  }
0x9a: {  	v26 =	vmov s0;
	s2 =	sadd.s32 s5, s2  }
0x9b: {  	vm4 =	vgt.u32 v26, v1;
	v27 =	vadd.s32 s2, v1  }
0x9c: {  	v27 =	vnsel vm4, $0x0, v27  }
0x9d: {  	v28 =	vshll.u32 v27, $0x3  }
0x9e: {  	v29 =	vand.u32 $0x7, v27;
	v28 =	vand.u32 $0xFFFFFFC0, v28  }
0x9f: {  	v28 =	vor.u32 v29, v28  }
0xa0: {  	v29 =	vperm.xlane v28, v23;
	_ =	sdelay $0x1  }
0xa1: {  	v29 =	vadd.s32 v24, v29;
	_ =	sdelay $0x1  }
0xa2: {  	vm4 =	vgt.u32 v26, v22;
	v26 =	vadd.s32 s2, v22  }
0xa3: {  	[tilespmem:$0x18300] =	vst v27;
	v26 =	vnsel vm4, $0x0, v26  }
0xa4: {  	[tilespmem:$0x18310] =	vst v26  }
0xa5: {  	[tilespmem:s20], [sflag:$0x2] =	stream.indirect_vreg.gather [hbm4b:s1+s4], $0x80, v29, vm3, $0xb8;
	[tilespmem:$0x1C400] =	vst v63  }
0xa6: {  	s31 =	simm.s32 $0x8A80;
	v26 =	vperm.xlane v28, v25  }
0xa7: {  	[tilespmem:s31], [sflag:$0x2] =	stream.indirect_vreg.gather [hbm4b:s7+s4], $0x80, v29, vm3, $0xb8;
	[tilespmem:$0x1C400] =	vst v63  }
0xa8: {  	s2 =	simm.s32 $0x9280;
	v26 =	vadd.s32 v24, v26  }
0xa9: {  	[tilespmem:s2], [sflag:$0x2] =	stream.indirect_vreg.gather [hbm4b:s8+s4], $0x80, v29, vm3, $0xb8;
	[tilespmem:$0x1C400] =	vst v63  }
0xaa: {  	s5 =	simm.s32 $0x9A80  }
0xab: {  	[tilespmem:s5], [sflag:$0x2] =	stream.indirect_vreg.gather [hbm4b:s9+s4], $0x80, v29, vm3, $0xb8;
	[tilespmem:$0x1C400] =	vst v63  }
0xac: {  	s10 =	simm.s32 $0xA280  }
0xad: {  	[tilespmem:s10], [sflag:$0x2] =	stream.indirect_vreg.gather [hbm4b:s1+s4], $0x80, v26, vm3, $0xb8;
	[tilespmem:$0x1C400] =	vst v63  }
0xae: {  	s12 =	simm.s32 $0xAA80  }
0xaf: {  	[tilespmem:s12], [sflag:$0x2] =	stream.indirect_vreg.gather [hbm4b:s7+s4], $0x80, v26, vm3, $0xb8;
	[tilespmem:$0x1C400] =	vst v63  }
0xb0: {  	s13 =	simm.s32 $0xB280  }
0xb1: {  	[tilespmem:s13], [sflag:$0x2] =	stream.indirect_vreg.gather [hbm4b:s8+s4], $0x80, v26, vm3, $0xb8;
	[tilespmem:$0x1C400] =	vst v63  }
0xb2: {  	s14 =	simm.s32 $0xBA80  }
0xb3: {  	[tilespmem:s14], [sflag:$0x2] =	stream.indirect_vreg.gather [hbm4b:s9+s4], $0x80, v26, vm3, $0xb8;
	[tilespmem:$0x1C400] =	vst v63  }
0xb4: {  	v26 =	vld [tilespmem:$0x18310];
	_ =	sdelay $0x4  }
0xb5: {  	v27 =	vshll.u32 v26, $0x3  }
0xb6: {  	v26 =	vand.u32 $0x7, v26;
	v27 =	vand.u32 $0xFFFFFFC0, v27  }
0xb7: {  	v26 =	vor.u32 v26, v27  }
0xb8: {  	v27 =	vperm.xlane v26, v23;
	_ =	sdelay $0x1  }
0xb9: {  	v27 =	vadd.s32 v24, v27;
	_ =	sdelay $0x3  }
0xba: {  	s15 =	simm.s32 $0xC280  }
0xbb: {  	[tilespmem:s15], [sflag:$0x2] =	stream.indirect_vreg.gather [hbm4b:s1+s4], $0x80, v27, vm3, $0xb8;
	[tilespmem:$0x1C400] =	vst v63  }
0xbc: {  	s16 =	simm.s32 $0xCA80;
	v26 =	vperm.xlane v26, v25  }
0xbd: {  	[tilespmem:s16], [sflag:$0x2] =	stream.indirect_vreg.gather [hbm4b:s7+s4], $0x80, v27, vm3, $0xb8;
	[tilespmem:$0x1C400] =	vst v63  }
0xbe: {  	s25 =	simm.s32 $0xD280;
	v26 =	vadd.s32 v24, v26  }
0xbf: {  	[tilespmem:s25], [sflag:$0x2] =	stream.indirect_vreg.gather [hbm4b:s8+s4], $0x80, v27, vm3, $0xb8;
	[tilespmem:$0x1C400] =	vst v63  }
0xc0: {  	s26 =	simm.s32 $0xDA80  }
0xc1: {  	[tilespmem:s26], [sflag:$0x2] =	stream.indirect_vreg.gather [hbm4b:s9+s4], $0x80, v27, vm3, $0xb8;
	[tilespmem:$0x1C400] =	vst v63  }
0xc2: {  	s28 =	simm.s32 $0xE280  }
0xc3: {  	[tilespmem:s28], [sflag:$0x2] =	stream.indirect_vreg.gather [hbm4b:s1+s4], $0x80, v26, vm3, $0xb8;
	[tilespmem:$0x1C400] =	vst v63  }
0xc4: {  	s29 =	simm.s32 $0xEA80  }
0xc5: {  	[tilespmem:s29], [sflag:$0x2] =	stream.indirect_vreg.gather [hbm4b:s7+s4], $0x80, v26, vm3, $0xb8;
	[tilespmem:$0x1C400] =	vst v63  }
0xc6: {  	s30 =	simm.s32 $0xF280  }
0xc7: {  	[tilespmem:s30], [sflag:$0x2] =	stream.indirect_vreg.gather [hbm4b:s8+s4], $0x80, v26, vm3, $0xb8;
	[tilespmem:$0x1C400] =	vst v63  }
0xc8: {  	s31 =	simm.s32 $0xFA80  }
0xc9: {  	[tilespmem:s31], [sflag:$0x2] =	stream.indirect_vreg.gather [hbm4b:s9+s4], $0x80, v26, vm3, $0xb8;
	[tilespmem:$0x1C400] =	vst v63  }
.LBB2_5:
0xca: {  	s0 =	simm.s32 $0x0;
	s2 =	simm.s32 $0x0  }
.LBB2_6:
0xcb: {  	s5 =	sshll.u32 s2, $0xA;
	s10 =	sshll.u32 s2, $0x7  }
0xcc: {  	s5 =	sand.u32 $0x2000, s5;
	s10 =	sand.u32 $0x380, s10  }
0xcd: {  	s5 =	sor.u32 s10, s5  }
0xce: {  	s31 =	sand.u32 $0x1C00, s0;
	s5 =	sor.u32 $0x18400, s5  }
0xcf: {  	s13 =	sand.u32 $0x70, s0;
	s14 =	sadd.s32 s31, s5  }
0xd0: {  	s10 =	simm.s32 $0x10;
	s14 =	sadd.s32 s13, s14;
	s13 =	simm.s32 $0x0  }
.LBB2_7:
0xd1: {  	p0 =	sne.s32 s10, $0x3F0  }
0xd2: {  	[tilespmem:s14+$0x0] =	vst v21;
	s13 =	sadd.s32 $0x80, s13;
	s14 =	smov.u32 s10;
	s10 =	sadd.s32 $0x10, s10  }
.Ltmp4:
0xd3: {  	(pc) =	sbr.rel @p0 .LBB2_7-.Ltmp4, $4  }
0xd4: {  	_ = 	snop  }
0xd5: {  	s15 =	sand.u32 $0x1C00, s13  }
0xd6: {  	s14 =	sand.u32 $0x70, s14;
	s15 =	sadd.s32 s15, s5  }
0xd7: {  	s14 =	sadd.s32 s14, s15  }
0xd8: {  	s2 =	sadd.s32 $0x1, s2  }
0xd9: {  	p0 =	sne.s32 s2, $0x10  }
.Ltmp5:
0xda: {  	_ = 	snop;
	(pc) =	sbr.rel @p0 .LBB2_6-.Ltmp5, $2  }
0xdb: {  	_ =	sdelay $0x2  }
0xdc: {  	[tilespmem:s14+$0x0] =	vst v21  }
.Ltmp6:
0xdd: {  	(pc) =	sbr.rel .LBB2_10-.Ltmp6, $2  }
0xde: {  	_ =	sdelay $0x2  }
0xdf: {  	[dreg:$0x9] =	wrdreg s24;
	s31 =	simm.s32 $0x0  }
.LBB2_35:
0xe0: {  	s31 =	sadd.s32 $0x1, s31  }
.LBB2_10:
0xe1: {  	s5 =	smul.u32 $0x3, s31;
	_ =	sdelay $0x1  }
0xe2: {  	s2 =	sshrl.u32 s5, $0x2  }
0xe3: {  	s0 =	sshll.u32 s2, $0x6  }
0xe4: {  	s10 =	sshrl.u32 s0, $0x2  }
0xe5: {  	v26 =	vld [tilespmem:s10+$0x80];
	_ =	sdelay $0x4  }
0xe6: {  	(v2sf) =	vpush v26, $0x0;
	_ =	sdelay $0xb  }
0xe7: {  	s30 =	smul.u32 $0xC00, s31;
	_ =	sdelay $0x1  }
0xe8: {  	s0 =	sand.u32 $0xC00, s30  }
0xe9: {  	s0 =	sor.u32 s6, s0;
	s13 =	spop (v2sf)  }
0xea: {  	s13 =	ssub.s32 s13, s0  }
0xeb: {  	p0 =	slt.s32 s13, $0x1  }
.Ltmp7:
0xec: {  	_ = 	snop;
	(pc) =	sbr.rel @p0 .LBB2_44-.Ltmp7, $3  }
0xed: {  	_ =	sdelay $0x1  }
0xee: {  	s2 =	sshll.u32 s2, $0xC  }
0xef: {  	s2 =	sor.u32 s0, s2  }
0xf0: {  	p0 =	sgt.u32 s13, $0x1F  }
.Ltmp8:
0xf1: {  	_ = 	snop;
	(pc) =	sbr.rel @p0 .LBB2_15-.Ltmp8, $4  }
0xf2: {  	_ = 	snop  }
0xf3: {  	_ =	swait.ge [sflag:s17], $0x8000  }
0xf4: {  	[sflag:s17] =	ssyncset.done $0x0  }
0xf5: {  	[sflag:s17] =	ssyncadd.s32 $0xFFFF8000  }
.LBB2_12:
0xf6: {  	s14 =	sshll.u32 s13, $0xA;
	s15 =	sshll.u32 s13, $0x7  }
0xf7: {  	s14 =	sand.u32 $0x6000, s14;
	s15 =	sand.u32 $0x380, s15  }
0xf8: {  	s15 =	sor.u32 s15, s14;
	s14 =	simm.s32 $0x0  }
0xf9: {  	s15 =	sadd.s32 $0x280, s15;
	s16 =	sand.u32 $0x1C00, s14  }
0xfa: {  	s25 =	sand.u32 $0x70, s14;
	s16 =	sadd.s32 s16, s15  }
0xfb: {  	s24 =	simm.s32 $0x10;
	s16 =	sadd.s32 s25, s16  }
.LBB2_13:
0xfc: {  	p0 =	sne.s32 s24, $0x3F0  }
0xfd: {  	[tilespmem:s16+$0x0] =	vst v21;
	s14 =	sadd.s32 $0x80, s14;
	s16 =	smov.u32 s24;
	s24 =	sadd.s32 $0x10, s24  }
.Ltmp9:
0xfe: {  	(pc) =	sbr.rel @p0 .LBB2_13-.Ltmp9, $4  }
0xff: {  	_ = 	snop  }
0x100: {  	s25 =	sand.u32 $0x1C00, s14  }
0x101: {  	s16 =	sand.u32 $0x70, s16;
	s25 =	sadd.s32 s25, s15  }
0x102: {  	s16 =	sadd.s32 s16, s25  }
0x103: {  	p0 =	slt.u32 s13, $0x1F  }
.Ltmp10:
0x104: {  	_ = 	snop;
	(pc) =	sbr.rel @p0 .LBB2_12-.Ltmp10, $3  }
0x105: {  	_ =	sdelay $0x1  }
0x106: {  	s14 =	sadd.s32 $0x1, s13  }
0x107: {  	[tilespmem:s16+$0x0] =	vst v21;
	s13 =	smov.u32 s14  }
.LBB2_15:
.Ltmp11:
0x108: {  	(pc) =	sbr.rel .LBB2_16-.Ltmp11, $4  }
0x109: {  	_ = 	snop  }
0x10a: {  	s2 =	sshll.u32 s2, $0x7  }
0x10b: {  	s2 =	sadd.s32 s3, s2  }
0x10c: {  	[hbm4b:s2+s4] =	stream.linear.scatter [tilespmem:s18], [sflag:$0x4], $0x8000, $0x38;
	[tilespmem:$0x1C400] =	vst v63  }
.LBB2_44:
0x10d: {  	s2 =	sshll.u32 s2, $0x7  }
0x10e: {  	s13 =	sadd.s32 s3, s2;
	s2 =	sand.u32 $0x1FFFF000, s2  }
0x10f: {  	[hbm4b:s13+s4] =	stream.linear.scatter [tilespmem:s23], [sflag:$0x4], $0x4000, $0x38;
	[tilespmem:$0x1C400] =	vst v63  }
0x110: {  	s2 =	sadd.s32 s2, s11  }
0x111: {  	[hbm4b:s2+s4] =	stream.linear.scatter [tilespmem:s23], [sflag:$0x4], $0x4000, $0x38;
	[tilespmem:$0x1C400] =	vst v63  }
.LBB2_16:
0x112: {  	p0 =	seq.s32 s31, $0x0  }
0x113: {  	s2 =	sadd.s32 @!p0 $0xFFFFFFFF, s5  }
0x114: {  	s13 =	sshll.u32 @!p0 s2, $0x4  }
0x115: {  	s13 =	sshra.s32 @!p0 s13, $0x2  }
0x116: {  	s13 =	sand.u32 @!p0 $0xFFFFFFF0, s13  }
0x117: {  	v26 =	vld @!p0 [tilespmem:s13+$0x80];
	_ =	sdelay $0x4  }
0x118: {  	(v2sf) =	vpush @!p0 v26, $0x0;
	_ =	sdelay $0xc  }
0x119: {  	s2 =	sshll.u32 @!p0 s2, $0xA  }
0x11a: {  	s2 =	sand.u32 @!p0 $0xC00, s2  }
0x11b: {  	s2 =	sor.u32 @!p0 s6, s2;
	s13 =	spop @!p0 (v2sf)  }
0x11c: {  	s2 =	ssub.s32 @!p0 s13, s2  }
0x11d: {  	p1 =	sgt.s32 @!p0 s2, $0x0  }
0x11e: {  	p2 =	por !p1, p0  }
0x11f: {  	s2 =	simm.s32 @!p2 $0x6  }
0x120: {  	_ =	swait.ge @!p2 [sflag:s2], $0x8000  }
0x121: {  	p0 =	por p1, p0;
	[sflag:s2] =	ssyncset.done @!p2 $0x0  }
0x122: {  	[sflag:s2] =	ssyncadd.s32 @!p2 $0xFFFF8000;
	s2 =	simm.s32 @!p0 $0x6  }
0x123: {  	_ =	swait.ge @!p0 [sflag:s2], $0x4000  }
0x124: {  	[sflag:s2] =	ssyncset.done @!p0 $0x0  }
0x125: {  	[sflag:s2] =	ssyncadd.s32 @!p0 $0xFFFFC000  }
0x126: {  	s30 =	sadd.s32 $0x2, s5;
	_ =	swait.ge @!p0 [sflag:s2], $0x4000  }
0x127: {  	s28 =	sshll.u32 s30, $0x2;
	[sflag:s2] =	ssyncset.done @!p0 $0x0  }
0x128: {  	s14 =	sand.u32 $0x3F0, s28;
	[sflag:s2] =	ssyncadd.s32 @!p0 $0xFFFFC000  }
0x129: {  	v26 =	vld [tilespmem:s14+$0x80];
	_ =	sdelay $0x4  }
0x12a: {  	(v2sf) =	vpush v26, $0x0;
	_ =	sdelay $0xc  }
0x12b: {  	s2 =	sshll.u32 s30, $0xA  }
0x12c: {  	s13 =	sand.u32 $0xC00, s2  }
0x12d: {  	s13 =	sor.u32 s6, s13;
	s15 =	spop (v2sf)  }
0x12e: {  	s15 =	ssub.s32 s15, s13  }
0x12f: {  	p0 =	slt.s32 s15, $0x1  }
.Ltmp12:
0x130: {  	_ = 	snop;
	(pc) =	sbr.rel @p0 .LBB2_18-.Ltmp12, $1  }
0x131: {  	_ =	sdelay $0x3  }
0x132: {  	v26 =	vld [tilespmem:s14+$0x180];
	_ =	sdelay $0x4  }
0x133: {  	(v2sf) =	vpush v26, $0x0;
	_ =	sdelay $0xe  }
0x134: {  	s30 =	smin.u32 s15, $0x20;
	s12 =	spop (v2sf)  }
0x135: {  	v26 =	vmov s30;
	s15 =	sadd.s32 s13, s12  }
0x136: {  	vm4 =	vgt.u32 v26, v1;
	v27 =	vadd.s32 s15, v1  }
0x137: {  	v27 =	vnsel vm4, $0x0, v27  }
0x138: {  	v28 =	vshll.u32 v27, $0x3  }
0x139: {  	v29 =	vand.u32 $0x7, v27;
	v28 =	vand.u32 $0xFFFFFFC0, v28  }
0x13a: {  	v28 =	vor.u32 v29, v28  }
0x13b: {  	v29 =	vperm.xlane v28, v23;
	_ =	sdelay $0x1  }
0x13c: {  	v29 =	vadd.s32 v24, v29;
	_ =	sdelay $0x1  }
0x13d: {  	vm4 =	vgt.u32 v26, v22;
	v26 =	vadd.s32 s15, v22  }
0x13e: {  	[tilespmem:$0x18380] =	vst v27;
	v26 =	vnsel vm4, $0x0, v26  }
0x13f: {  	[tilespmem:$0x18390] =	vst v26  }
0x140: {  	[tilespmem:s22], [sflag:$0x3] =	stream.indirect_vreg.gather [hbm4b:s1+s4], $0x80, v29, vm3, $0xb8;
	[tilespmem:$0x1C400] =	vst v63  }
0x141: {  	s12 =	simm.s32 $0x10A80;
	v26 =	vperm.xlane v28, v25  }
0x142: {  	[tilespmem:s12], [sflag:$0x3] =	stream.indirect_vreg.gather [hbm4b:s7+s4], $0x80, v29, vm3, $0xb8;
	[tilespmem:$0x1C400] =	vst v63  }
0x143: {  	s16 =	simm.s32 $0x11280;
	v26 =	vadd.s32 v24, v26  }
0x144: {  	[tilespmem:s16], [sflag:$0x3] =	stream.indirect_vreg.gather [hbm4b:s8+s4], $0x80, v29, vm3, $0xb8;
	[tilespmem:$0x1C400] =	vst v63  }
0x145: {  	s24 =	simm.s32 $0x11A80  }
0x146: {  	[tilespmem:s24], [sflag:$0x3] =	stream.indirect_vreg.gather [hbm4b:s9+s4], $0x80, v29, vm3, $0xb8;
	[tilespmem:$0x1C400] =	vst v63  }
0x147: {  	s25 =	simm.s32 $0x12280  }
0x148: {  	[tilespmem:s25], [sflag:$0x3] =	stream.indirect_vreg.gather [hbm4b:s1+s4], $0x80, v26, vm3, $0xb8;
	[tilespmem:$0x1C400] =	vst v63  }
0x149: {  	s26 =	simm.s32 $0x12A80  }
0x14a: {  	[tilespmem:s26], [sflag:$0x3] =	stream.indirect_vreg.gather [hbm4b:s7+s4], $0x80, v26, vm3, $0xb8;
	[tilespmem:$0x1C400] =	vst v63  }
0x14b: {  	s29 =	simm.s32 $0x13280  }
0x14c: {  	[tilespmem:s29], [sflag:$0x3] =	stream.indirect_vreg.gather [hbm4b:s8+s4], $0x80, v26, vm3, $0xb8;
	[tilespmem:$0x1C400] =	vst v63  }
0x14d: {  	s30 =	simm.s32 $0x13A80  }
0x14e: {  	[tilespmem:s30], [sflag:$0x3] =	stream.indirect_vreg.gather [hbm4b:s9+s4], $0x80, v26, vm3, $0xb8;
	[tilespmem:$0x1C400] =	vst v63  }
0x14f: {  	v26 =	vld [tilespmem:$0x18390];
	_ =	sdelay $0x4  }
0x150: {  	v27 =	vshll.u32 v26, $0x3  }
0x151: {  	v26 =	vand.u32 $0x7, v26;
	v27 =	vand.u32 $0xFFFFFFC0, v27  }
0x152: {  	v26 =	vor.u32 v26, v27  }
0x153: {  	v27 =	vperm.xlane v26, v23;
	_ =	sdelay $0x1  }
0x154: {  	v27 =	vadd.s32 v24, v27;
	_ =	sdelay $0x3  }
0x155: {  	s14 =	simm.s32 $0x14280  }
0x156: {  	[tilespmem:s14], [sflag:$0x3] =	stream.indirect_vreg.gather [hbm4b:s1+s4], $0x80, v27, vm3, $0xb8;
	[tilespmem:$0x1C400] =	vst v63  }
0x157: {  	s15 =	simm.s32 $0x14A80;
	v26 =	vperm.xlane v26, v25  }
0x158: {  	[tilespmem:s15], [sflag:$0x3] =	stream.indirect_vreg.gather [hbm4b:s7+s4], $0x80, v27, vm3, $0xb8;
	[tilespmem:$0x1C400] =	vst v63  }
0x159: {  	s16 =	simm.s32 $0x15280;
	v26 =	vadd.s32 v24, v26  }
0x15a: {  	[tilespmem:s16], [sflag:$0x3] =	stream.indirect_vreg.gather [hbm4b:s8+s4], $0x80, v27, vm3, $0xb8;
	[tilespmem:$0x1C400] =	vst v63  }
0x15b: {  	s24 =	simm.s32 $0x15A80  }
0x15c: {  	[tilespmem:s24], [sflag:$0x3] =	stream.indirect_vreg.gather [hbm4b:s9+s4], $0x80, v27, vm3, $0xb8;
	[tilespmem:$0x1C400] =	vst v63  }
0x15d: {  	s25 =	simm.s32 $0x16280  }
0x15e: {  	[tilespmem:s25], [sflag:$0x3] =	stream.indirect_vreg.gather [hbm4b:s1+s4], $0x80, v26, vm3, $0xb8;
	[tilespmem:$0x1C400] =	vst v63  }
0x15f: {  	s26 =	simm.s32 $0x16A80  }
0x160: {  	[tilespmem:s26], [sflag:$0x3] =	stream.indirect_vreg.gather [hbm4b:s7+s4], $0x80, v26, vm3, $0xb8;
	[tilespmem:$0x1C400] =	vst v63  }
0x161: {  	s29 =	simm.s32 $0x17280  }
0x162: {  	[tilespmem:s29], [sflag:$0x3] =	stream.indirect_vreg.gather [hbm4b:s8+s4], $0x80, v26, vm3, $0xb8;
	[tilespmem:$0x1C400] =	vst v63  }
0x163: {  	s30 =	simm.s32 $0x17A80  }
0x164: {  	[tilespmem:s30], [sflag:$0x3] =	stream.indirect_vreg.gather [hbm4b:s9+s4], $0x80, v26, vm3, $0xb8;
	[tilespmem:$0x1C400] =	vst v63  }
.LBB2_18:
0x165: {  	s14 =	sadd.s32 $0x1, s5  }
0x166: {  	s15 =	sshrl.u32 s14, $0x2  }
0x167: {  	s16 =	sshll.u32 s15, $0x6  }
0x168: {  	s24 =	sshrl.u32 s16, $0x2  }
0x169: {  	v26 =	vld [tilespmem:s24+$0x80];
	_ =	sdelay $0x4  }
0x16a: {  	(v2sf) =	vpush v26, $0x0;
	_ =	sdelay $0xc  }
0x16b: {  	s14 =	sshll.u32 s14, $0xA  }
0x16c: {  	s14 =	sand.u32 $0xC00, s14  }
0x16d: {  	s14 =	sor.u32 s6, s14;
	s26 =	spop (v2sf)  }
0x16e: {  	s30 =	ssub.s32 s26, s14  }
0x16f: {  	p0 =	slt.s32 s30, $0x1  }
.Ltmp13:
0x170: {  	_ = 	snop;
	(pc) =	sbr.rel @p0 .LBB2_45-.Ltmp13, $3  }
0x171: {  	_ =	sdelay $0x1  }
0x172: {  	s15 =	sshll.u32 s15, $0xC  }
0x173: {  	s29 =	sor.u32 s15, s14  }
0x174: {  	p0 =	sgt.u32 s30, $0x1F  }
.Ltmp14:
0x175: {  	_ = 	snop;
	(pc) =	sbr.rel @p0 .LBB2_23-.Ltmp14, $4  }
0x176: {  	_ = 	snop  }
0x177: {  	_ =	swait.ge [sflag:s19], $0x8000  }
0x178: {  	[sflag:s19] =	ssyncset.done $0x0  }
0x179: {  	[sflag:s19] =	ssyncadd.s32 $0xFFFF8000  }
.LBB2_20:
0x17a: {  	s15 =	sshll.u32 s30, $0xA;
	s16 =	sshll.u32 s30, $0x7  }
0x17b: {  	s15 =	sand.u32 $0x6000, s15;
	s16 =	sand.u32 $0x380, s16  }
0x17c: {  	s16 =	sor.u32 s16, s15;
	s15 =	simm.s32 $0x0  }
0x17d: {  	s25 =	sadd.s32 $0x8280, s16;
	s12 =	sand.u32 $0x1C00, s15  }
0x17e: {  	s26 =	sand.u32 $0x70, s15;
	s12 =	sadd.s32 s12, s25  }
0x17f: {  	s16 =	simm.s32 $0x10;
	s26 =	sadd.s32 s26, s12  }
.LBB2_21:
0x180: {  	p0 =	sne.s32 s16, $0x3F0  }
0x181: {  	[tilespmem:s26+$0x0] =	vst v21;
	s15 =	sadd.s32 $0x80, s15;
	s12 =	smov.u32 s16;
	s16 =	sadd.s32 $0x10, s16  }
.Ltmp15:
0x182: {  	(pc) =	sbr.rel @p0 .LBB2_21-.Ltmp15, $4  }
0x183: {  	_ = 	snop  }
0x184: {  	s26 =	sand.u32 $0x1C00, s15  }
0x185: {  	s12 =	sand.u32 $0x70, s12;
	s26 =	sadd.s32 s26, s25  }
0x186: {  	s26 =	sadd.s32 s12, s26  }
0x187: {  	p0 =	slt.u32 s30, $0x1F  }
.Ltmp16:
0x188: {  	_ = 	snop;
	(pc) =	sbr.rel @p0 .LBB2_20-.Ltmp16, $3  }
0x189: {  	_ =	sdelay $0x1  }
0x18a: {  	s12 =	sadd.s32 $0x1, s30  }
0x18b: {  	[tilespmem:s26+$0x0] =	vst v21;
	s30 =	smov.u32 s12  }
.LBB2_23:
.Ltmp17:
0x18c: {  	(pc) =	sbr.rel .LBB2_24-.Ltmp17, $4  }
0x18d: {  	_ = 	snop  }
0x18e: {  	s12 =	sshll.u32 s29, $0x7  }
0x18f: {  	s12 =	sadd.s32 s3, s12  }
0x190: {  	[hbm4b:s12+s4] =	stream.linear.scatter [tilespmem:s20], [sflag:$0x5], $0x8000, $0x38;
	[tilespmem:$0x1C400] =	vst v63  }
.LBB2_45:
0x191: {  	s12 =	sshll.u32 s29, $0x7  }
0x192: {  	s15 =	sadd.s32 s3, s12;
	s12 =	sand.u32 $0x1FFFF000, s12  }
0x193: {  	[hbm4b:s15+s4] =	stream.linear.scatter [tilespmem:s23], [sflag:$0x5], $0x4000, $0x38;
	[tilespmem:$0x1C400] =	vst v63  }
0x194: {  	s12 =	sadd.s32 s12, s11  }
0x195: {  	[hbm4b:s12+s4] =	stream.linear.scatter [tilespmem:s23], [sflag:$0x5], $0x4000, $0x38;
	[tilespmem:$0x1C400] =	vst v63  }
.LBB2_24:
0x196: {  	v26 =	vld [tilespmem:s10+$0x80];
	_ =	sdelay $0x4  }
0x197: {  	(v2sf) =	vpush v26, $0x0;
	_ =	sdelay $0xe  }
0x198: {  	s26 =	spop (v2sf)  }
0x199: {  	s10 =	ssub.s32 s26, s0  }
0x19a: {  	p0 =	sgt.s32 s10, $0x0  }
0x19b: {  	s10 =	simm.s32 @p0 $0x4  }
0x19c: {  	_ =	swait.ge @p0 [sflag:s10], $0x8000  }
0x19d: {  	[sflag:s10] =	ssyncset.done @p0 $0x0  }
0x19e: {  	[sflag:s10] =	ssyncadd.s32 @p0 $0xFFFF8000;
	s10 =	simm.s32 @!p0 $0x4  }
0x19f: {  	_ =	swait.ge @!p0 [sflag:s10], $0x4000  }
0x1a0: {  	[sflag:s10] =	ssyncset.done @!p0 $0x0  }
0x1a1: {  	[sflag:s10] =	ssyncadd.s32 @!p0 $0xFFFFC000  }
0x1a2: {  	s12 =	sadd.s32 $0x3, s5;
	_ =	swait.ge @!p0 [sflag:s10], $0x4000  }
0x1a3: {  	s5 =	sshll.u32 s12, $0x2;
	[sflag:s10] =	ssyncset.done @!p0 $0x0  }
0x1a4: {  	s5 =	sand.u32 $0x3F0, s5;
	[sflag:s10] =	ssyncadd.s32 @!p0 $0xFFFFC000  }
0x1a5: {  	v26 =	vld [tilespmem:s5+$0x80];
	_ =	sdelay $0x4  }
0x1a6: {  	(v2sf) =	vpush v26, $0x0;
	_ =	sdelay $0xc  }
0x1a7: {  	s29 =	sshll.u32 s12, $0xA  }
0x1a8: {  	s10 =	sand.u32 $0xC00, s29  }
0x1a9: {  	s10 =	sor.u32 s6, s10;
	s30 =	spop (v2sf)  }
0x1aa: {  	s15 =	ssub.s32 s30, s10  }
0x1ab: {  	p0 =	slt.s32 s15, $0x1  }
.Ltmp18:
0x1ac: {  	_ = 	snop;
	(pc) =	sbr.rel @p0 .LBB2_26-.Ltmp18, $1  }
0x1ad: {  	_ =	sdelay $0x3  }
0x1ae: {  	v26 =	vld [tilespmem:s5+$0x180];
	_ =	sdelay $0x4  }
0x1af: {  	(v2sf) =	vpush v26, $0x0;
	_ =	sdelay $0xe  }
0x1b0: {  	s30 =	smin.u32 s15, $0x20;
	s12 =	spop (v2sf)  }
0x1b1: {  	v26 =	vmov s30;
	s10 =	sadd.s32 s10, s12  }
0x1b2: {  	vm4 =	vgt.u32 v26, v1;
	v27 =	vadd.s32 s10, v1  }
0x1b3: {  	v27 =	vnsel vm4, $0x0, v27  }
0x1b4: {  	v28 =	vshll.u32 v27, $0x3  }
0x1b5: {  	v29 =	vand.u32 $0x7, v27;
	v28 =	vand.u32 $0xFFFFFFC0, v28  }
0x1b6: {  	v28 =	vor.u32 v29, v28  }
0x1b7: {  	v29 =	vperm.xlane v28, v23;
	_ =	sdelay $0x1  }
0x1b8: {  	v29 =	vadd.s32 v24, v29;
	_ =	sdelay $0x1  }
0x1b9: {  	vm4 =	vgt.u32 v26, v22;
	v26 =	vadd.s32 s10, v22  }
0x1ba: {  	[tilespmem:$0x18280] =	vst v27;
	v26 =	vnsel vm4, $0x0, v26  }
0x1bb: {  	[tilespmem:$0x18290] =	vst v26  }
0x1bc: {  	[tilespmem:s18], [sflag:$0x1] =	stream.indirect_vreg.gather [hbm4b:s1+s4], $0x80, v29, vm3, $0xb8;
	[tilespmem:$0x1C400] =	vst v63  }
0x1bd: {  	s12 =	simm.s32 $0xA80;
	v26 =	vperm.xlane v28, v25  }
0x1be: {  	[tilespmem:s12], [sflag:$0x1] =	stream.indirect_vreg.gather [hbm4b:s7+s4], $0x80, v29, vm3, $0xb8;
	[tilespmem:$0x1C400] =	vst v63  }
0x1bf: {  	s15 =	simm.s32 $0x1280;
	v26 =	vadd.s32 v24, v26  }
0x1c0: {  	[tilespmem:s15], [sflag:$0x1] =	stream.indirect_vreg.gather [hbm4b:s8+s4], $0x80, v29, vm3, $0xb8;
	[tilespmem:$0x1C400] =	vst v63  }
0x1c1: {  	s16 =	simm.s32 $0x1A80  }
0x1c2: {  	[tilespmem:s16], [sflag:$0x1] =	stream.indirect_vreg.gather [hbm4b:s9+s4], $0x80, v29, vm3, $0xb8;
	[tilespmem:$0x1C400] =	vst v63  }
0x1c3: {  	s25 =	simm.s32 $0x2280  }
0x1c4: {  	[tilespmem:s25], [sflag:$0x1] =	stream.indirect_vreg.gather [hbm4b:s1+s4], $0x80, v26, vm3, $0xb8;
	[tilespmem:$0x1C400] =	vst v63  }
0x1c5: {  	s26 =	simm.s32 $0x2A80  }
0x1c6: {  	[tilespmem:s26], [sflag:$0x1] =	stream.indirect_vreg.gather [hbm4b:s7+s4], $0x80, v26, vm3, $0xb8;
	[tilespmem:$0x1C400] =	vst v63  }
0x1c7: {  	s29 =	simm.s32 $0x3280  }
0x1c8: {  	[tilespmem:s29], [sflag:$0x1] =	stream.indirect_vreg.gather [hbm4b:s8+s4], $0x80, v26, vm3, $0xb8;
	[tilespmem:$0x1C400] =	vst v63  }
0x1c9: {  	s30 =	simm.s32 $0x3A80  }
0x1ca: {  	[tilespmem:s30], [sflag:$0x1] =	stream.indirect_vreg.gather [hbm4b:s9+s4], $0x80, v26, vm3, $0xb8;
	[tilespmem:$0x1C400] =	vst v63  }
0x1cb: {  	v26 =	vld [tilespmem:$0x18290];
	_ =	sdelay $0x4  }
0x1cc: {  	v27 =	vshll.u32 v26, $0x3  }
0x1cd: {  	v26 =	vand.u32 $0x7, v26;
	v27 =	vand.u32 $0xFFFFFFC0, v27  }
0x1ce: {  	v26 =	vor.u32 v26, v27  }
0x1cf: {  	v27 =	vperm.xlane v26, v23;
	_ =	sdelay $0x1  }
0x1d0: {  	v27 =	vadd.s32 v24, v27;
	_ =	sdelay $0x3  }
0x1d1: {  	s10 =	simm.s32 $0x4280  }
0x1d2: {  	[tilespmem:s10], [sflag:$0x1] =	stream.indirect_vreg.gather [hbm4b:s1+s4], $0x80, v27, vm3, $0xb8;
	[tilespmem:$0x1C400] =	vst v63  }
0x1d3: {  	s12 =	simm.s32 $0x4A80;
	v26 =	vperm.xlane v26, v25  }
0x1d4: {  	[tilespmem:s12], [sflag:$0x1] =	stream.indirect_vreg.gather [hbm4b:s7+s4], $0x80, v27, vm3, $0xb8;
	[tilespmem:$0x1C400] =	vst v63  }
0x1d5: {  	s15 =	simm.s32 $0x5280;
	v26 =	vadd.s32 v24, v26  }
0x1d6: {  	[tilespmem:s15], [sflag:$0x1] =	stream.indirect_vreg.gather [hbm4b:s8+s4], $0x80, v27, vm3, $0xb8;
	[tilespmem:$0x1C400] =	vst v63  }
0x1d7: {  	s16 =	simm.s32 $0x5A80  }
0x1d8: {  	[tilespmem:s16], [sflag:$0x1] =	stream.indirect_vreg.gather [hbm4b:s9+s4], $0x80, v27, vm3, $0xb8;
	[tilespmem:$0x1C400] =	vst v63  }
0x1d9: {  	s25 =	simm.s32 $0x6280  }
0x1da: {  	[tilespmem:s25], [sflag:$0x1] =	stream.indirect_vreg.gather [hbm4b:s1+s4], $0x80, v26, vm3, $0xb8;
	[tilespmem:$0x1C400] =	vst v63  }
0x1db: {  	s26 =	simm.s32 $0x6A80  }
0x1dc: {  	[tilespmem:s26], [sflag:$0x1] =	stream.indirect_vreg.gather [hbm4b:s7+s4], $0x80, v26, vm3, $0xb8;
	[tilespmem:$0x1C400] =	vst v63  }
0x1dd: {  	s29 =	simm.s32 $0x7280  }
0x1de: {  	[tilespmem:s29], [sflag:$0x1] =	stream.indirect_vreg.gather [hbm4b:s8+s4], $0x80, v26, vm3, $0xb8;
	[tilespmem:$0x1C400] =	vst v63  }
0x1df: {  	s30 =	simm.s32 $0x7A80  }
0x1e0: {  	[tilespmem:s30], [sflag:$0x1] =	stream.indirect_vreg.gather [hbm4b:s9+s4], $0x80, v26, vm3, $0xb8;
	[tilespmem:$0x1C400] =	vst v63  }
.LBB2_26:
0x1e1: {  	s5 =	sand.u32 $0x3FFFFFF0, s28  }
0x1e2: {  	v26 =	vld [tilespmem:s5+$0x80];
	_ =	sdelay $0x4  }
0x1e3: {  	(v2sf) =	vpush v26, $0x0;
	_ =	sdelay $0xe  }
0x1e4: {  	s30 =	spop (v2sf)  }
0x1e5: {  	s5 =	ssub.s32 s30, s13  }
0x1e6: {  	p0 =	slt.s32 s5, $0x1  }
.Ltmp19:
0x1e7: {  	_ = 	snop;
	(pc) =	sbr.rel @p0 .LBB2_46-.Ltmp19, $3  }
0x1e8: {  	_ =	sdelay $0x1  }
0x1e9: {  	s2 =	sand.u32 $0xFFFFF000, s2  }
0x1ea: {  	s2 =	sor.u32 s2, s13  }
0x1eb: {  	p0 =	sgt.u32 s5, $0x1F  }
.Ltmp20:
0x1ec: {  	_ = 	snop;
	(pc) =	sbr.rel @p0 .LBB2_31-.Ltmp20, $4  }
0x1ed: {  	_ = 	snop  }
0x1ee: {  	_ =	swait.ge [sflag:s21], $0x8000  }
0x1ef: {  	[sflag:s21] =	ssyncset.done $0x0  }
0x1f0: {  	[sflag:s21] =	ssyncadd.s32 $0xFFFF8000  }
.LBB2_28:
0x1f1: {  	s10 =	sshll.u32 s5, $0xA;
	s12 =	sshll.u32 s5, $0x7  }
0x1f2: {  	s10 =	sand.u32 $0x6000, s10;
	s12 =	sand.u32 $0x380, s12  }
0x1f3: {  	s12 =	sor.u32 s12, s10;
	s10 =	simm.s32 $0x0  }
0x1f4: {  	s13 =	sadd.s32 $0x10280, s12;
	s30 =	sand.u32 $0x1C00, s10  }
0x1f5: {  	s16 =	sand.u32 $0x70, s10;
	s12 =	sadd.s32 s30, s13  }
0x1f6: {  	s15 =	simm.s32 $0x10;
	s16 =	sadd.s32 s16, s12  }
.LBB2_29:
0x1f7: {  	p0 =	sne.s32 s15, $0x3F0  }
0x1f8: {  	[tilespmem:s16+$0x0] =	vst v21;
	s10 =	sadd.s32 $0x80, s10;
	s12 =	smov.u32 s15;
	s15 =	sadd.s32 $0x10, s15  }
.Ltmp21:
0x1f9: {  	(pc) =	sbr.rel @p0 .LBB2_29-.Ltmp21, $4  }
0x1fa: {  	_ = 	snop  }
0x1fb: {  	s16 =	sand.u32 $0x1C00, s10  }
0x1fc: {  	s12 =	sand.u32 $0x70, s12;
	s16 =	sadd.s32 s16, s13  }
0x1fd: {  	s16 =	sadd.s32 s12, s16  }
0x1fe: {  	p0 =	slt.u32 s5, $0x1F  }
.Ltmp22:
0x1ff: {  	_ = 	snop;
	(pc) =	sbr.rel @p0 .LBB2_28-.Ltmp22, $3  }
0x200: {  	_ =	sdelay $0x1  }
0x201: {  	s10 =	sadd.s32 $0x1, s5  }
0x202: {  	[tilespmem:s16+$0x0] =	vst v21;
	s5 =	smov.u32 s10  }
.LBB2_31:
.Ltmp23:
0x203: {  	(pc) =	sbr.rel .LBB2_32-.Ltmp23, $4  }
0x204: {  	_ = 	snop  }
0x205: {  	s2 =	sshll.u32 s2, $0x7  }
0x206: {  	s2 =	sadd.s32 s3, s2  }
0x207: {  	[hbm4b:s2+s4] =	stream.linear.scatter [tilespmem:s22], [sflag:$0x6], $0x8000, $0x38;
	[tilespmem:$0x1C400] =	vst v63  }
.LBB2_46:
0x208: {  	s2 =	sshll.u32 s2, $0x7  }
0x209: {  	s5 =	sadd.s32 s3, s2;
	s2 =	sand.u32 $0x1FFFF000, s2  }
0x20a: {  	[hbm4b:s5+s4] =	stream.linear.scatter [tilespmem:s23], [sflag:$0x6], $0x4000, $0x38;
	[tilespmem:$0x1C400] =	vst v63  }
0x20b: {  	s2 =	sadd.s32 s2, s11  }
0x20c: {  	[hbm4b:s2+s4] =	stream.linear.scatter [tilespmem:s23], [sflag:$0x6], $0x4000, $0x38;
	[tilespmem:$0x1C400] =	vst v63  }
.LBB2_32:
0x20d: {  	v26 =	vld [tilespmem:s24+$0x80];
	_ =	sdelay $0x4  }
0x20e: {  	(v2sf) =	vpush v26, $0x0;
	_ =	sdelay $0xe  }
0x20f: {  	s2 =	spop (v2sf)  }
0x210: {  	s2 =	ssub.s32 s2, s14  }
0x211: {  	p0 =	sgt.s32 s2, $0x0  }
0x212: {  	s2 =	simm.s32 @p0 $0x5  }
0x213: {  	_ =	swait.ge @p0 [sflag:s2], $0x8000  }
0x214: {  	[sflag:s2] =	ssyncset.done @p0 $0x0  }
0x215: {  	[sflag:s2] =	ssyncadd.s32 @p0 $0xFFFF8000;
	s2 =	simm.s32 @!p0 $0x5  }
0x216: {  	p1 =	seq.s32 s31, $0x14;
	_ =	swait.ge @!p0 [sflag:s2], $0x4000  }
.Ltmp24:
0x217: {  	[sflag:s2] =	ssyncset.done @!p0 $0x0;
	(pc) =	sbr.rel @p1 .LBB2_36-.Ltmp24, $4  }
0x218: {  	[sflag:s2] =	ssyncadd.s32 @!p0 $0xFFFFC000  }
0x219: {  	_ =	swait.ge @!p0 [sflag:s2], $0x4000  }
0x21a: {  	[sflag:s2] =	ssyncset.done @!p0 $0x0  }
0x21b: {  	[sflag:s2] =	ssyncadd.s32 @!p0 $0xFFFFC000  }
0x21c: {  	s2 =	smul.u32 $0xC, s31;
	_ =	sdelay $0x1  }
0x21d: {  	s2 =	sadd.s32 $0x10, s2  }
0x21e: {  	s2 =	sand.u32 $0x3F0, s2  }
0x21f: {  	v26 =	vld [tilespmem:s2+$0x80];
	_ =	sdelay $0x4  }
0x220: {  	(v2sf) =	vpush v26, $0x0;
	_ =	sdelay $0xe  }
0x221: {  	s5 =	spop (v2sf)  }
0x222: {  	s5 =	ssub.s32 s5, s0  }
0x223: {  	p0 =	slt.s32 s5, $0x1  }
.Ltmp25:
0x224: {  	_ = 	snop;
	(pc) =	sbr.rel @p0 .LBB2_35-.Ltmp25, $1  }
0x225: {  	_ =	sdelay $0x3  }
0x226: {  	v26 =	vld [tilespmem:s2+$0x180];
	_ =	sdelay $0x4  }
0x227: {  	(v2sf) =	vpush v26, $0x0;
	_ =	sdelay $0xe  }
0x228: {  	s28 =	smin.u32 s5, $0x20;
	s29 =	spop (v2sf)  }
0x229: {  	v26 =	vmov s28;
	s0 =	sadd.s32 s0, s29  }
0x22a: {  	vm4 =	vgt.u32 v26, v1;
	v27 =	vadd.s32 s0, v1  }
0x22b: {  	v27 =	vnsel vm4, $0x0, v27  }
0x22c: {  	v28 =	vshll.u32 v27, $0x3  }
0x22d: {  	v29 =	vand.u32 $0x7, v27;
	v28 =	vand.u32 $0xFFFFFFC0, v28  }
0x22e: {  	v28 =	vor.u32 v29, v28  }
0x22f: {  	v29 =	vperm.xlane v28, v23;
	_ =	sdelay $0x1  }
0x230: {  	v29 =	vadd.s32 v24, v29;
	_ =	sdelay $0x1  }
0x231: {  	vm4 =	vgt.u32 v26, v22;
	v26 =	vadd.s32 s0, v22  }
0x232: {  	[tilespmem:$0x18300] =	vst v27;
	v26 =	vnsel vm4, $0x0, v26  }
0x233: {  	[tilespmem:$0x18310] =	vst v26  }
0x234: {  	[tilespmem:s20], [sflag:$0x2] =	stream.indirect_vreg.gather [hbm4b:s1+s4], $0x80, v29, vm3, $0xb8;
	[tilespmem:$0x1C400] =	vst v63  }
0x235: {  	s30 =	simm.s32 $0x8A80;
	v26 =	vperm.xlane v28, v25  }
0x236: {  	[tilespmem:s30], [sflag:$0x2] =	stream.indirect_vreg.gather [hbm4b:s7+s4], $0x80, v29, vm3, $0xb8;
	[tilespmem:$0x1C400] =	vst v63  }
0x237: {  	s2 =	simm.s32 $0x9280;
	v26 =	vadd.s32 v24, v26  }
0x238: {  	[tilespmem:s2], [sflag:$0x2] =	stream.indirect_vreg.gather [hbm4b:s8+s4], $0x80, v29, vm3, $0xb8;
	[tilespmem:$0x1C400] =	vst v63  }
0x239: {  	s5 =	simm.s32 $0x9A80  }
0x23a: {  	[tilespmem:s5], [sflag:$0x2] =	stream.indirect_vreg.gather [hbm4b:s9+s4], $0x80, v29, vm3, $0xb8;
	[tilespmem:$0x1C400] =	vst v63  }
0x23b: {  	s10 =	simm.s32 $0xA280  }
0x23c: {  	[tilespmem:s10], [sflag:$0x2] =	stream.indirect_vreg.gather [hbm4b:s1+s4], $0x80, v26, vm3, $0xb8;
	[tilespmem:$0x1C400] =	vst v63  }
0x23d: {  	s12 =	simm.s32 $0xAA80  }
0x23e: {  	[tilespmem:s12], [sflag:$0x2] =	stream.indirect_vreg.gather [hbm4b:s7+s4], $0x80, v26, vm3, $0xb8;
	[tilespmem:$0x1C400] =	vst v63  }
0x23f: {  	s13 =	simm.s32 $0xB280  }
0x240: {  	[tilespmem:s13], [sflag:$0x2] =	stream.indirect_vreg.gather [hbm4b:s8+s4], $0x80, v26, vm3, $0xb8;
	[tilespmem:$0x1C400] =	vst v63  }
0x241: {  	s14 =	simm.s32 $0xBA80  }
0x242: {  	[tilespmem:s14], [sflag:$0x2] =	stream.indirect_vreg.gather [hbm4b:s9+s4], $0x80, v26, vm3, $0xb8;
	[tilespmem:$0x1C400] =	vst v63  }
0x243: {  	v26 =	vld [tilespmem:$0x18310];
	_ =	sdelay $0x4  }
0x244: {  	v27 =	vshll.u32 v26, $0x3  }
0x245: {  	v26 =	vand.u32 $0x7, v26;
	v27 =	vand.u32 $0xFFFFFFC0, v27  }
0x246: {  	v26 =	vor.u32 v26, v27  }
0x247: {  	v27 =	vperm.xlane v26, v23;
	_ =	sdelay $0x1  }
0x248: {  	v27 =	vadd.s32 v24, v27;
	_ =	sdelay $0x3  }
0x249: {  	s15 =	simm.s32 $0xC280  }
0x24a: {  	[tilespmem:s15], [sflag:$0x2] =	stream.indirect_vreg.gather [hbm4b:s1+s4], $0x80, v27, vm3, $0xb8;
	[tilespmem:$0x1C400] =	vst v63  }
0x24b: {  	s16 =	simm.s32 $0xCA80;
	v26 =	vperm.xlane v26, v25  }
0x24c: {  	[tilespmem:s16], [sflag:$0x2] =	stream.indirect_vreg.gather [hbm4b:s7+s4], $0x80, v27, vm3, $0xb8;
	[tilespmem:$0x1C400] =	vst v63  }
0x24d: {  	s24 =	simm.s32 $0xD280;
	v26 =	vadd.s32 v24, v26  }
0x24e: {  	[tilespmem:s24], [sflag:$0x2] =	stream.indirect_vreg.gather [hbm4b:s8+s4], $0x80, v27, vm3, $0xb8;
	[tilespmem:$0x1C400] =	vst v63  }
0x24f: {  	s25 =	simm.s32 $0xDA80  }
0x250: {  	[tilespmem:s25], [sflag:$0x2] =	stream.indirect_vreg.gather [hbm4b:s9+s4], $0x80, v27, vm3, $0xb8;
	[tilespmem:$0x1C400] =	vst v63  }
0x251: {  	s26 =	simm.s32 $0xE280  }
0x252: {  	[tilespmem:s26], [sflag:$0x2] =	stream.indirect_vreg.gather [hbm4b:s1+s4], $0x80, v26, vm3, $0xb8;
	[tilespmem:$0x1C400] =	vst v63  }
0x253: {  	s28 =	simm.s32 $0xEA80  }
0x254: {  	[tilespmem:s28], [sflag:$0x2] =	stream.indirect_vreg.gather [hbm4b:s7+s4], $0x80, v26, vm3, $0xb8;
	[tilespmem:$0x1C400] =	vst v63  }
.Ltmp26:
0x255: {  	_ = 	snop;
	(pc) =	sbr.rel .LBB2_35-.Ltmp26, $4  }
0x256: {  	s29 =	simm.s32 $0xF280  }
0x257: {  	[tilespmem:s29], [sflag:$0x2] =	stream.indirect_vreg.gather [hbm4b:s8+s4], $0x80, v26, vm3, $0xb8;
	[tilespmem:$0x1C400] =	vst v63  }
0x258: {  	s30 =	simm.s32 $0xFA80  }
0x259: {  	[tilespmem:s30], [sflag:$0x2] =	stream.indirect_vreg.gather [hbm4b:s9+s4], $0x80, v26, vm3, $0xb8;
	[tilespmem:$0x1C400] =	vst v63  }
.LBB2_36:
0x25a: {  	v26 =	vld [tilespmem:$0x170];
	_ =	sdelay $0x4  }
0x25b: {  	(v2sf) =	vpush v26, $0x0;
	_ =	sdelay $0xe  }
0x25c: {  	s16 =	rddreg [dreg:$0x5];
	s0 =	spop (v2sf)  }
0x25d: {  	s0 =	ssub.s32 s0, s16  }
0x25e: {  	p0 =	slt.s32 s0, $0x1  }
.Ltmp27:
0x25f: {  	_ = 	snop;
	(pc) =	sbr.rel @p0 .LBB2_47-.Ltmp27, $1  }
0x260: {  	_ =	sdelay $0x3  }
0x261: {  	p0 =	sgt.u32 s0, $0x1F  }
.Ltmp28:
0x262: {  	_ = 	snop;
	(pc) =	sbr.rel @p0 .LBB2_41-.Ltmp28, $4  }
0x263: {  	_ = 	snop  }
0x264: {  	_ =	swait.ge [sflag:s17], $0x8000  }
0x265: {  	[sflag:s17] =	ssyncset.done $0x0  }
0x266: {  	s24 =	rddreg [dreg:$0x9];
	[sflag:s17] =	ssyncadd.s32 $0xFFFF8000  }
.LBB2_38:
0x267: {  	s2 =	sshll.u32 s0, $0xA;
	s5 =	sshll.u32 s0, $0x7  }
0x268: {  	s2 =	sand.u32 $0x6000, s2;
	s5 =	sand.u32 $0x380, s5  }
0x269: {  	s5 =	sor.u32 s5, s2;
	s2 =	simm.s32 $0x0  }
0x26a: {  	s5 =	sadd.s32 $0x280, s5;
	s10 =	sand.u32 $0x1C00, s2  }
0x26b: {  	s12 =	sand.u32 $0x70, s2;
	s13 =	sadd.s32 s10, s5  }
0x26c: {  	s10 =	simm.s32 $0x10;
	s13 =	sadd.s32 s12, s13  }
.LBB2_39:
0x26d: {  	p0 =	sne.s32 s10, $0x3F0  }
0x26e: {  	[tilespmem:s13+$0x0] =	vst v21;
	s2 =	sadd.s32 $0x80, s2;
	s12 =	smov.u32 s10;
	s10 =	sadd.s32 $0x10, s10  }
.Ltmp29:
0x26f: {  	(pc) =	sbr.rel @p0 .LBB2_39-.Ltmp29, $4  }
0x270: {  	_ = 	snop  }
0x271: {  	s13 =	sand.u32 $0x1C00, s2  }
0x272: {  	s12 =	sand.u32 $0x70, s12;
	s13 =	sadd.s32 s13, s5  }
0x273: {  	s13 =	sadd.s32 s12, s13  }
0x274: {  	s0 =	sadd.s32 $0x1, s0  }
0x275: {  	p0 =	seq.s32 s0, $0x20  }
.Ltmp30:
0x276: {  	_ = 	snop;
	(pc) =	sbr.rel @!p0 .LBB2_38-.Ltmp30, $4  }
.Ltmp31:
0x277: {  	_ = 	snop;
	(pc) =	sbr.rel @p0 .LBB2_41-.Ltmp31, $4  }
0x278: {  	_ = 	snop  }
0x279: {  	_ = 	snop  }
0x27a: {  	[tilespmem:s13+$0x0] =	vst v21  }
0x27b: {  	_ = 	snop  }
.LBB2_47:
.Ltmp32:
0x27c: {  	s0 =	rddreg [dreg:$0x6];
	(pc) =	sbr.rel .LBB2_42-.Ltmp32, $4  }
0x27d: {  	s31 =	rddreg [dreg:$0x7]  }
0x27e: {  	[hbm4b:s0+s4] =	stream.linear.scatter [tilespmem:s23], [sflag:$0x4], $0x4000, $0x38;
	[tilespmem:$0x1C400] =	vst v63  }
0x27f: {  	s24 =	rddreg [dreg:$0x9]  }
0x280: {  	[hbm4b:s31+s4] =	stream.linear.scatter [tilespmem:s23], [sflag:$0x4], $0x4000, $0x38;
	[tilespmem:$0x1C400] =	vst v63  }
.LBB2_43:
0x281: {  	_ =	sfence.sel $0x180000  }
0x282: {  	[bflag:$0x0] =	sbarrier.arrive $0xFFFF  }
0x283: {  	_ =	strace $0x90000047  }
0x284: {  	s0 =	stileid.u32;
	[bflag:$0x2] =	sbarrier.arrive $0xFFFF  }
0x285: {  	p0 =	sne.s32 s0, $0x0;
	s0 =	rddreg [dreg:$0x3]  }
0x286: {  	s0 =	sadd.s32 @!p0 $0x100000, s0  }
0x287: {  	[sflag:s0] =	ssyncadd.tile.s32 @!p0 $0x1;
	_ =	shalt  }
.Lfunc_end2:
_tile_overlayer_lowered:
.L_overlay_start_2:
0x288: {  	(tag) =	ssettag $0x2  }
0x289: {  	s0 =	rddreg [dreg:$0x0];
	s2 =	stileid.u32  }
0x28a: {  	s1 =	rddreg [dreg:$0x1];
	p0 =	sne.s32 s2, $0x0  }
0x28b: {  	s3 =	rddreg [dreg:$0x2];
	[bflag:$0x3] =	sbarrier.arrive $0xFFFF;
	s2 =	simm.s32 @!p0 $0x1C07  }
0x28c: {  	[timem:s3], [sflag:s2] =	dma.local @!p0 [hbm:s0], s1  }
0x28d: {  	s0 =	simm.s32 @!p0 $0x7  }
0x28e: {  	_ =	swait.ge @!p0 [sflag:s0], s1  }
0x28f: {  	s1 =	ssub.s32 @!p0 $0x0, s1;
	[sflag:s0] =	ssyncset.done @!p0 $0x0  }
0x290: {  	[sflag:s0] =	ssyncadd.s32 @!p0 s1  }
0x291: {  	[bflag:$0x3] =	sbarrier.arrive $0xFFFF  }
0x292: {  	_ =	shalt  }

</sc_bundles>
